<compile_context>
chip_gen: v7x
topology: tpu7x:2x2x1
jax: 0.10.2.dev20260603
libtpu: 0.0.44.dev20260713+nightly
codegen_flags: <defaults>
</compile_context>

<pallas_src>
import jax
import jax.numpy as jnp
from jax import lax
from jax.experimental import pallas as pl
from jax.experimental.pallas import tpu as pltpu
from jax.experimental.pallas import tpu_sc as plsc

NC = 2
NS = 16
NW = NC * NS

N_TOKENS = 1048576
DIM = 64
BATCH = 16
SEG = N_TOKENS // BATCH
TOK_PER_W = N_TOKENS // NW
CHUNK = 128
NCHUNK = TOK_PER_W // CHUNK
NBUF = 8
ROWS_PER_STEP = 4

TCOLS = 32768
LASTB = (1000000 - 1) // (TCOLS // 2)


def _transpose_body(t0_ref, t1_ref, out_ref):
    out_ref[:, 0:DIM] = lax.transpose(t0_ref[...], (1, 0))
    out_ref[:, DIM:2 * DIM] = lax.transpose(t1_ref[...], (1, 0))


def _depad_table(tt):
    nrows = tt.shape[1]
    half = TCOLS // 2
    nblk = (nrows + TCOLS - 1) // TCOLS
    return pl.pallas_call(
        _transpose_body,
        grid=(nblk,),
        in_specs=[pl.BlockSpec((DIM, half),
                               lambda j: (0, jnp.minimum(2 * j, LASTB))),
                  pl.BlockSpec((DIM, half),
                               lambda j: (0, jnp.minimum(2 * j + 1, LASTB)))],
        out_specs=pl.BlockSpec((half, 2 * DIM), lambda j: (j, 0)),
        out_shape=jax.ShapeDtypeStruct((nblk * half, 2 * DIM), jnp.float32),
    )(tt, tt)


def _remap_indices(text):
    half = TCOLS // 2
    return (2 * (half * (text // TCOLS) + text % half)
            + (text // half) % 2)


def _sc_body(text_h, table_h, part_h, idx_v, rows_v, acc_v, *sems):
    wid = lax.axis_index("s") * NC + lax.axis_index("c")

    pltpu.sync_copy(text_h.at[wid], idx_v)

    for b in range(NBUF):
        pltpu.async_copy(table_h.at[idx_v.at[b]], rows_v.at[b], sems[b])

    def accum_chunk(b, acc):
        rv = rows_v.at[b]

        def inner(k, acc):
            a0, a1, a2, a3 = acc
            base = k * ROWS_PER_STEP
            for r in range(ROWS_PER_STEP):
                row = base + r
                a0 = a0 + rv[row, pl.ds(0, 16)]
                a1 = a1 + rv[row, pl.ds(16, 16)]
                a2 = a2 + rv[row, pl.ds(32, 16)]
                a3 = a3 + rv[row, pl.ds(48, 16)]
            return (a0, a1, a2, a3)

        return lax.fori_loop(0, CHUNK // ROWS_PER_STEP, inner, acc)

    def outer(i, acc):
        for b in range(NBUF):
            j = i * NBUF + b
            pltpu.make_async_copy(
                table_h.at[idx_v.at[j]], rows_v.at[b], sems[b]).wait()
            acc = accum_chunk(b, acc)

            @pl.when(j + NBUF < NCHUNK)
            def _():
                pltpu.async_copy(
                    table_h.at[idx_v.at[j + NBUF]], rows_v.at[b], sems[b])
        return acc

    zeros = jnp.zeros((16,), jnp.float32)
    a0, a1, a2, a3 = lax.fori_loop(
        0, NCHUNK // NBUF, outer, (zeros, zeros, zeros, zeros))

    acc_v[pl.ds(0, 16)] = a0
    acc_v[pl.ds(16, 16)] = a1
    acc_v[pl.ds(32, 16)] = a2
    acc_v[pl.ds(48, 16)] = a3

    seg = wid // 2
    half = wid % 2
    pltpu.sync_copy(acc_v, part_h.at[half * BATCH + seg])


@jax.jit
def _sc_partial_sums(text3, table):
    mesh = plsc.VectorSubcoreMesh(
        core_axis_name="c", subcore_axis_name="s",
        num_cores=NC, num_subcores=NS)
    fn = pl.kernel(
        _sc_body,
        out_type=jax.ShapeDtypeStruct((NW, DIM), jnp.float32),
        mesh=mesh,
        scratch_types=[
            pltpu.VMEM((NCHUNK, CHUNK), jnp.int32),
            pltpu.VMEM((NBUF, CHUNK, DIM), jnp.float32),
            pltpu.VMEM((DIM,), jnp.float32),
        ] + [pltpu.SemaphoreType.DMA] * NBUF,
        compiler_params=pltpu.CompilerParams(use_tc_tiling_on_sc=False),
    )
    return fn(text3, table)


def _mlp_body(part_ref, w1t_ref, b1_ref, w2t_ref, b2_ref, out_ref):
    p = part_ref[...]
    pooled = (p[0] + p[1]) * (1.0 / SEG)
    h = lax.dot_general(pooled, w1t_ref[...], (((1,), (0,)), ((), ())),
                        preferred_element_type=jnp.float32)
    h = jnp.maximum(h + b1_ref[...], 0.0)
    o = lax.dot_general(h, w2t_ref[...], (((1,), (0,)), ((), ())),
                        preferred_element_type=jnp.float32)
    out_ref[...] = o + b2_ref[...]


def _mlp_call(part, w1t, b1, w2t, b2):
    return pl.pallas_call(
        _mlp_body,
        out_shape=jax.ShapeDtypeStruct((BATCH, w2t.shape[1]), jnp.float32),
    )(part, w1t, b1, w2t, b2)


def kernel(text, table, W1, b1, W2, b2):
    table_lin = _depad_table(table.T)
    table_lin = table_lin.reshape(table_lin.shape[0] * 2, DIM)
    text3 = _remap_indices(text).reshape(NW, NCHUNK, CHUNK)
    part = _sc_partial_sums(text3, table_lin)
    part = part.reshape(2, BATCH, DIM)
    return _mlp_call(part, W1.T, b1.reshape(1, -1), W2.T, b2.reshape(1, -1))

# --- scband reference (transcript-rebuilt; emitter-appended) ---
"""Pipeline reference for scband-text-likes-67980742361670 (READ-ONLY COPY).

The authoritative reference and input builder live on the scoring server;
editing this copy changes nothing except your own understanding.
"""

import jax, jax.numpy as jnp
import numpy as np

VOCAB = 1000000
DIM = 64
NCLASS = 10
BATCH = 16
N_TOKENS = 1048576


def setup_inputs(seed: int = 0) -> dict:
    key = jax.random.key(seed)
    k_text, k_tab, k_w1, k_w2 = jax.random.split(key, 4)
    text = jax.random.randint(k_text, (N_TOKENS,), 0, VOCAB, dtype=jnp.int32)
    initrange = 0.5
    table = jax.random.uniform(k_tab, (VOCAB, DIM), minval=-initrange, maxval=initrange, dtype=jnp.float32)
    W1 = jax.random.uniform(k_w1, (60, DIM), minval=-initrange, maxval=initrange, dtype=jnp.float32)
    b1 = jnp.zeros((60,), dtype=jnp.float32)
    W2 = jax.random.uniform(k_w2, (NCLASS, 60), minval=-initrange, maxval=initrange, dtype=jnp.float32)
    b2 = jnp.zeros((NCLASS,), dtype=jnp.float32)
    return {"text": text, "table": table, "W1": W1, "b1": b1, "W2": W2, "b2": b2}


def reference(text, table, W1, b1, W2, b2):
    # embedding lookup (gather)
    embedded = jnp.take(table, text, axis=0)  # [N, DIM]
    n = embedded.shape[0]
    c = n // BATCH
    embedded = embedded[: BATCH * c]  # [BATCH*c, DIM]
    # torch: transpose(1,0).unsqueeze(0) -> [1, DIM, BATCH*c]; avg_pool1d(kernel=c, stride=c) -> [1, DIM, BATCH]
    # equivalent: block-mean over contiguous chunks of length c
    pooled = embedded.reshape(BATCH, c, DIM).mean(axis=1)  # [BATCH, DIM]
    h = jax.nn.relu(pooled @ W1.T + b1)
    out = h @ W2.T + b2
    return out

if __name__ == "__main__":
    import jax
    _d = setup_inputs()
    print(jax.jit(kernel)(*tuple(_d.values())))

</pallas_src>

<mosaic_0001>
#map = affine_map<(d0, d1) -> (0, 0, 0)>
#map1 = affine_map<(d0, d1) -> (0, 0)>
module attributes {stable_mosaic.version = 14 : i64} {
  func.func @_sc_body(%arg0: i32, %arg1: i32, %arg2: memref<32x256x128xi32, #tpu.memory_space<hbm>>, %arg3: memref<1015808x64xf32, #tpu.memory_space<hbm>>, %arg4: memref<32x64xf32, #tpu.memory_space<hbm>>, %arg5: memref<256x128xi32, #tpu.memory_space<vmem>>, %arg6: memref<8x128x64xf32, #tpu.memory_space<vmem>>, %arg7: memref<64xf32, #tpu.memory_space<vmem>>, %arg8: memref<!tpu.dma_semaphore, #tpu.memory_space<semaphore_mem>>, %arg9: memref<!tpu.dma_semaphore, #tpu.memory_space<semaphore_mem>>, %arg10: memref<!tpu.dma_semaphore, #tpu.memory_space<semaphore_mem>>, %arg11: memref<!tpu.dma_semaphore, #tpu.memory_space<semaphore_mem>>, %arg12: memref<!tpu.dma_semaphore, #tpu.memory_space<semaphore_mem>>, %arg13: memref<!tpu.dma_semaphore, #tpu.memory_space<semaphore_mem>>, %arg14: memref<!tpu.dma_semaphore, #tpu.memory_space<semaphore_mem>>, %arg15: memref<!tpu.dma_semaphore, #tpu.memory_space<semaphore_mem>>) attributes {dimension_semantics = [#tpu.dimension_semantics<core_parallel>, #tpu.dimension_semantics<subcore_parallel>], iteration_bounds = array<i64: 2, 16>, scalar_prefetch = 0 : i64, scratch_operands = 11 : i64, tpu.core_type = #tpu.core_type<sc_vector_subcore>, window_params = [{transform_indices = #map}, {transform_indices = #map1}, {transform_indices = #map1}]} {
    %mul3A = arith.constant 2 : i32
    %mul3A_0 = arith.muli %arg1, %mul3A : i32
    %add3A = arith.addi %mul3A_0, %arg0 : i32
    "tpu.region"() ({
      %run_scoped3A = tpu.sem_alloc : memref<!tpu.dma_semaphore, #tpu.memory_space<semaphore_mem>>
      %dma_start3A_150 = arith.constant 0 : i32
      %dma_start3A_151 = arith.constant 0 : i32
      %dma_start3A_152 = tpu.memref_slice %arg2[%add3A, %dma_start3A_150, %dma_start3A_151] : memref<32x256x128xi32, #tpu.memory_space<hbm>> -> memref<1x256x128xi32, #tpu.memory_space<hbm>>
      %dma_start3A_153 = tpu.memref_squeeze %dma_start3A_152 : memref<1x256x128xi32, #tpu.memory_space<hbm>> -> memref<256x128xi32, #tpu.memory_space<hbm>>
      %dma_start3A_154 = arith.constant 0 : i32
      %dma_start3A_155 = arith.constant 0 : i32
      %dma_start3A_156 = tpu.memref_slice %arg2[%add3A, %dma_start3A_154, %dma_start3A_155] : memref<32x256x128xi32, #tpu.memory_space<hbm>> -> memref<1x256x128xi32, #tpu.memory_space<hbm>>
      %dma_start3A_157 = tpu.memref_squeeze %dma_start3A_156 : memref<1x256x128xi32, #tpu.memory_space<hbm>> -> memref<256x128xi32, #tpu.memory_space<hbm>>
      tpu.enqueue_dma source(%dma_start3A_157 : memref<256x128xi32, #tpu.memory_space<hbm>>) target(%arg5 : memref<256x128xi32, #tpu.memory_space<vmem>>) target_semaphore(%run_scoped3A : memref<!tpu.dma_semaphore, #tpu.memory_space<semaphore_mem>>)
      %dma_wait3A = arith.constant 0 : i32
      %dma_wait3A_158 = arith.constant 0 : i32
      %dma_wait3A_159 = tpu.memref_slice %arg2[%add3A, %dma_wait3A, %dma_wait3A_158] : memref<32x256x128xi32, #tpu.memory_space<hbm>> -> memref<1x256x128xi32, #tpu.memory_space<hbm>>
      %dma_wait3A_160 = tpu.memref_squeeze %dma_wait3A_159 : memref<1x256x128xi32, #tpu.memory_space<hbm>> -> memref<256x128xi32, #tpu.memory_space<hbm>>
      %dma_wait3A_161 = arith.constant 0 : i32
      %dma_wait3A_162 = arith.constant 0 : i32
      %dma_wait3A_163 = tpu.memref_slice %arg2[%add3A, %dma_wait3A_161, %dma_wait3A_162] : memref<32x256x128xi32, #tpu.memory_space<hbm>> -> memref<1x256x128xi32, #tpu.memory_space<hbm>>
      %dma_wait3A_164 = tpu.memref_squeeze %dma_wait3A_163 : memref<1x256x128xi32, #tpu.memory_space<hbm>> -> memref<256x128xi32, #tpu.memory_space<hbm>>
      tpu.wait_dma2 semaphore(%run_scoped3A : memref<!tpu.dma_semaphore, #tpu.memory_space<semaphore_mem>>) src(%dma_wait3A_164 : memref<256x128xi32, #tpu.memory_space<hbm>>) dst(%arg5 : memref<256x128xi32, #tpu.memory_space<vmem>>)
      tpu.yield
    }) : () -> ()
    %dma_start3A = arith.constant 0 : i32
    %dma_start3A_1 = arith.constant 0 : i32
    %dma_start3A_2 = arith.constant 0 : i32
    %dma_start3A_3 = arith.constant 0 : i32
    %dma_start3A_4 = tpu.memref_slice %arg6[%dma_start3A_1, %dma_start3A_2, %dma_start3A_3] : memref<8x128x64xf32, #tpu.memory_space<vmem>> -> memref<1x128x64xf32, #tpu.memory_space<vmem>>
    %dma_start3A_5 = tpu.memref_squeeze %dma_start3A_4 : memref<1x128x64xf32, #tpu.memory_space<vmem>> -> memref<128x64xf32, #tpu.memory_space<vmem>>
    %dma_start3A_6 = arith.constant 0 : i32
    %dma_start3A_7 = tpu.memref_slice %arg5[%dma_start3A, %dma_start3A_6] : memref<256x128xi32, #tpu.memory_space<vmem>> -> memref<1x128xi32, #tpu.memory_space<vmem>>
    %dma_start3A_8 = tpu.memref_squeeze %dma_start3A_7 : memref<1x128xi32, #tpu.memory_space<vmem>> -> memref<128xi32, #tpu.memory_space<vmem>>
    %dma_start3A_9 = arith.constant 0 : i32
    %dma_start3A_10 = arith.constant 0 : i32
    %dma_start3A_11 = tpu.memref_slice %arg3[%dma_start3A_9, %dma_start3A_10] : memref<1015808x64xf32, #tpu.memory_space<hbm>> -> memref<1015808x64xf32, #tpu.memory_space<hbm>>
    tpu.enqueue_indirect_dma source(%dma_start3A_11 : memref<1015808x64xf32, #tpu.memory_space<hbm>>) target(%dma_start3A_5 : memref<128x64xf32, #tpu.memory_space<vmem>>) offsets(%dma_start3A_8 : memref<128xi32, #tpu.memory_space<vmem>>) semaphore(%arg8 : memref<!tpu.dma_semaphore, #tpu.memory_space<semaphore_mem>>)
    %dma_start3A_12 = arith.constant 1 : i32
    %dma_start3A_13 = arith.constant 1 : i32
    %dma_start3A_14 = arith.constant 0 : i32
    %dma_start3A_15 = arith.constant 0 : i32
    %dma_start3A_16 = tpu.memref_slice %arg6[%dma_start3A_13, %dma_start3A_14, %dma_start3A_15] : memref<8x128x64xf32, #tpu.memory_space<vmem>> -> memref<1x128x64xf32, #tpu.memory_space<vmem>>
    %dma_start3A_17 = tpu.memref_squeeze %dma_start3A_16 : memref<1x128x64xf32, #tpu.memory_space<vmem>> -> memref<128x64xf32, #tpu.memory_space<vmem>>
    %dma_start3A_18 = arith.constant 0 : i32
    %dma_start3A_19 = tpu.memref_slice %arg5[%dma_start3A_12, %dma_start3A_18] : memref<256x128xi32, #tpu.memory_space<vmem>> -> memref<1x128xi32, #tpu.memory_space<vmem>>
    %dma_start3A_20 = tpu.memref_squeeze %dma_start3A_19 : memref<1x128xi32, #tpu.memory_space<vmem>> -> memref<128xi32, #tpu.memory_space<vmem>>
    %dma_start3A_21 = arith.constant 0 : i32
    %dma_start3A_22 = arith.constant 0 : i32
    %dma_start3A_23 = tpu.memref_slice %arg3[%dma_start3A_21, %dma_start3A_22] : memref<1015808x64xf32, #tpu.memory_space<hbm>> -> memref<1015808x64xf32, #tpu.memory_space<hbm>>
    tpu.enqueue_indirect_dma source(%dma_start3A_23 : memref<1015808x64xf32, #tpu.memory_space<hbm>>) target(%dma_start3A_17 : memref<128x64xf32, #tpu.memory_space<vmem>>) offsets(%dma_start3A_20 : memref<128xi32, #tpu.memory_space<vmem>>) semaphore(%arg9 : memref<!tpu.dma_semaphore, #tpu.memory_space<semaphore_mem>>)
    %dma_start3A_24 = arith.constant 2 : i32
    %dma_start3A_25 = arith.constant 2 : i32
    %dma_start3A_26 = arith.constant 0 : i32
    %dma_start3A_27 = arith.constant 0 : i32
    %dma_start3A_28 = tpu.memref_slice %arg6[%dma_start3A_25, %dma_start3A_26, %dma_start3A_27] : memref<8x128x64xf32, #tpu.memory_space<vmem>> -> memref<1x128x64xf32, #tpu.memory_space<vmem>>
    %dma_start3A_29 = tpu.memref_squeeze %dma_start3A_28 : memref<1x128x64xf32, #tpu.memory_space<vmem>> -> memref<128x64xf32, #tpu.memory_space<vmem>>
    %dma_start3A_30 = arith.constant 0 : i32
    %dma_start3A_31 = tpu.memref_slice %arg5[%dma_start3A_24, %dma_start3A_30] : memref<256x128xi32, #tpu.memory_space<vmem>> -> memref<1x128xi32, #tpu.memory_space<vmem>>
    %dma_start3A_32 = tpu.memref_squeeze %dma_start3A_31 : memref<1x128xi32, #tpu.memory_space<vmem>> -> memref<128xi32, #tpu.memory_space<vmem>>
    %dma_start3A_33 = arith.constant 0 : i32
    %dma_start3A_34 = arith.constant 0 : i32
    %dma_start3A_35 = tpu.memref_slice %arg3[%dma_start3A_33, %dma_start3A_34] : memref<1015808x64xf32, #tpu.memory_space<hbm>> -> memref<1015808x64xf32, #tpu.memory_space<hbm>>
    tpu.enqueue_indirect_dma source(%dma_start3A_35 : memref<1015808x64xf32, #tpu.memory_space<hbm>>) target(%dma_start3A_29 : memref<128x64xf32, #tpu.memory_space<vmem>>) offsets(%dma_start3A_32 : memref<128xi32, #tpu.memory_space<vmem>>) semaphore(%arg10 : memref<!tpu.dma_semaphore, #tpu.memory_space<semaphore_mem>>)
    %dma_start3A_36 = arith.constant 3 : i32
    %dma_start3A_37 = arith.constant 3 : i32
    %dma_start3A_38 = arith.constant 0 : i32
    %dma_start3A_39 = arith.constant 0 : i32
    %dma_start3A_40 = tpu.memref_slice %arg6[%dma_start3A_37, %dma_start3A_38, %dma_start3A_39] : memref<8x128x64xf32, #tpu.memory_space<vmem>> -> memref<1x128x64xf32, #tpu.memory_space<vmem>>
    %dma_start3A_41 = tpu.memref_squeeze %dma_start3A_40 : memref<1x128x64xf32, #tpu.memory_space<vmem>> -> memref<128x64xf32, #tpu.memory_space<vmem>>
    %dma_start3A_42 = arith.constant 0 : i32
    %dma_start3A_43 = tpu.memref_slice %arg5[%dma_start3A_36, %dma_start3A_42] : memref<256x128xi32, #tpu.memory_space<vmem>> -> memref<1x128xi32, #tpu.memory_space<vmem>>
    %dma_start3A_44 = tpu.memref_squeeze %dma_start3A_43 : memref<1x128xi32, #tpu.memory_space<vmem>> -> memref<128xi32, #tpu.memory_space<vmem>>
    %dma_start3A_45 = arith.constant 0 : i32
    %dma_start3A_46 = arith.constant 0 : i32
    %dma_start3A_47 = tpu.memref_slice %arg3[%dma_start3A_45, %dma_start3A_46] : memref<1015808x64xf32, #tpu.memory_space<hbm>> -> memref<1015808x64xf32, #tpu.memory_space<hbm>>
    tpu.enqueue_indirect_dma source(%dma_start3A_47 : memref<1015808x64xf32, #tpu.memory_space<hbm>>) target(%dma_start3A_41 : memref<128x64xf32, #tpu.memory_space<vmem>>) offsets(%dma_start3A_44 : memref<128xi32, #tpu.memory_space<vmem>>) semaphore(%arg11 : memref<!tpu.dma_semaphore, #tpu.memory_space<semaphore_mem>>)
    %dma_start3A_48 = arith.constant 4 : i32
    %dma_start3A_49 = arith.constant 4 : i32
    %dma_start3A_50 = arith.constant 0 : i32
    %dma_start3A_51 = arith.constant 0 : i32
    %dma_start3A_52 = tpu.memref_slice %arg6[%dma_start3A_49, %dma_start3A_50, %dma_start3A_51] : memref<8x128x64xf32, #tpu.memory_space<vmem>> -> memref<1x128x64xf32, #tpu.memory_space<vmem>>
    %dma_start3A_53 = tpu.memref_squeeze %dma_start3A_52 : memref<1x128x64xf32, #tpu.memory_space<vmem>> -> memref<128x64xf32, #tpu.memory_space<vmem>>
    %dma_start3A_54 = arith.constant 0 : i32
    %dma_start3A_55 = tpu.memref_slice %arg5[%dma_start3A_48, %dma_start3A_54] : memref<256x128xi32, #tpu.memory_space<vmem>> -> memref<1x128xi32, #tpu.memory_space<vmem>>
    %dma_start3A_56 = tpu.memref_squeeze %dma_start3A_55 : memref<1x128xi32, #tpu.memory_space<vmem>> -> memref<128xi32, #tpu.memory_space<vmem>>
    %dma_start3A_57 = arith.constant 0 : i32
    %dma_start3A_58 = arith.constant 0 : i32
    %dma_start3A_59 = tpu.memref_slice %arg3[%dma_start3A_57, %dma_start3A_58] : memref<1015808x64xf32, #tpu.memory_space<hbm>> -> memref<1015808x64xf32, #tpu.memory_space<hbm>>
    tpu.enqueue_indirect_dma source(%dma_start3A_59 : memref<1015808x64xf32, #tpu.memory_space<hbm>>) target(%dma_start3A_53 : memref<128x64xf32, #tpu.memory_space<vmem>>) offsets(%dma_start3A_56 : memref<128xi32, #tpu.memory_space<vmem>>) semaphore(%arg12 : memref<!tpu.dma_semaphore, #tpu.memory_space<semaphore_mem>>)
    %dma_start3A_60 = arith.constant 5 : i32
    %dma_start3A_61 = arith.constant 5 : i32
    %dma_start3A_62 = arith.constant 0 : i32
    %dma_start3A_63 = arith.constant 0 : i32
    %dma_start3A_64 = tpu.memref_slice %arg6[%dma_start3A_61, %dma_start3A_62, %dma_start3A_63] : memref<8x128x64xf32, #tpu.memory_space<vmem>> -> memref<1x128x64xf32, #tpu.memory_space<vmem>>
    %dma_start3A_65 = tpu.memref_squeeze %dma_start3A_64 : memref<1x128x64xf32, #tpu.memory_space<vmem>> -> memref<128x64xf32, #tpu.memory_space<vmem>>
    %dma_start3A_66 = arith.constant 0 : i32
    %dma_start3A_67 = tpu.memref_slice %arg5[%dma_start3A_60, %dma_start3A_66] : memref<256x128xi32, #tpu.memory_space<vmem>> -> memref<1x128xi32, #tpu.memory_space<vmem>>
    %dma_start3A_68 = tpu.memref_squeeze %dma_start3A_67 : memref<1x128xi32, #tpu.memory_space<vmem>> -> memref<128xi32, #tpu.memory_space<vmem>>
    %dma_start3A_69 = arith.constant 0 : i32
    %dma_start3A_70 = arith.constant 0 : i32
    %dma_start3A_71 = tpu.memref_slice %arg3[%dma_start3A_69, %dma_start3A_70] : memref<1015808x64xf32, #tpu.memory_space<hbm>> -> memref<1015808x64xf32, #tpu.memory_space<hbm>>
    tpu.enqueue_indirect_dma source(%dma_start3A_71 : memref<1015808x64xf32, #tpu.memory_space<hbm>>) target(%dma_start3A_65 : memref<128x64xf32, #tpu.memory_space<vmem>>) offsets(%dma_start3A_68 : memref<128xi32, #tpu.memory_space<vmem>>) semaphore(%arg13 : memref<!tpu.dma_semaphore, #tpu.memory_space<semaphore_mem>>)
    %dma_start3A_72 = arith.constant 6 : i32
    %dma_start3A_73 = arith.constant 6 : i32
    %dma_start3A_74 = arith.constant 0 : i32
    %dma_start3A_75 = arith.constant 0 : i32
    %dma_start3A_76 = tpu.memref_slice %arg6[%dma_start3A_73, %dma_start3A_74, %dma_start3A_75] : memref<8x128x64xf32, #tpu.memory_space<vmem>> -> memref<1x128x64xf32, #tpu.memory_space<vmem>>
    %dma_start3A_77 = tpu.memref_squeeze %dma_start3A_76 : memref<1x128x64xf32, #tpu.memory_space<vmem>> -> memref<128x64xf32, #tpu.memory_space<vmem>>
    %dma_start3A_78 = arith.constant 0 : i32
    %dma_start3A_79 = tpu.memref_slice %arg5[%dma_start3A_72, %dma_start3A_78] : memref<256x128xi32, #tpu.memory_space<vmem>> -> memref<1x128xi32, #tpu.memory_space<vmem>>
    %dma_start3A_80 = tpu.memref_squeeze %dma_start3A_79 : memref<1x128xi32, #tpu.memory_space<vmem>> -> memref<128xi32, #tpu.memory_space<vmem>>
    %dma_start3A_81 = arith.constant 0 : i32
    %dma_start3A_82 = arith.constant 0 : i32
    %dma_start3A_83 = tpu.memref_slice %arg3[%dma_start3A_81, %dma_start3A_82] : memref<1015808x64xf32, #tpu.memory_space<hbm>> -> memref<1015808x64xf32, #tpu.memory_space<hbm>>
    tpu.enqueue_indirect_dma source(%dma_start3A_83 : memref<1015808x64xf32, #tpu.memory_space<hbm>>) target(%dma_start3A_77 : memref<128x64xf32, #tpu.memory_space<vmem>>) offsets(%dma_start3A_80 : memref<128xi32, #tpu.memory_space<vmem>>) semaphore(%arg14 : memref<!tpu.dma_semaphore, #tpu.memory_space<semaphore_mem>>)
    %dma_start3A_84 = arith.constant 7 : i32
    %dma_start3A_85 = arith.constant 7 : i32
    %dma_start3A_86 = arith.constant 0 : i32
    %dma_start3A_87 = arith.constant 0 : i32
    %dma_start3A_88 = tpu.memref_slice %arg6[%dma_start3A_85, %dma_start3A_86, %dma_start3A_87] : memref<8x128x64xf32, #tpu.memory_space<vmem>> -> memref<1x128x64xf32, #tpu.memory_space<vmem>>
    %dma_start3A_89 = tpu.memref_squeeze %dma_start3A_88 : memref<1x128x64xf32, #tpu.memory_space<vmem>> -> memref<128x64xf32, #tpu.memory_space<vmem>>
    %dma_start3A_90 = arith.constant 0 : i32
    %dma_start3A_91 = tpu.memref_slice %arg5[%dma_start3A_84, %dma_start3A_90] : memref<256x128xi32, #tpu.memory_space<vmem>> -> memref<1x128xi32, #tpu.memory_space<vmem>>
    %dma_start3A_92 = tpu.memref_squeeze %dma_start3A_91 : memref<1x128xi32, #tpu.memory_space<vmem>> -> memref<128xi32, #tpu.memory_space<vmem>>
    %dma_start3A_93 = arith.constant 0 : i32
    %dma_start3A_94 = arith.constant 0 : i32
    %dma_start3A_95 = tpu.memref_slice %arg3[%dma_start3A_93, %dma_start3A_94] : memref<1015808x64xf32, #tpu.memory_space<hbm>> -> memref<1015808x64xf32, #tpu.memory_space<hbm>>
    tpu.enqueue_indirect_dma source(%dma_start3A_95 : memref<1015808x64xf32, #tpu.memory_space<hbm>>) target(%dma_start3A_89 : memref<128x64xf32, #tpu.memory_space<vmem>>) offsets(%dma_start3A_92 : memref<128xi32, #tpu.memory_space<vmem>>) semaphore(%arg15 : memref<!tpu.dma_semaphore, #tpu.memory_space<semaphore_mem>>)
    %broadcast_in_dim3A = arith.constant 0.000000e+00 : f32
    %broadcast_in_dim3A_96 = vector.broadcast %broadcast_in_dim3A : f32 to vector<16xf32>
    %scan3A = arith.constant 0 : i32
    %scan3A_97 = arith.constant 32 : i32
    %scan3A_98 = arith.addi %scan3A, %scan3A_97 : i32
    %scan3A_99 = arith.constant 1 : i32
    %scan3A_100:4 = scf.for %scan3A_150 = %scan3A to %scan3A_98 step %scan3A_99 iter_args(%scan3A_151 = %broadcast_in_dim3A_96, %scan3A_152 = %broadcast_in_dim3A_96, %scan3A_153 = %broadcast_in_dim3A_96, %scan3A_154 = %broadcast_in_dim3A_96) -> (vector<16xf32>, vector<16xf32>, vector<16xf32>, vector<16xf32>)  : i32 {
      %mul3A_155 = arith.constant 8 : i32
      %mul3A_156 = arith.muli %scan3A_150, %mul3A_155 : i32
      %add3A_157 = arith.constant 0 : i32
      %add3A_158 = arith.addi %mul3A_156, %add3A_157 : i32
      %dma_wait3A = arith.constant 0 : i32
      %dma_wait3A_159 = arith.constant 0 : i32
      %dma_wait3A_160 = arith.constant 0 : i32
      %dma_wait3A_161 = tpu.memref_slice %arg6[%dma_wait3A, %dma_wait3A_159, %dma_wait3A_160] : memref<8x128x64xf32, #tpu.memory_space<vmem>> -> memref<1x128x64xf32, #tpu.memory_space<vmem>>
      %dma_wait3A_162 = tpu.memref_squeeze %dma_wait3A_161 : memref<1x128x64xf32, #tpu.memory_space<vmem>> -> memref<128x64xf32, #tpu.memory_space<vmem>>
      %dma_wait3A_163 = arith.constant 0 : i32
      %dma_wait3A_164 = tpu.memref_slice %arg5[%add3A_158, %dma_wait3A_163] : memref<256x128xi32, #tpu.memory_space<vmem>> -> memref<1x128xi32, #tpu.memory_space<vmem>>
      %dma_wait3A_165 = tpu.memref_squeeze %dma_wait3A_164 : memref<1x128xi32, #tpu.memory_space<vmem>> -> memref<128xi32, #tpu.memory_space<vmem>>
      %dma_wait3A_166 = arith.constant 0 : i32
      %dma_wait3A_167 = arith.constant 0 : i32
      %dma_wait3A_168 = tpu.memref_slice %arg3[%dma_wait3A_166, %dma_wait3A_167] : memref<1015808x64xf32, #tpu.memory_space<hbm>> -> memref<1015808x64xf32, #tpu.memory_space<hbm>>
      tpu.wait_indirect_dma semaphore(%arg8 : memref<!tpu.dma_semaphore, #tpu.memory_space<semaphore_mem>>) src(%dma_wait3A_168 : memref<1015808x64xf32, #tpu.memory_space<hbm>>) dst(%dma_wait3A_162 : memref<128x64xf32, #tpu.memory_space<vmem>>)
      %scan3A_169 = arith.constant 0 : i32
      %scan3A_170 = arith.constant 0 : i32
      %scan3A_171 = arith.constant 32 : i32
      %scan3A_172 = arith.addi %scan3A_170, %scan3A_171 : i32
      %scan3A_173 = arith.constant 1 : i32
      %scan3A_174:4 = scf.for %scan3A_384 = %scan3A_170 to %scan3A_172 step %scan3A_173 iter_args(%scan3A_385 = %scan3A_151, %scan3A_386 = %scan3A_152, %scan3A_387 = %scan3A_153, %scan3A_388 = %scan3A_154) -> (vector<16xf32>, vector<16xf32>, vector<16xf32>, vector<16xf32>)  : i32 {
        %mul3A_389 = arith.constant 4 : i32
        %mul3A_390 = arith.muli %scan3A_384, %mul3A_389 : i32
        %add3A_391 = arith.constant 0 : i32
        %add3A_392 = arith.addi %mul3A_390, %add3A_391 : i32
        %get3A = arith.constant 0 : i32
        %get3A_393 = arith.constant 0 : i32
        %get3A_394 = tpu.memref_slice %arg6[%scan3A_169, %get3A, %get3A_393] : memref<8x128x64xf32, #tpu.memory_space<vmem>> -> memref<1x128x64xf32, #tpu.memory_space<vmem>>
        %get3A_395 = tpu.memref_squeeze %get3A_394 : memref<1x128x64xf32, #tpu.memory_space<vmem>> -> memref<128x64xf32, #tpu.memory_space<vmem>>
        %get3A_396 = arith.index_cast %add3A_392 : i32 to index
        %get3A_397 = arith.constant 0 : index
        %get3A_398 = tpu.vector_load %get3A_395[%get3A_396, %get3A_397] {strides = array<i32>} : memref<128x64xf32, #tpu.memory_space<vmem>>, vector<1x16xf32>,
        %get3A_399 = vector.shape_cast %get3A_398 : vector<1x16xf32> to vector<16xf32>
        %add3A_400 = arith.addf %scan3A_385, %get3A_399 : vector<16xf32>
        %get3A_401 = arith.constant 0 : i32
        %get3A_402 = arith.constant 0 : i32
        %get3A_403 = tpu.memref_slice %arg6[%scan3A_169, %get3A_401, %get3A_402] : memref<8x128x64xf32, #tpu.memory_space<vmem>> -> memref<1x128x64xf32, #tpu.memory_space<vmem>>
        %get3A_404 = tpu.memref_squeeze %get3A_403 : memref<1x128x64xf32, #tpu.memory_space<vmem>> -> memref<128x64xf32, #tpu.memory_space<vmem>>
        %get3A_405 = arith.index_cast %add3A_392 : i32 to index
        %get3A_406 = arith.constant 16 : index
        %get3A_407 = tpu.vector_load %get3A_404[%get3A_405, %get3A_406] {strides = array<i32>} : memref<128x64xf32, #tpu.memory_space<vmem>>, vector<1x16xf32>,
        %get3A_408 = vector.shape_cast %get3A_407 : vector<1x16xf32> to vector<16xf32>
        %add3A_409 = arith.addf %scan3A_386, %get3A_408 : vector<16xf32>
        %get3A_410 = arith.constant 0 : i32
        %get3A_411 = arith.constant 0 : i32
        %get3A_412 = tpu.memref_slice %arg6[%scan3A_169, %get3A_410, %get3A_411] : memref<8x128x64xf32, #tpu.memory_space<vmem>> -> memref<1x128x64xf32, #tpu.memory_space<vmem>>
        %get3A_413 = tpu.memref_squeeze %get3A_412 : memref<1x128x64xf32, #tpu.memory_space<vmem>> -> memref<128x64xf32, #tpu.memory_space<vmem>>
        %get3A_414 = arith.index_cast %add3A_392 : i32 to index
        %get3A_415 = arith.constant 32 : index
        %get3A_416 = tpu.vector_load %get3A_413[%get3A_414, %get3A_415] {strides = array<i32>} : memref<128x64xf32, #tpu.memory_space<vmem>>, vector<1x16xf32>,
        %get3A_417 = vector.shape_cast %get3A_416 : vector<1x16xf32> to vector<16xf32>
        %add3A_418 = arith.addf %scan3A_387, %get3A_417 : vector<16xf32>
        %get3A_419 = arith.constant 0 : i32
        %get3A_420 = arith.constant 0 : i32
        %get3A_421 = tpu.memref_slice %arg6[%scan3A_169, %get3A_419, %get3A_420] : memref<8x128x64xf32, #tpu.memory_space<vmem>> -> memref<1x128x64xf32, #tpu.memory_space<vmem>>
        %get3A_422 = tpu.memref_squeeze %get3A_421 : memref<1x128x64xf32, #tpu.memory_space<vmem>> -> memref<128x64xf32, #tpu.memory_space<vmem>>
        %get3A_423 = arith.index_cast %add3A_392 : i32 to index
        %get3A_424 = arith.constant 48 : index
        %get3A_425 = tpu.vector_load %get3A_422[%get3A_423, %get3A_424] {strides = array<i32>} : memref<128x64xf32, #tpu.memory_space<vmem>>, vector<1x16xf32>,
        %get3A_426 = vector.shape_cast %get3A_425 : vector<1x16xf32> to vector<16xf32>
        %add3A_427 = arith.addf %scan3A_388, %get3A_426 : vector<16xf32>
        %add3A_428 = arith.constant 1 : i32
        %add3A_429 = arith.addi %mul3A_390, %add3A_428 : i32
        %get3A_430 = arith.constant 0 : i32
        %get3A_431 = arith.constant 0 : i32
        %get3A_432 = tpu.memref_slice %arg6[%scan3A_169, %get3A_430, %get3A_431] : memref<8x128x64xf32, #tpu.memory_space<vmem>> -> memref<1x128x64xf32, #tpu.memory_space<vmem>>
        %get3A_433 = tpu.memref_squeeze %get3A_432 : memref<1x128x64xf32, #tpu.memory_space<vmem>> -> memref<128x64xf32, #tpu.memory_space<vmem>>
        %get3A_434 = arith.index_cast %add3A_429 : i32 to index
        %get3A_435 = arith.constant 0 : index
        %get3A_436 = tpu.vector_load %get3A_433[%get3A_434, %get3A_435] {strides = array<i32>} : memref<128x64xf32, #tpu.memory_space<vmem>>, vector<1x16xf32>,
        %get3A_437 = vector.shape_cast %get3A_436 : vector<1x16xf32> to vector<16xf32>
        %add3A_438 = arith.addf %add3A_400, %get3A_437 : vector<16xf32>
        %get3A_439 = arith.constant 0 : i32
        %get3A_440 = arith.constant 0 : i32
        %get3A_441 = tpu.memref_slice %arg6[%scan3A_169, %get3A_439, %get3A_440] : memref<8x128x64xf32, #tpu.memory_space<vmem>> -> memref<1x128x64xf32, #tpu.memory_space<vmem>>
        %get3A_442 = tpu.memref_squeeze %get3A_441 : memref<1x128x64xf32, #tpu.memory_space<vmem>> -> memref<128x64xf32, #tpu.memory_space<vmem>>
        %get3A_443 = arith.index_cast %add3A_429 : i32 to index
        %get3A_444 = arith.constant 16 : index
        %get3A_445 = tpu.vector_load %get3A_442[%get3A_443, %get3A_444] {strides = array<i32>} : memref<128x64xf32, #tpu.memory_space<vmem>>, vector<1x16xf32>,
        %get3A_446 = vector.shape_cast %get3A_445 : vector<1x16xf32> to vector<16xf32>
        %add3A_447 = arith.addf %add3A_409, %get3A_446 : vector<16xf32>
        %get3A_448 = arith.constant 0 : i32
        %get3A_449 = arith.constant 0 : i32
        %get3A_450 = tpu.memref_slice %arg6[%scan3A_169, %get3A_448, %get3A_449] : memref<8x128x64xf32, #tpu.memory_space<vmem>> -> memref<1x128x64xf32, #tpu.memory_space<vmem>>
        %get3A_451 = tpu.memref_squeeze %get3A_450 : memref<1x128x64xf32, #tpu.memory_space<vmem>> -> memref<128x64xf32, #tpu.memory_space<vmem>>
        %get3A_452 = arith.index_cast %add3A_429 : i32 to index
        %get3A_453 = arith.constant 32 : index
        %get3A_454 = tpu.vector_load %get3A_451[%get3A_452, %get3A_453] {strides = array<i32>} : memref<128x64xf32, #tpu.memory_space<vmem>>, vector<1x16xf32>,
        %get3A_455 = vector.shape_cast %get3A_454 : vector<1x16xf32> to vector<16xf32>
        %add3A_456 = arith.addf %add3A_418, %get3A_455 : vector<16xf32>
        %get3A_457 = arith.constant 0 : i32
        %get3A_458 = arith.constant 0 : i32
        %get3A_459 = tpu.memref_slice %arg6[%scan3A_169, %get3A_457, %get3A_458] : memref<8x128x64xf32, #tpu.memory_space<vmem>> -> memref<1x128x64xf32, #tpu.memory_space<vmem>>
        %get3A_460 = tpu.memref_squeeze %get3A_459 : memref<1x128x64xf32, #tpu.memory_space<vmem>> -> memref<128x64xf32, #tpu.memory_space<vmem>>
        %get3A_461 = arith.index_cast %add3A_429 : i32 to index
        %get3A_462 = arith.constant 48 : index
        %get3A_463 = tpu.vector_load %get3A_460[%get3A_461, %get3A_462] {strides = array<i32>} : memref<128x64xf32, #tpu.memory_space<vmem>>, vector<1x16xf32>,
        %get3A_464 = vector.shape_cast %get3A_463 : vector<1x16xf32> to vector<16xf32>
        %add3A_465 = arith.addf %add3A_427, %get3A_464 : vector<16xf32>
        %add3A_466 = arith.constant 2 : i32
        %add3A_467 = arith.addi %mul3A_390, %add3A_466 : i32
        %get3A_468 = arith.constant 0 : i32
        %get3A_469 = arith.constant 0 : i32
        %get3A_470 = tpu.memref_slice %arg6[%scan3A_169, %get3A_468, %get3A_469] : memref<8x128x64xf32, #tpu.memory_space<vmem>> -> memref<1x128x64xf32, #tpu.memory_space<vmem>>
        %get3A_471 = tpu.memref_squeeze %get3A_470 : memref<1x128x64xf32, #tpu.memory_space<vmem>> -> memref<128x64xf32, #tpu.memory_space<vmem>>
        %get3A_472 = arith.index_cast %add3A_467 : i32 to index
        %get3A_473 = arith.constant 0 : index
        %get3A_474 = tpu.vector_load %get3A_471[%get3A_472, %get3A_473] {strides = array<i32>} : memref<128x64xf32, #tpu.memory_space<vmem>>, vector<1x16xf32>,
        %get3A_475 = vector.shape_cast %get3A_474 : vector<1x16xf32> to vector<16xf32>
        %add3A_476 = arith.addf %add3A_438, %get3A_475 : vector<16xf32>
        %get3A_477 = arith.constant 0 : i32
        %get3A_478 = arith.constant 0 : i32
        %get3A_479 = tpu.memref_slice %arg6[%scan3A_169, %get3A_477, %get3A_478] : memref<8x128x64xf32, #tpu.memory_space<vmem>> -> memref<1x128x64xf32, #tpu.memory_space<vmem>>
        %get3A_480 = tpu.memref_squeeze %get3A_479 : memref<1x128x64xf32, #tpu.memory_space<vmem>> -> memref<128x64xf32, #tpu.memory_space<vmem>>
        %get3A_481 = arith.index_cast %add3A_467 : i32 to index
        %get3A_482 = arith.constant 16 : index
        %get3A_483 = tpu.vector_load %get3A_480[%get3A_481, %get3A_482] {strides = array<i32>} : memref<128x64xf32, #tpu.memory_space<vmem>>, vector<1x16xf32>,
        %get3A_484 = vector.shape_cast %get3A_483 : vector<1x16xf32> to vector<16xf32>
        %add3A_485 = arith.addf %add3A_447, %get3A_484 : vector<16xf32>
        %get3A_486 = arith.constant 0 : i32
        %get3A_487 = arith.constant 0 : i32
        %get3A_488 = tpu.memref_slice %arg6[%scan3A_169, %get3A_486, %get3A_487] : memref<8x128x64xf32, #tpu.memory_space<vmem>> -> memref<1x128x64xf32, #tpu.memory_space<vmem>>
        %get3A_489 = tpu.memref_squeeze %get3A_488 : memref<1x128x64xf32, #tpu.memory_space<vmem>> -> memref<128x64xf32, #tpu.memory_space<vmem>>
        %get3A_490 = arith.index_cast %add3A_467 : i32 to index
        %get3A_491 = arith.constant 32 : index
        %get3A_492 = tpu.vector_load %get3A_489[%get3A_490, %get3A_491] {strides = array<i32>} : memref<128x64xf32, #tpu.memory_space<vmem>>, vector<1x16xf32>,
        %get3A_493 = vector.shape_cast %get3A_492 : vector<1x16xf32> to vector<16xf32>
        %add3A_494 = arith.addf %add3A_456, %get3A_493 : vector<16xf32>
        %get3A_495 = arith.constant 0 : i32
        %get3A_496 = arith.constant 0 : i32
        %get3A_497 = tpu.memref_slice %arg6[%scan3A_169, %get3A_495, %get3A_496] : memref<8x128x64xf32, #tpu.memory_space<vmem>> -> memref<1x128x64xf32, #tpu.memory_space<vmem>>
        %get3A_498 = tpu.memref_squeeze %get3A_497 : memref<1x128x64xf32, #tpu.memory_space<vmem>> -> memref<128x64xf32, #tpu.memory_space<vmem>>
        %get3A_499 = arith.index_cast %add3A_467 : i32 to index
        %get3A_500 = arith.constant 48 : index
        %get3A_501 = tpu.vector_load %get3A_498[%get3A_499, %get3A_500] {strides = array<i32>} : memref<128x64xf32, #tpu.memory_space<vmem>>, vector<1x16xf32>,
        %get3A_502 = vector.shape_cast %get3A_501 : vector<1x16xf32> to vector<16xf32>
        %add3A_503 = arith.addf %add3A_465, %get3A_502 : vector<16xf32>
        %add3A_504 = arith.constant 3 : i32
        %add3A_505 = arith.addi %mul3A_390, %add3A_504 : i32
        %get3A_506 = arith.constant 0 : i32
        %get3A_507 = arith.constant 0 : i32
        %get3A_508 = tpu.memref_slice %arg6[%scan3A_169, %get3A_506, %get3A_507] : memref<8x128x64xf32, #tpu.memory_space<vmem>> -> memref<1x128x64xf32, #tpu.memory_space<vmem>>
        %get3A_509 = tpu.memref_squeeze %get3A_508 : memref<1x128x64xf32, #tpu.memory_space<vmem>> -> memref<128x64xf32, #tpu.memory_space<vmem>>
        %get3A_510 = arith.index_cast %add3A_505 : i32 to index
        %get3A_511 = arith.constant 0 : index
        %get3A_512 = tpu.vector_load %get3A_509[%get3A_510, %get3A_511] {strides = array<i32>} : memref<128x64xf32, #tpu.memory_space<vmem>>, vector<1x16xf32>,
        %get3A_513 = vector.shape_cast %get3A_512 : vector<1x16xf32> to vector<16xf32>
        %add3A_514 = arith.addf %add3A_476, %get3A_513 : vector<16xf32>
        %get3A_515 = arith.constant 0 : i32
        %get3A_516 = arith.constant 0 : i32
        %get3A_517 = tpu.memref_slice %arg6[%scan3A_169, %get3A_515, %get3A_516] : memref<8x128x64xf32, #tpu.memory_space<vmem>> -> memref<1x128x64xf32, #tpu.memory_space<vmem>>
        %get3A_518 = tpu.memref_squeeze %get3A_517 : memref<1x128x64xf32, #tpu.memory_space<vmem>> -> memref<128x64xf32, #tpu.memory_space<vmem>>
        %get3A_519 = arith.index_cast %add3A_505 : i32 to index
        %get3A_520 = arith.constant 16 : index
        %get3A_521 = tpu.vector_load %get3A_518[%get3A_519, %get3A_520] {strides = array<i32>} : memref<128x64xf32, #tpu.memory_space<vmem>>, vector<1x16xf32>,
        %get3A_522 = vector.shape_cast %get3A_521 : vector<1x16xf32> to vector<16xf32>
        %add3A_523 = arith.addf %add3A_485, %get3A_522 : vector<16xf32>
        %get3A_524 = arith.constant 0 : i32
        %get3A_525 = arith.constant 0 : i32
        %get3A_526 = tpu.memref_slice %arg6[%scan3A_169, %get3A_524, %get3A_525] : memref<8x128x64xf32, #tpu.memory_space<vmem>> -> memref<1x128x64xf32, #tpu.memory_space<vmem>>
        %get3A_527 = tpu.memref_squeeze %get3A_526 : memref<1x128x64xf32, #tpu.memory_space<vmem>> -> memref<128x64xf32, #tpu.memory_space<vmem>>
        %get3A_528 = arith.index_cast %add3A_505 : i32 to index
        %get3A_529 = arith.constant 32 : index
        %get3A_530 = tpu.vector_load %get3A_527[%get3A_528, %get3A_529] {strides = array<i32>} : memref<128x64xf32, #tpu.memory_space<vmem>>, vector<1x16xf32>,
        %get3A_531 = vector.shape_cast %get3A_530 : vector<1x16xf32> to vector<16xf32>
        %add3A_532 = arith.addf %add3A_494, %get3A_531 : vector<16xf32>
        %get3A_533 = arith.constant 0 : i32
        %get3A_534 = arith.constant 0 : i32
        %get3A_535 = tpu.memref_slice %arg6[%scan3A_169, %get3A_533, %get3A_534] : memref<8x128x64xf32, #tpu.memory_space<vmem>> -> memref<1x128x64xf32, #tpu.memory_space<vmem>>
        %get3A_536 = tpu.memref_squeeze %get3A_535 : memref<1x128x64xf32, #tpu.memory_space<vmem>> -> memref<128x64xf32, #tpu.memory_space<vmem>>
        %get3A_537 = arith.index_cast %add3A_505 : i32 to index
        %get3A_538 = arith.constant 48 : index
        %get3A_539 = tpu.vector_load %get3A_536[%get3A_537, %get3A_538] {strides = array<i32>} : memref<128x64xf32, #tpu.memory_space<vmem>>, vector<1x16xf32>,
        %get3A_540 = vector.shape_cast %get3A_539 : vector<1x16xf32> to vector<16xf32>
        %add3A_541 = arith.addf %add3A_503, %get3A_540 : vector<16xf32>
        scf.yield %add3A_514, %add3A_523, %add3A_532, %add3A_541 : vector<16xf32>, vector<16xf32>, vector<16xf32>, vector<16xf32>
      }
      %scan3A_175 = arith.constant 32 : i32
      %add3A_176 = arith.constant 8 : i32
      %add3A_177 = arith.addi %add3A_158, %add3A_176 : i32
      %lt3A_178 = arith.constant 256 : i32
      %lt3A_179 = arith.cmpi slt, %add3A_177, %lt3A_178 : i32
      %convert_element_type3A = arith.extui %lt3A_179 : i1 to i32
      %cond3A = arith.constant 0 : i32
      %cond3A_180 = arith.cmpi ne, %convert_element_type3A, %cond3A : i32
      scf.if %cond3A_180 {
        %add3A_384 = arith.constant 8 : i32
        %add3A_385 = arith.addi %add3A_158, %add3A_384 : i32
        %dma_start3A_386 = arith.constant 0 : i32
        %dma_start3A_387 = arith.constant 0 : i32
        %dma_start3A_388 = arith.constant 0 : i32
        %dma_start3A_389 = tpu.memref_slice %arg6[%dma_start3A_386, %dma_start3A_387, %dma_start3A_388] : memref<8x128x64xf32, #tpu.memory_space<vmem>> -> memref<1x128x64xf32, #tpu.memory_space<vmem>>
        %dma_start3A_390 = tpu.memref_squeeze %dma_start3A_389 : memref<1x128x64xf32, #tpu.memory_space<vmem>> -> memref<128x64xf32, #tpu.memory_space<vmem>>
        %dma_start3A_391 = arith.constant 0 : i32
        %dma_start3A_392 = tpu.memref_slice %arg5[%add3A_385, %dma_start3A_391] : memref<256x128xi32, #tpu.memory_space<vmem>> -> memref<1x128xi32, #tpu.memory_space<vmem>>
        %dma_start3A_393 = tpu.memref_squeeze %dma_start3A_392 : memref<1x128xi32, #tpu.memory_space<vmem>> -> memref<128xi32, #tpu.memory_space<vmem>>
        %dma_start3A_394 = arith.constant 0 : i32
        %dma_start3A_395 = arith.constant 0 : i32
        %dma_start3A_396 = tpu.memref_slice %arg3[%dma_start3A_394, %dma_start3A_395] : memref<1015808x64xf32, #tpu.memory_space<hbm>> -> memref<1015808x64xf32, #tpu.memory_space<hbm>>
        tpu.enqueue_indirect_dma source(%dma_start3A_396 : memref<1015808x64xf32, #tpu.memory_space<hbm>>) target(%dma_start3A_390 : memref<128x64xf32, #tpu.memory_space<vmem>>) offsets(%dma_start3A_393 : memref<128xi32, #tpu.memory_space<vmem>>) semaphore(%arg8 : memref<!tpu.dma_semaphore, #tpu.memory_space<semaphore_mem>>)
      } else {
      }
      %mul3A_181 = arith.constant 8 : i32
      %mul3A_182 = arith.muli %scan3A_150, %mul3A_181 : i32
      %add3A_183 = arith.constant 1 : i32
      %add3A_184 = arith.addi %mul3A_182, %add3A_183 : i32
      %dma_wait3A_185 = arith.constant 1 : i32
      %dma_wait3A_186 = arith.constant 0 : i32
      %dma_wait3A_187 = arith.constant 0 : i32
      %dma_wait3A_188 = tpu.memref_slice %arg6[%dma_wait3A_185, %dma_wait3A_186, %dma_wait3A_187] : memref<8x128x64xf32, #tpu.memory_space<vmem>> -> memref<1x128x64xf32, #tpu.memory_space<vmem>>
      %dma_wait3A_189 = tpu.memref_squeeze %dma_wait3A_188 : memref<1x128x64xf32, #tpu.memory_space<vmem>> -> memref<128x64xf32, #tpu.memory_space<vmem>>
      %dma_wait3A_190 = arith.constant 0 : i32
      %dma_wait3A_191 = tpu.memref_slice %arg5[%add3A_184, %dma_wait3A_190] : memref<256x128xi32, #tpu.memory_space<vmem>> -> memref<1x128xi32, #tpu.memory_space<vmem>>
      %dma_wait3A_192 = tpu.memref_squeeze %dma_wait3A_191 : memref<1x128xi32, #tpu.memory_space<vmem>> -> memref<128xi32, #tpu.memory_space<vmem>>
      %dma_wait3A_193 = arith.constant 0 : i32
      %dma_wait3A_194 = arith.constant 0 : i32
      %dma_wait3A_195 = tpu.memref_slice %arg3[%dma_wait3A_193, %dma_wait3A_194] : memref<1015808x64xf32, #tpu.memory_space<hbm>> -> memref<1015808x64xf32, #tpu.memory_space<hbm>>
      tpu.wait_indirect_dma semaphore(%arg9 : memref<!tpu.dma_semaphore, #tpu.memory_space<semaphore_mem>>) src(%dma_wait3A_195 : memref<1015808x64xf32, #tpu.memory_space<hbm>>) dst(%dma_wait3A_189 : memref<128x64xf32, #tpu.memory_space<vmem>>)
      %scan3A_196 = arith.constant 1 : i32
      %scan3A_197 = arith.constant 0 : i32
      %scan3A_198 = arith.constant 32 : i32
      %scan3A_199 = arith.addi %scan3A_197, %scan3A_198 : i32
      %scan3A_200 = arith.constant 1 : i32
      %scan3A_201:4 = scf.for %scan3A_384 = %scan3A_197 to %scan3A_199 step %scan3A_200 iter_args(%scan3A_385 = %scan3A_174#0, %scan3A_386 = %scan3A_174#1, %scan3A_387 = %scan3A_174#2, %scan3A_388 = %scan3A_174#3) -> (vector<16xf32>, vector<16xf32>, vector<16xf32>, vector<16xf32>)  : i32 {
        %mul3A_389 = arith.constant 4 : i32
        %mul3A_390 = arith.muli %scan3A_384, %mul3A_389 : i32
        %add3A_391 = arith.constant 0 : i32
        %add3A_392 = arith.addi %mul3A_390, %add3A_391 : i32
        %get3A = arith.constant 0 : i32
        %get3A_393 = arith.constant 0 : i32
        %get3A_394 = tpu.memref_slice %arg6[%scan3A_196, %get3A, %get3A_393] : memref<8x128x64xf32, #tpu.memory_space<vmem>> -> memref<1x128x64xf32, #tpu.memory_space<vmem>>
        %get3A_395 = tpu.memref_squeeze %get3A_394 : memref<1x128x64xf32, #tpu.memory_space<vmem>> -> memref<128x64xf32, #tpu.memory_space<vmem>>
        %get3A_396 = arith.index_cast %add3A_392 : i32 to index
        %get3A_397 = arith.constant 0 : index
        %get3A_398 = tpu.vector_load %get3A_395[%get3A_396, %get3A_397] {strides = array<i32>} : memref<128x64xf32, #tpu.memory_space<vmem>>, vector<1x16xf32>,
        %get3A_399 = vector.shape_cast %get3A_398 : vector<1x16xf32> to vector<16xf32>
        %add3A_400 = arith.addf %scan3A_385, %get3A_399 : vector<16xf32>
        %get3A_401 = arith.constant 0 : i32
        %get3A_402 = arith.constant 0 : i32
        %get3A_403 = tpu.memref_slice %arg6[%scan3A_196, %get3A_401, %get3A_402] : memref<8x128x64xf32, #tpu.memory_space<vmem>> -> memref<1x128x64xf32, #tpu.memory_space<vmem>>
        %get3A_404 = tpu.memref_squeeze %get3A_403 : memref<1x128x64xf32, #tpu.memory_space<vmem>> -> memref<128x64xf32, #tpu.memory_space<vmem>>
        %get3A_405 = arith.index_cast %add3A_392 : i32 to index
        %get3A_406 = arith.constant 16 : index
        %get3A_407 = tpu.vector_load %get3A_404[%get3A_405, %get3A_406] {strides = array<i32>} : memref<128x64xf32, #tpu.memory_space<vmem>>, vector<1x16xf32>,
        %get3A_408 = vector.shape_cast %get3A_407 : vector<1x16xf32> to vector<16xf32>
        %add3A_409 = arith.addf %scan3A_386, %get3A_408 : vector<16xf32>
        %get3A_410 = arith.constant 0 : i32
        %get3A_411 = arith.constant 0 : i32
        %get3A_412 = tpu.memref_slice %arg6[%scan3A_196, %get3A_410, %get3A_411] : memref<8x128x64xf32, #tpu.memory_space<vmem>> -> memref<1x128x64xf32, #tpu.memory_space<vmem>>
        %get3A_413 = tpu.memref_squeeze %get3A_412 : memref<1x128x64xf32, #tpu.memory_space<vmem>> -> memref<128x64xf32, #tpu.memory_space<vmem>>
        %get3A_414 = arith.index_cast %add3A_392 : i32 to index
        %get3A_415 = arith.constant 32 : index
        %get3A_416 = tpu.vector_load %get3A_413[%get3A_414, %get3A_415] {strides = array<i32>} : memref<128x64xf32, #tpu.memory_space<vmem>>, vector<1x16xf32>,
        %get3A_417 = vector.shape_cast %get3A_416 : vector<1x16xf32> to vector<16xf32>
        %add3A_418 = arith.addf %scan3A_387, %get3A_417 : vector<16xf32>
        %get3A_419 = arith.constant 0 : i32
        %get3A_420 = arith.constant 0 : i32
        %get3A_421 = tpu.memref_slice %arg6[%scan3A_196, %get3A_419, %get3A_420] : memref<8x128x64xf32, #tpu.memory_space<vmem>> -> memref<1x128x64xf32, #tpu.memory_space<vmem>>
        %get3A_422 = tpu.memref_squeeze %get3A_421 : memref<1x128x64xf32, #tpu.memory_space<vmem>> -> memref<128x64xf32, #tpu.memory_space<vmem>>
        %get3A_423 = arith.index_cast %add3A_392 : i32 to index
        %get3A_424 = arith.constant 48 : index
        %get3A_425 = tpu.vector_load %get3A_422[%get3A_423, %get3A_424] {strides = array<i32>} : memref<128x64xf32, #tpu.memory_space<vmem>>, vector<1x16xf32>,
        %get3A_426 = vector.shape_cast %get3A_425 : vector<1x16xf32> to vector<16xf32>
        %add3A_427 = arith.addf %scan3A_388, %get3A_426 : vector<16xf32>
        %add3A_428 = arith.constant 1 : i32
        %add3A_429 = arith.addi %mul3A_390, %add3A_428 : i32
        %get3A_430 = arith.constant 0 : i32
        %get3A_431 = arith.constant 0 : i32
        %get3A_432 = tpu.memref_slice %arg6[%scan3A_196, %get3A_430, %get3A_431] : memref<8x128x64xf32, #tpu.memory_space<vmem>> -> memref<1x128x64xf32, #tpu.memory_space<vmem>>
        %get3A_433 = tpu.memref_squeeze %get3A_432 : memref<1x128x64xf32, #tpu.memory_space<vmem>> -> memref<128x64xf32, #tpu.memory_space<vmem>>
        %get3A_434 = arith.index_cast %add3A_429 : i32 to index
        %get3A_435 = arith.constant 0 : index
        %get3A_436 = tpu.vector_load %get3A_433[%get3A_434, %get3A_435] {strides = array<i32>} : memref<128x64xf32, #tpu.memory_space<vmem>>, vector<1x16xf32>,
        %get3A_437 = vector.shape_cast %get3A_436 : vector<1x16xf32> to vector<16xf32>
        %add3A_438 = arith.addf %add3A_400, %get3A_437 : vector<16xf32>
        %get3A_439 = arith.constant 0 : i32
        %get3A_440 = arith.constant 0 : i32
        %get3A_441 = tpu.memref_slice %arg6[%scan3A_196, %get3A_439, %get3A_440] : memref<8x128x64xf32, #tpu.memory_space<vmem>> -> memref<1x128x64xf32, #tpu.memory_space<vmem>>
        %get3A_442 = tpu.memref_squeeze %get3A_441 : memref<1x128x64xf32, #tpu.memory_space<vmem>> -> memref<128x64xf32, #tpu.memory_space<vmem>>
        %get3A_443 = arith.index_cast %add3A_429 : i32 to index
        %get3A_444 = arith.constant 16 : index
        %get3A_445 = tpu.vector_load %get3A_442[%get3A_443, %get3A_444] {strides = array<i32>} : memref<128x64xf32, #tpu.memory_space<vmem>>, vector<1x16xf32>,
        %get3A_446 = vector.shape_cast %get3A_445 : vector<1x16xf32> to vector<16xf32>
        %add3A_447 = arith.addf %add3A_409, %get3A_446 : vector<16xf32>
        %get3A_448 = arith.constant 0 : i32
        %get3A_449 = arith.constant 0 : i32
        %get3A_450 = tpu.memref_slice %arg6[%scan3A_196, %get3A_448, %get3A_449] : memref<8x128x64xf32, #tpu.memory_space<vmem>> -> memref<1x128x64xf32, #tpu.memory_space<vmem>>
        %get3A_451 = tpu.memref_squeeze %get3A_450 : memref<1x128x64xf32, #tpu.memory_space<vmem>> -> memref<128x64xf32, #tpu.memory_space<vmem>>
        %get3A_452 = arith.index_cast %add3A_429 : i32 to index
        %get3A_453 = arith.constant 32 : index
        %get3A_454 = tpu.vector_load %get3A_451[%get3A_452, %get3A_453] {strides = array<i32>} : memref<128x64xf32, #tpu.memory_space<vmem>>, vector<1x16xf32>,
        %get3A_455 = vector.shape_cast %get3A_454 : vector<1x16xf32> to vector<16xf32>
        %add3A_456 = arith.addf %add3A_418, %get3A_455 : vector<16xf32>
        %get3A_457 = arith.constant 0 : i32
        %get3A_458 = arith.constant 0 : i32
        %get3A_459 = tpu.memref_slice %arg6[%scan3A_196, %get3A_457, %get3A_458] : memref<8x128x64xf32, #tpu.memory_space<vmem>> -> memref<1x128x64xf32, #tpu.memory_space<vmem>>
        %get3A_460 = tpu.memref_squeeze %get3A_459 : memref<1x128x64xf32, #tpu.memory_space<vmem>> -> memref<128x64xf32, #tpu.memory_space<vmem>>
        %get3A_461 = arith.index_cast %add3A_429 : i32 to index
        %get3A_462 = arith.constant 48 : index
        %get3A_463 = tpu.vector_load %get3A_460[%get3A_461, %get3A_462] {strides = array<i32>} : memref<128x64xf32, #tpu.memory_space<vmem>>, vector<1x16xf32>,
        %get3A_464 = vector.shape_cast %get3A_463 : vector<1x16xf32> to vector<16xf32>
        %add3A_465 = arith.addf %add3A_427, %get3A_464 : vector<16xf32>
        %add3A_466 = arith.constant 2 : i32
        %add3A_467 = arith.addi %mul3A_390, %add3A_466 : i32
        %get3A_468 = arith.constant 0 : i32
        %get3A_469 = arith.constant 0 : i32
        %get3A_470 = tpu.memref_slice %arg6[%scan3A_196, %get3A_468, %get3A_469] : memref<8x128x64xf32, #tpu.memory_space<vmem>> -> memref<1x128x64xf32, #tpu.memory_space<vmem>>
        %get3A_471 = tpu.memref_squeeze %get3A_470 : memref<1x128x64xf32, #tpu.memory_space<vmem>> -> memref<128x64xf32, #tpu.memory_space<vmem>>
        %get3A_472 = arith.index_cast %add3A_467 : i32 to index
        %get3A_473 = arith.constant 0 : index
        %get3A_474 = tpu.vector_load %get3A_471[%get3A_472, %get3A_473] {strides = array<i32>} : memref<128x64xf32, #tpu.memory_space<vmem>>, vector<1x16xf32>,
        %get3A_475 = vector.shape_cast %get3A_474 : vector<1x16xf32> to vector<16xf32>
        %add3A_476 = arith.addf %add3A_438, %get3A_475 : vector<16xf32>
        %get3A_477 = arith.constant 0 : i32
        %get3A_478 = arith.constant 0 : i32
        %get3A_479 = tpu.memref_slice %arg6[%scan3A_196, %get3A_477, %get3A_478] : memref<8x128x64xf32, #tpu.memory_space<vmem>> -> memref<1x128x64xf32, #tpu.memory_space<vmem>>
        %get3A_480 = tpu.memref_squeeze %get3A_479 : memref<1x128x64xf32, #tpu.memory_space<vmem>> -> memref<128x64xf32, #tpu.memory_space<vmem>>
        %get3A_481 = arith.index_cast %add3A_467 : i32 to index
        %get3A_482 = arith.constant 16 : index
        %get3A_483 = tpu.vector_load %get3A_480[%get3A_481, %get3A_482] {strides = array<i32>} : memref<128x64xf32, #tpu.memory_space<vmem>>, vector<1x16xf32>,
        %get3A_484 = vector.shape_cast %get3A_483 : vector<1x16xf32> to vector<16xf32>
        %add3A_485 = arith.addf %add3A_447, %get3A_484 : vector<16xf32>
        %get3A_486 = arith.constant 0 : i32
        %get3A_487 = arith.constant 0 : i32
        %get3A_488 = tpu.memref_slice %arg6[%scan3A_196, %get3A_486, %get3A_487] : memref<8x128x64xf32, #tpu.memory_space<vmem>> -> memref<1x128x64xf32, #tpu.memory_space<vmem>>
        %get3A_489 = tpu.memref_squeeze %get3A_488 : memref<1x128x64xf32, #tpu.memory_space<vmem>> -> memref<128x64xf32, #tpu.memory_space<vmem>>
        %get3A_490 = arith.index_cast %add3A_467 : i32 to index
        %get3A_491 = arith.constant 32 : index
        %get3A_492 = tpu.vector_load %get3A_489[%get3A_490, %get3A_491] {strides = array<i32>} : memref<128x64xf32, #tpu.memory_space<vmem>>, vector<1x16xf32>,
        %get3A_493 = vector.shape_cast %get3A_492 : vector<1x16xf32> to vector<16xf32>
        %add3A_494 = arith.addf %add3A_456, %get3A_493 : vector<16xf32>
        %get3A_495 = arith.constant 0 : i32
        %get3A_496 = arith.constant 0 : i32
        %get3A_497 = tpu.memref_slice %arg6[%scan3A_196, %get3A_495, %get3A_496] : memref<8x128x64xf32, #tpu.memory_space<vmem>> -> memref<1x128x64xf32, #tpu.memory_space<vmem>>
        %get3A_498 = tpu.memref_squeeze %get3A_497 : memref<1x128x64xf32, #tpu.memory_space<vmem>> -> memref<128x64xf32, #tpu.memory_space<vmem>>
        %get3A_499 = arith.index_cast %add3A_467 : i32 to index
        %get3A_500 = arith.constant 48 : index
        %get3A_501 = tpu.vector_load %get3A_498[%get3A_499, %get3A_500] {strides = array<i32>} : memref<128x64xf32, #tpu.memory_space<vmem>>, vector<1x16xf32>,
        %get3A_502 = vector.shape_cast %get3A_501 : vector<1x16xf32> to vector<16xf32>
        %add3A_503 = arith.addf %add3A_465, %get3A_502 : vector<16xf32>
        %add3A_504 = arith.constant 3 : i32
        %add3A_505 = arith.addi %mul3A_390, %add3A_504 : i32
        %get3A_506 = arith.constant 0 : i32
        %get3A_507 = arith.constant 0 : i32
        %get3A_508 = tpu.memref_slice %arg6[%scan3A_196, %get3A_506, %get3A_507] : memref<8x128x64xf32, #tpu.memory_space<vmem>> -> memref<1x128x64xf32, #tpu.memory_space<vmem>>
        %get3A_509 = tpu.memref_squeeze %get3A_508 : memref<1x128x64xf32, #tpu.memory_space<vmem>> -> memref<128x64xf32, #tpu.memory_space<vmem>>
        %get3A_510 = arith.index_cast %add3A_505 : i32 to index
        %get3A_511 = arith.constant 0 : index
        %get3A_512 = tpu.vector_load %get3A_509[%get3A_510, %get3A_511] {strides = array<i32>} : memref<128x64xf32, #tpu.memory_space<vmem>>, vector<1x16xf32>,
        %get3A_513 = vector.shape_cast %get3A_512 : vector<1x16xf32> to vector<16xf32>
        %add3A_514 = arith.addf %add3A_476, %get3A_513 : vector<16xf32>
        %get3A_515 = arith.constant 0 : i32
        %get3A_516 = arith.constant 0 : i32
        %get3A_517 = tpu.memref_slice %arg6[%scan3A_196, %get3A_515, %get3A_516] : memref<8x128x64xf32, #tpu.memory_space<vmem>> -> memref<1x128x64xf32, #tpu.memory_space<vmem>>
        %get3A_518 = tpu.memref_squeeze %get3A_517 : memref<1x128x64xf32, #tpu.memory_space<vmem>> -> memref<128x64xf32, #tpu.memory_space<vmem>>
        %get3A_519 = arith.index_cast %add3A_505 : i32 to index
        %get3A_520 = arith.constant 16 : index
        %get3A_521 = tpu.vector_load %get3A_518[%get3A_519, %get3A_520] {strides = array<i32>} : memref<128x64xf32, #tpu.memory_space<vmem>>, vector<1x16xf32>,
        %get3A_522 = vector.shape_cast %get3A_521 : vector<1x16xf32> to vector<16xf32>
        %add3A_523 = arith.addf %add3A_485, %get3A_522 : vector<16xf32>
        %get3A_524 = arith.constant 0 : i32
        %get3A_525 = arith.constant 0 : i32
        %get3A_526 = tpu.memref_slice %arg6[%scan3A_196, %get3A_524, %get3A_525] : memref<8x128x64xf32, #tpu.memory_space<vmem>> -> memref<1x128x64xf32, #tpu.memory_space<vmem>>
        %get3A_527 = tpu.memref_squeeze %get3A_526 : memref<1x128x64xf32, #tpu.memory_space<vmem>> -> memref<128x64xf32, #tpu.memory_space<vmem>>
        %get3A_528 = arith.index_cast %add3A_505 : i32 to index
        %get3A_529 = arith.constant 32 : index
        %get3A_530 = tpu.vector_load %get3A_527[%get3A_528, %get3A_529] {strides = array<i32>} : memref<128x64xf32, #tpu.memory_space<vmem>>, vector<1x16xf32>,
        %get3A_531 = vector.shape_cast %get3A_530 : vector<1x16xf32> to vector<16xf32>
        %add3A_532 = arith.addf %add3A_494, %get3A_531 : vector<16xf32>
        %get3A_533 = arith.constant 0 : i32
        %get3A_534 = arith.constant 0 : i32
        %get3A_535 = tpu.memref_slice %arg6[%scan3A_196, %get3A_533, %get3A_534] : memref<8x128x64xf32, #tpu.memory_space<vmem>> -> memref<1x128x64xf32, #tpu.memory_space<vmem>>
        %get3A_536 = tpu.memref_squeeze %get3A_535 : memref<1x128x64xf32, #tpu.memory_space<vmem>> -> memref<128x64xf32, #tpu.memory_space<vmem>>
        %get3A_537 = arith.index_cast %add3A_505 : i32 to index
        %get3A_538 = arith.constant 48 : index
        %get3A_539 = tpu.vector_load %get3A_536[%get3A_537, %get3A_538] {strides = array<i32>} : memref<128x64xf32, #tpu.memory_space<vmem>>, vector<1x16xf32>,
        %get3A_540 = vector.shape_cast %get3A_539 : vector<1x16xf32> to vector<16xf32>
        %add3A_541 = arith.addf %add3A_503, %get3A_540 : vector<16xf32>
        scf.yield %add3A_514, %add3A_523, %add3A_532, %add3A_541 : vector<16xf32>, vector<16xf32>, vector<16xf32>, vector<16xf32>
      }
      %scan3A_202 = arith.constant 32 : i32
      %add3A_203 = arith.constant 8 : i32
      %add3A_204 = arith.addi %add3A_184, %add3A_203 : i32
      %lt3A_205 = arith.constant 256 : i32
      %lt3A_206 = arith.cmpi slt, %add3A_204, %lt3A_205 : i32
      %convert_element_type3A_207 = arith.extui %lt3A_206 : i1 to i32
      %cond3A_208 = arith.constant 0 : i32
      %cond3A_209 = arith.cmpi ne, %convert_element_type3A_207, %cond3A_208 : i32
      scf.if %cond3A_209 {
        %add3A_384 = arith.constant 8 : i32
        %add3A_385 = arith.addi %add3A_184, %add3A_384 : i32
        %dma_start3A_386 = arith.constant 1 : i32
        %dma_start3A_387 = arith.constant 0 : i32
        %dma_start3A_388 = arith.constant 0 : i32
        %dma_start3A_389 = tpu.memref_slice %arg6[%dma_start3A_386, %dma_start3A_387, %dma_start3A_388] : memref<8x128x64xf32, #tpu.memory_space<vmem>> -> memref<1x128x64xf32, #tpu.memory_space<vmem>>
        %dma_start3A_390 = tpu.memref_squeeze %dma_start3A_389 : memref<1x128x64xf32, #tpu.memory_space<vmem>> -> memref<128x64xf32, #tpu.memory_space<vmem>>
        %dma_start3A_391 = arith.constant 0 : i32
        %dma_start3A_392 = tpu.memref_slice %arg5[%add3A_385, %dma_start3A_391] : memref<256x128xi32, #tpu.memory_space<vmem>> -> memref<1x128xi32, #tpu.memory_space<vmem>>
        %dma_start3A_393 = tpu.memref_squeeze %dma_start3A_392 : memref<1x128xi32, #tpu.memory_space<vmem>> -> memref<128xi32, #tpu.memory_space<vmem>>
        %dma_start3A_394 = arith.constant 0 : i32
        %dma_start3A_395 = arith.constant 0 : i32
        %dma_start3A_396 = tpu.memref_slice %arg3[%dma_start3A_394, %dma_start3A_395] : memref<1015808x64xf32, #tpu.memory_space<hbm>> -> memref<1015808x64xf32, #tpu.memory_space<hbm>>
        tpu.enqueue_indirect_dma source(%dma_start3A_396 : memref<1015808x64xf32, #tpu.memory_space<hbm>>) target(%dma_start3A_390 : memref<128x64xf32, #tpu.memory_space<vmem>>) offsets(%dma_start3A_393 : memref<128xi32, #tpu.memory_space<vmem>>) semaphore(%arg9 : memref<!tpu.dma_semaphore, #tpu.memory_space<semaphore_mem>>)
      } else {
      }
      %mul3A_210 = arith.constant 8 : i32
      %mul3A_211 = arith.muli %scan3A_150, %mul3A_210 : i32
      %add3A_212 = arith.constant 2 : i32
      %add3A_213 = arith.addi %mul3A_211, %add3A_212 : i32
      %dma_wait3A_214 = arith.constant 2 : i32
      %dma_wait3A_215 = arith.constant 0 : i32
      %dma_wait3A_216 = arith.constant 0 : i32
      %dma_wait3A_217 = tpu.memref_slice %arg6[%dma_wait3A_214, %dma_wait3A_215, %dma_wait3A_216] : memref<8x128x64xf32, #tpu.memory_space<vmem>> -> memref<1x128x64xf32, #tpu.memory_space<vmem>>
      %dma_wait3A_218 = tpu.memref_squeeze %dma_wait3A_217 : memref<1x128x64xf32, #tpu.memory_space<vmem>> -> memref<128x64xf32, #tpu.memory_space<vmem>>
      %dma_wait3A_219 = arith.constant 0 : i32
      %dma_wait3A_220 = tpu.memref_slice %arg5[%add3A_213, %dma_wait3A_219] : memref<256x128xi32, #tpu.memory_space<vmem>> -> memref<1x128xi32, #tpu.memory_space<vmem>>
      %dma_wait3A_221 = tpu.memref_squeeze %dma_wait3A_220 : memref<1x128xi32, #tpu.memory_space<vmem>> -> memref<128xi32, #tpu.memory_space<vmem>>
      %dma_wait3A_222 = arith.constant 0 : i32
      %dma_wait3A_223 = arith.constant 0 : i32
      %dma_wait3A_224 = tpu.memref_slice %arg3[%dma_wait3A_222, %dma_wait3A_223] : memref<1015808x64xf32, #tpu.memory_space<hbm>> -> memref<1015808x64xf32, #tpu.memory_space<hbm>>
      tpu.wait_indirect_dma semaphore(%arg10 : memref<!tpu.dma_semaphore, #tpu.memory_space<semaphore_mem>>) src(%dma_wait3A_224 : memref<1015808x64xf32, #tpu.memory_space<hbm>>) dst(%dma_wait3A_218 : memref<128x64xf32, #tpu.memory_space<vmem>>)
      %scan3A_225 = arith.constant 2 : i32
      %scan3A_226 = arith.constant 0 : i32
      %scan3A_227 = arith.constant 32 : i32
      %scan3A_228 = arith.addi %scan3A_226, %scan3A_227 : i32
      %scan3A_229 = arith.constant 1 : i32
      %scan3A_230:4 = scf.for %scan3A_384 = %scan3A_226 to %scan3A_228 step %scan3A_229 iter_args(%scan3A_385 = %scan3A_201#0, %scan3A_386 = %scan3A_201#1, %scan3A_387 = %scan3A_201#2, %scan3A_388 = %scan3A_201#3) -> (vector<16xf32>, vector<16xf32>, vector<16xf32>, vector<16xf32>)  : i32 {
        %mul3A_389 = arith.constant 4 : i32
        %mul3A_390 = arith.muli %scan3A_384, %mul3A_389 : i32
        %add3A_391 = arith.constant 0 : i32
        %add3A_392 = arith.addi %mul3A_390, %add3A_391 : i32
        %get3A = arith.constant 0 : i32
        %get3A_393 = arith.constant 0 : i32
        %get3A_394 = tpu.memref_slice %arg6[%scan3A_225, %get3A, %get3A_393] : memref<8x128x64xf32, #tpu.memory_space<vmem>> -> memref<1x128x64xf32, #tpu.memory_space<vmem>>
        %get3A_395 = tpu.memref_squeeze %get3A_394 : memref<1x128x64xf32, #tpu.memory_space<vmem>> -> memref<128x64xf32, #tpu.memory_space<vmem>>
        %get3A_396 = arith.index_cast %add3A_392 : i32 to index
        %get3A_397 = arith.constant 0 : index
        %get3A_398 = tpu.vector_load %get3A_395[%get3A_396, %get3A_397] {strides = array<i32>} : memref<128x64xf32, #tpu.memory_space<vmem>>, vector<1x16xf32>,
        %get3A_399 = vector.shape_cast %get3A_398 : vector<1x16xf32> to vector<16xf32>
        %add3A_400 = arith.addf %scan3A_385, %get3A_399 : vector<16xf32>
        %get3A_401 = arith.constant 0 : i32
        %get3A_402 = arith.constant 0 : i32
        %get3A_403 = tpu.memref_slice %arg6[%scan3A_225, %get3A_401, %get3A_402] : memref<8x128x64xf32, #tpu.memory_space<vmem>> -> memref<1x128x64xf32, #tpu.memory_space<vmem>>
        %get3A_404 = tpu.memref_squeeze %get3A_403 : memref<1x128x64xf32, #tpu.memory_space<vmem>> -> memref<128x64xf32, #tpu.memory_space<vmem>>
        %get3A_405 = arith.index_cast %add3A_392 : i32 to index
        %get3A_406 = arith.constant 16 : index
        %get3A_407 = tpu.vector_load %get3A_404[%get3A_405, %get3A_406] {strides = array<i32>} : memref<128x64xf32, #tpu.memory_space<vmem>>, vector<1x16xf32>,
        %get3A_408 = vector.shape_cast %get3A_407 : vector<1x16xf32> to vector<16xf32>
        %add3A_409 = arith.addf %scan3A_386, %get3A_408 : vector<16xf32>
        %get3A_410 = arith.constant 0 : i32
        %get3A_411 = arith.constant 0 : i32
        %get3A_412 = tpu.memref_slice %arg6[%scan3A_225, %get3A_410, %get3A_411] : memref<8x128x64xf32, #tpu.memory_space<vmem>> -> memref<1x128x64xf32, #tpu.memory_space<vmem>>
        %get3A_413 = tpu.memref_squeeze %get3A_412 : memref<1x128x64xf32, #tpu.memory_space<vmem>> -> memref<128x64xf32, #tpu.memory_space<vmem>>
        %get3A_414 = arith.index_cast %add3A_392 : i32 to index
        %get3A_415 = arith.constant 32 : index
        %get3A_416 = tpu.vector_load %get3A_413[%get3A_414, %get3A_415] {strides = array<i32>} : memref<128x64xf32, #tpu.memory_space<vmem>>, vector<1x16xf32>,
        %get3A_417 = vector.shape_cast %get3A_416 : vector<1x16xf32> to vector<16xf32>
        %add3A_418 = arith.addf %scan3A_387, %get3A_417 : vector<16xf32>
        %get3A_419 = arith.constant 0 : i32
        %get3A_420 = arith.constant 0 : i32
        %get3A_421 = tpu.memref_slice %arg6[%scan3A_225, %get3A_419, %get3A_420] : memref<8x128x64xf32, #tpu.memory_space<vmem>> -> memref<1x128x64xf32, #tpu.memory_space<vmem>>
        %get3A_422 = tpu.memref_squeeze %get3A_421 : memref<1x128x64xf32, #tpu.memory_space<vmem>> -> memref<128x64xf32, #tpu.memory_space<vmem>>
        %get3A_423 = arith.index_cast %add3A_392 : i32 to index
        %get3A_424 = arith.constant 48 : index
        %get3A_425 = tpu.vector_load %get3A_422[%get3A_423, %get3A_424] {strides = array<i32>} : memref<128x64xf32, #tpu.memory_space<vmem>>, vector<1x16xf32>,
        %get3A_426 = vector.shape_cast %get3A_425 : vector<1x16xf32> to vector<16xf32>
        %add3A_427 = arith.addf %scan3A_388, %get3A_426 : vector<16xf32>
        %add3A_428 = arith.constant 1 : i32
        %add3A_429 = arith.addi %mul3A_390, %add3A_428 : i32
        %get3A_430 = arith.constant 0 : i32
        %get3A_431 = arith.constant 0 : i32
        %get3A_432 = tpu.memref_slice %arg6[%scan3A_225, %get3A_430, %get3A_431] : memref<8x128x64xf32, #tpu.memory_space<vmem>> -> memref<1x128x64xf32, #tpu.memory_space<vmem>>
        %get3A_433 = tpu.memref_squeeze %get3A_432 : memref<1x128x64xf32, #tpu.memory_space<vmem>> -> memref<128x64xf32, #tpu.memory_space<vmem>>
        %get3A_434 = arith.index_cast %add3A_429 : i32 to index
        %get3A_435 = arith.constant 0 : index
        %get3A_436 = tpu.vector_load %get3A_433[%get3A_434, %get3A_435] {strides = array<i32>} : memref<128x64xf32, #tpu.memory_space<vmem>>, vector<1x16xf32>,
        %get3A_437 = vector.shape_cast %get3A_436 : vector<1x16xf32> to vector<16xf32>
        %add3A_438 = arith.addf %add3A_400, %get3A_437 : vector<16xf32>
        %get3A_439 = arith.constant 0 : i32
        %get3A_440 = arith.constant 0 : i32
        %get3A_441 = tpu.memref_slice %arg6[%scan3A_225, %get3A_439, %get3A_440] : memref<8x128x64xf32, #tpu.memory_space<vmem>> -> memref<1x128x64xf32, #tpu.memory_space<vmem>>
        %get3A_442 = tpu.memref_squeeze %get3A_441 : memref<1x128x64xf32, #tpu.memory_space<vmem>> -> memref<128x64xf32, #tpu.memory_space<vmem>>
        %get3A_443 = arith.index_cast %add3A_429 : i32 to index
        %get3A_444 = arith.constant 16 : index
        %get3A_445 = tpu.vector_load %get3A_442[%get3A_443, %get3A_444] {strides = array<i32>} : memref<128x64xf32, #tpu.memory_space<vmem>>, vector<1x16xf32>,
        %get3A_446 = vector.shape_cast %get3A_445 : vector<1x16xf32> to vector<16xf32>
        %add3A_447 = arith.addf %add3A_409, %get3A_446 : vector<16xf32>
        %get3A_448 = arith.constant 0 : i32
        %get3A_449 = arith.constant 0 : i32
        %get3A_450 = tpu.memref_slice %arg6[%scan3A_225, %get3A_448, %get3A_449] : memref<8x128x64xf32, #tpu.memory_space<vmem>> -> memref<1x128x64xf32, #tpu.memory_space<vmem>>
        %get3A_451 = tpu.memref_squeeze %get3A_450 : memref<1x128x64xf32, #tpu.memory_space<vmem>> -> memref<128x64xf32, #tpu.memory_space<vmem>>
        %get3A_452 = arith.index_cast %add3A_429 : i32 to index
        %get3A_453 = arith.constant 32 : index
        %get3A_454 = tpu.vector_load %get3A_451[%get3A_452, %get3A_453] {strides = array<i32>} : memref<128x64xf32, #tpu.memory_space<vmem>>, vector<1x16xf32>,
        %get3A_455 = vector.shape_cast %get3A_454 : vector<1x16xf32> to vector<16xf32>
        %add3A_456 = arith.addf %add3A_418, %get3A_455 : vector<16xf32>
        %get3A_457 = arith.constant 0 : i32
        %get3A_458 = arith.constant 0 : i32
        %get3A_459 = tpu.memref_slice %arg6[%scan3A_225, %get3A_457, %get3A_458] : memref<8x128x64xf32, #tpu.memory_space<vmem>> -> memref<1x128x64xf32, #tpu.memory_space<vmem>>
        %get3A_460 = tpu.memref_squeeze %get3A_459 : memref<1x128x64xf32, #tpu.memory_space<vmem>> -> memref<128x64xf32, #tpu.memory_space<vmem>>
        %get3A_461 = arith.index_cast %add3A_429 : i32 to index
        %get3A_462 = arith.constant 48 : index
        %get3A_463 = tpu.vector_load %get3A_460[%get3A_461, %get3A_462] {strides = array<i32>} : memref<128x64xf32, #tpu.memory_space<vmem>>, vector<1x16xf32>,
        %get3A_464 = vector.shape_cast %get3A_463 : vector<1x16xf32> to vector<16xf32>
        %add3A_465 = arith.addf %add3A_427, %get3A_464 : vector<16xf32>
        %add3A_466 = arith.constant 2 : i32
        %add3A_467 = arith.addi %mul3A_390, %add3A_466 : i32
        %get3A_468 = arith.constant 0 : i32
        %get3A_469 = arith.constant 0 : i32
        %get3A_470 = tpu.memref_slice %arg6[%scan3A_225, %get3A_468, %get3A_469] : memref<8x128x64xf32, #tpu.memory_space<vmem>> -> memref<1x128x64xf32, #tpu.memory_space<vmem>>
        %get3A_471 = tpu.memref_squeeze %get3A_470 : memref<1x128x64xf32, #tpu.memory_space<vmem>> -> memref<128x64xf32, #tpu.memory_space<vmem>>
        %get3A_472 = arith.index_cast %add3A_467 : i32 to index
        %get3A_473 = arith.constant 0 : index
        %get3A_474 = tpu.vector_load %get3A_471[%get3A_472, %get3A_473] {strides = array<i32>} : memref<128x64xf32, #tpu.memory_space<vmem>>, vector<1x16xf32>,
        %get3A_475 = vector.shape_cast %get3A_474 : vector<1x16xf32> to vector<16xf32>
        %add3A_476 = arith.addf %add3A_438, %get3A_475 : vector<16xf32>
        %get3A_477 = arith.constant 0 : i32
        %get3A_478 = arith.constant 0 : i32
        %get3A_479 = tpu.memref_slice %arg6[%scan3A_225, %get3A_477, %get3A_478] : memref<8x128x64xf32, #tpu.memory_space<vmem>> -> memref<1x128x64xf32, #tpu.memory_space<vmem>>
        %get3A_480 = tpu.memref_squeeze %get3A_479 : memref<1x128x64xf32, #tpu.memory_space<vmem>> -> memref<128x64xf32, #tpu.memory_space<vmem>>
        %get3A_481 = arith.index_cast %add3A_467 : i32 to index
        %get3A_482 = arith.constant 16 : index
        %get3A_483 = tpu.vector_load %get3A_480[%get3A_481, %get3A_482] {strides = array<i32>} : memref<128x64xf32, #tpu.memory_space<vmem>>, vector<1x16xf32>,
        %get3A_484 = vector.shape_cast %get3A_483 : vector<1x16xf32> to vector<16xf32>
        %add3A_485 = arith.addf %add3A_447, %get3A_484 : vector<16xf32>
        %get3A_486 = arith.constant 0 : i32
        %get3A_487 = arith.constant 0 : i32
        %get3A_488 = tpu.memref_slice %arg6[%scan3A_225, %get3A_486, %get3A_487] : memref<8x128x64xf32, #tpu.memory_space<vmem>> -> memref<1x128x64xf32, #tpu.memory_space<vmem>>
        %get3A_489 = tpu.memref_squeeze %get3A_488 : memref<1x128x64xf32, #tpu.memory_space<vmem>> -> memref<128x64xf32, #tpu.memory_space<vmem>>
        %get3A_490 = arith.index_cast %add3A_467 : i32 to index
        %get3A_491 = arith.constant 32 : index
        %get3A_492 = tpu.vector_load %get3A_489[%get3A_490, %get3A_491] {strides = array<i32>} : memref<128x64xf32, #tpu.memory_space<vmem>>, vector<1x16xf32>,
        %get3A_493 = vector.shape_cast %get3A_492 : vector<1x16xf32> to vector<16xf32>
        %add3A_494 = arith.addf %add3A_456, %get3A_493 : vector<16xf32>
        %get3A_495 = arith.constant 0 : i32
        %get3A_496 = arith.constant 0 : i32
        %get3A_497 = tpu.memref_slice %arg6[%scan3A_225, %get3A_495, %get3A_496] : memref<8x128x64xf32, #tpu.memory_space<vmem>> -> memref<1x128x64xf32, #tpu.memory_space<vmem>>
        %get3A_498 = tpu.memref_squeeze %get3A_497 : memref<1x128x64xf32, #tpu.memory_space<vmem>> -> memref<128x64xf32, #tpu.memory_space<vmem>>
        %get3A_499 = arith.index_cast %add3A_467 : i32 to index
        %get3A_500 = arith.constant 48 : index
        %get3A_501 = tpu.vector_load %get3A_498[%get3A_499, %get3A_500] {strides = array<i32>} : memref<128x64xf32, #tpu.memory_space<vmem>>, vector<1x16xf32>,
        %get3A_502 = vector.shape_cast %get3A_501 : vector<1x16xf32> to vector<16xf32>
        %add3A_503 = arith.addf %add3A_465, %get3A_502 : vector<16xf32>
        %add3A_504 = arith.constant 3 : i32
        %add3A_505 = arith.addi %mul3A_390, %add3A_504 : i32
        %get3A_506 = arith.constant 0 : i32
        %get3A_507 = arith.constant 0 : i32
        %get3A_508 = tpu.memref_slice %arg6[%scan3A_225, %get3A_506, %get3A_507] : memref<8x128x64xf32, #tpu.memory_space<vmem>> -> memref<1x128x64xf32, #tpu.memory_space<vmem>>
        %get3A_509 = tpu.memref_squeeze %get3A_508 : memref<1x128x64xf32, #tpu.memory_space<vmem>> -> memref<128x64xf32, #tpu.memory_space<vmem>>
        %get3A_510 = arith.index_cast %add3A_505 : i32 to index
        %get3A_511 = arith.constant 0 : index
        %get3A_512 = tpu.vector_load %get3A_509[%get3A_510, %get3A_511] {strides = array<i32>} : memref<128x64xf32, #tpu.memory_space<vmem>>, vector<1x16xf32>,
        %get3A_513 = vector.shape_cast %get3A_512 : vector<1x16xf32> to vector<16xf32>
        %add3A_514 = arith.addf %add3A_476, %get3A_513 : vector<16xf32>
        %get3A_515 = arith.constant 0 : i32
        %get3A_516 = arith.constant 0 : i32
        %get3A_517 = tpu.memref_slice %arg6[%scan3A_225, %get3A_515, %get3A_516] : memref<8x128x64xf32, #tpu.memory_space<vmem>> -> memref<1x128x64xf32, #tpu.memory_space<vmem>>
        %get3A_518 = tpu.memref_squeeze %get3A_517 : memref<1x128x64xf32, #tpu.memory_space<vmem>> -> memref<128x64xf32, #tpu.memory_space<vmem>>
        %get3A_519 = arith.index_cast %add3A_505 : i32 to index
        %get3A_520 = arith.constant 16 : index
        %get3A_521 = tpu.vector_load %get3A_518[%get3A_519, %get3A_520] {strides = array<i32>} : memref<128x64xf32, #tpu.memory_space<vmem>>, vector<1x16xf32>,
        %get3A_522 = vector.shape_cast %get3A_521 : vector<1x16xf32> to vector<16xf32>
        %add3A_523 = arith.addf %add3A_485, %get3A_522 : vector<16xf32>
        %get3A_524 = arith.constant 0 : i32
        %get3A_525 = arith.constant 0 : i32
        %get3A_526 = tpu.memref_slice %arg6[%scan3A_225, %get3A_524, %get3A_525] : memref<8x128x64xf32, #tpu.memory_space<vmem>> -> memref<1x128x64xf32, #tpu.memory_space<vmem>>
        %get3A_527 = tpu.memref_squeeze %get3A_526 : memref<1x128x64xf32, #tpu.memory_space<vmem>> -> memref<128x64xf32, #tpu.memory_space<vmem>>
        %get3A_528 = arith.index_cast %add3A_505 : i32 to index
        %get3A_529 = arith.constant 32 : index
        %get3A_530 = tpu.vector_load %get3A_527[%get3A_528, %get3A_529] {strides = array<i32>} : memref<128x64xf32, #tpu.memory_space<vmem>>, vector<1x16xf32>,
        %get3A_531 = vector.shape_cast %get3A_530 : vector<1x16xf32> to vector<16xf32>
        %add3A_532 = arith.addf %add3A_494, %get3A_531 : vector<16xf32>
        %get3A_533 = arith.constant 0 : i32
        %get3A_534 = arith.constant 0 : i32
        %get3A_535 = tpu.memref_slice %arg6[%scan3A_225, %get3A_533, %get3A_534] : memref<8x128x64xf32, #tpu.memory_space<vmem>> -> memref<1x128x64xf32, #tpu.memory_space<vmem>>
        %get3A_536 = tpu.memref_squeeze %get3A_535 : memref<1x128x64xf32, #tpu.memory_space<vmem>> -> memref<128x64xf32, #tpu.memory_space<vmem>>
        %get3A_537 = arith.index_cast %add3A_505 : i32 to index
        %get3A_538 = arith.constant 48 : index
        %get3A_539 = tpu.vector_load %get3A_536[%get3A_537, %get3A_538] {strides = array<i32>} : memref<128x64xf32, #tpu.memory_space<vmem>>, vector<1x16xf32>,
        %get3A_540 = vector.shape_cast %get3A_539 : vector<1x16xf32> to vector<16xf32>
        %add3A_541 = arith.addf %add3A_503, %get3A_540 : vector<16xf32>
        scf.yield %add3A_514, %add3A_523, %add3A_532, %add3A_541 : vector<16xf32>, vector<16xf32>, vector<16xf32>, vector<16xf32>
      }
      %scan3A_231 = arith.constant 32 : i32
      %add3A_232 = arith.constant 8 : i32
      %add3A_233 = arith.addi %add3A_213, %add3A_232 : i32
      %lt3A_234 = arith.constant 256 : i32
      %lt3A_235 = arith.cmpi slt, %add3A_233, %lt3A_234 : i32
      %convert_element_type3A_236 = arith.extui %lt3A_235 : i1 to i32
      %cond3A_237 = arith.constant 0 : i32
      %cond3A_238 = arith.cmpi ne, %convert_element_type3A_236, %cond3A_237 : i32
      scf.if %cond3A_238 {
        %add3A_384 = arith.constant 8 : i32
        %add3A_385 = arith.addi %add3A_213, %add3A_384 : i32
        %dma_start3A_386 = arith.constant 2 : i32
        %dma_start3A_387 = arith.constant 0 : i32
        %dma_start3A_388 = arith.constant 0 : i32
        %dma_start3A_389 = tpu.memref_slice %arg6[%dma_start3A_386, %dma_start3A_387, %dma_start3A_388] : memref<8x128x64xf32, #tpu.memory_space<vmem>> -> memref<1x128x64xf32, #tpu.memory_space<vmem>>
        %dma_start3A_390 = tpu.memref_squeeze %dma_start3A_389 : memref<1x128x64xf32, #tpu.memory_space<vmem>> -> memref<128x64xf32, #tpu.memory_space<vmem>>
        %dma_start3A_391 = arith.constant 0 : i32
        %dma_start3A_392 = tpu.memref_slice %arg5[%add3A_385, %dma_start3A_391] : memref<256x128xi32, #tpu.memory_space<vmem>> -> memref<1x128xi32, #tpu.memory_space<vmem>>
        %dma_start3A_393 = tpu.memref_squeeze %dma_start3A_392 : memref<1x128xi32, #tpu.memory_space<vmem>> -> memref<128xi32, #tpu.memory_space<vmem>>
        %dma_start3A_394 = arith.constant 0 : i32
        %dma_start3A_395 = arith.constant 0 : i32
        %dma_start3A_396 = tpu.memref_slice %arg3[%dma_start3A_394, %dma_start3A_395] : memref<1015808x64xf32, #tpu.memory_space<hbm>> -> memref<1015808x64xf32, #tpu.memory_space<hbm>>
        tpu.enqueue_indirect_dma source(%dma_start3A_396 : memref<1015808x64xf32, #tpu.memory_space<hbm>>) target(%dma_start3A_390 : memref<128x64xf32, #tpu.memory_space<vmem>>) offsets(%dma_start3A_393 : memref<128xi32, #tpu.memory_space<vmem>>) semaphore(%arg10 : memref<!tpu.dma_semaphore, #tpu.memory_space<semaphore_mem>>)
      } else {
      }
      %mul3A_239 = arith.constant 8 : i32
      %mul3A_240 = arith.muli %scan3A_150, %mul3A_239 : i32
      %add3A_241 = arith.constant 3 : i32
      %add3A_242 = arith.addi %mul3A_240, %add3A_241 : i32
      %dma_wait3A_243 = arith.constant 3 : i32
      %dma_wait3A_244 = arith.constant 0 : i32
      %dma_wait3A_245 = arith.constant 0 : i32
      %dma_wait3A_246 = tpu.memref_slice %arg6[%dma_wait3A_243, %dma_wait3A_244, %dma_wait3A_245] : memref<8x128x64xf32, #tpu.memory_space<vmem>> -> memref<1x128x64xf32, #tpu.memory_space<vmem>>
      %dma_wait3A_247 = tpu.memref_squeeze %dma_wait3A_246 : memref<1x128x64xf32, #tpu.memory_space<vmem>> -> memref<128x64xf32, #tpu.memory_space<vmem>>
      %dma_wait3A_248 = arith.constant 0 : i32
      %dma_wait3A_249 = tpu.memref_slice %arg5[%add3A_242, %dma_wait3A_248] : memref<256x128xi32, #tpu.memory_space<vmem>> -> memref<1x128xi32, #tpu.memory_space<vmem>>
      %dma_wait3A_250 = tpu.memref_squeeze %dma_wait3A_249 : memref<1x128xi32, #tpu.memory_space<vmem>> -> memref<128xi32, #tpu.memory_space<vmem>>
      %dma_wait3A_251 = arith.constant 0 : i32
      %dma_wait3A_252 = arith.constant 0 : i32
      %dma_wait3A_253 = tpu.memref_slice %arg3[%dma_wait3A_251, %dma_wait3A_252] : memref<1015808x64xf32, #tpu.memory_space<hbm>> -> memref<1015808x64xf32, #tpu.memory_space<hbm>>
      tpu.wait_indirect_dma semaphore(%arg11 : memref<!tpu.dma_semaphore, #tpu.memory_space<semaphore_mem>>) src(%dma_wait3A_253 : memref<1015808x64xf32, #tpu.memory_space<hbm>>) dst(%dma_wait3A_247 : memref<128x64xf32, #tpu.memory_space<vmem>>)
      %scan3A_254 = arith.constant 3 : i32
      %scan3A_255 = arith.constant 0 : i32
      %scan3A_256 = arith.constant 32 : i32
      %scan3A_257 = arith.addi %scan3A_255, %scan3A_256 : i32
      %scan3A_258 = arith.constant 1 : i32
      %scan3A_259:4 = scf.for %scan3A_384 = %scan3A_255 to %scan3A_257 step %scan3A_258 iter_args(%scan3A_385 = %scan3A_230#0, %scan3A_386 = %scan3A_230#1, %scan3A_387 = %scan3A_230#2, %scan3A_388 = %scan3A_230#3) -> (vector<16xf32>, vector<16xf32>, vector<16xf32>, vector<16xf32>)  : i32 {
        %mul3A_389 = arith.constant 4 : i32
        %mul3A_390 = arith.muli %scan3A_384, %mul3A_389 : i32
        %add3A_391 = arith.constant 0 : i32
        %add3A_392 = arith.addi %mul3A_390, %add3A_391 : i32
        %get3A = arith.constant 0 : i32
        %get3A_393 = arith.constant 0 : i32
        %get3A_394 = tpu.memref_slice %arg6[%scan3A_254, %get3A, %get3A_393] : memref<8x128x64xf32, #tpu.memory_space<vmem>> -> memref<1x128x64xf32, #tpu.memory_space<vmem>>
        %get3A_395 = tpu.memref_squeeze %get3A_394 : memref<1x128x64xf32, #tpu.memory_space<vmem>> -> memref<128x64xf32, #tpu.memory_space<vmem>>
        %get3A_396 = arith.index_cast %add3A_392 : i32 to index
        %get3A_397 = arith.constant 0 : index
        %get3A_398 = tpu.vector_load %get3A_395[%get3A_396, %get3A_397] {strides = array<i32>} : memref<128x64xf32, #tpu.memory_space<vmem>>, vector<1x16xf32>,
        %get3A_399 = vector.shape_cast %get3A_398 : vector<1x16xf32> to vector<16xf32>
        %add3A_400 = arith.addf %scan3A_385, %get3A_399 : vector<16xf32>
        %get3A_401 = arith.constant 0 : i32
        %get3A_402 = arith.constant 0 : i32
        %get3A_403 = tpu.memref_slice %arg6[%scan3A_254, %get3A_401, %get3A_402] : memref<8x128x64xf32, #tpu.memory_space<vmem>> -> memref<1x128x64xf32, #tpu.memory_space<vmem>>
        %get3A_404 = tpu.memref_squeeze %get3A_403 : memref<1x128x64xf32, #tpu.memory_space<vmem>> -> memref<128x64xf32, #tpu.memory_space<vmem>>
        %get3A_405 = arith.index_cast %add3A_392 : i32 to index
        %get3A_406 = arith.constant 16 : index
        %get3A_407 = tpu.vector_load %get3A_404[%get3A_405, %get3A_406] {strides = array<i32>} : memref<128x64xf32, #tpu.memory_space<vmem>>, vector<1x16xf32>,
        %get3A_408 = vector.shape_cast %get3A_407 : vector<1x16xf32> to vector<16xf32>
        %add3A_409 = arith.addf %scan3A_386, %get3A_408 : vector<16xf32>
        %get3A_410 = arith.constant 0 : i32
        %get3A_411 = arith.constant 0 : i32
        %get3A_412 = tpu.memref_slice %arg6[%scan3A_254, %get3A_410, %get3A_411] : memref<8x128x64xf32, #tpu.memory_space<vmem>> -> memref<1x128x64xf32, #tpu.memory_space<vmem>>
        %get3A_413 = tpu.memref_squeeze %get3A_412 : memref<1x128x64xf32, #tpu.memory_space<vmem>> -> memref<128x64xf32, #tpu.memory_space<vmem>>
        %get3A_414 = arith.index_cast %add3A_392 : i32 to index
        %get3A_415 = arith.constant 32 : index
        %get3A_416 = tpu.vector_load %get3A_413[%get3A_414, %get3A_415] {strides = array<i32>} : memref<128x64xf32, #tpu.memory_space<vmem>>, vector<1x16xf32>,
        %get3A_417 = vector.shape_cast %get3A_416 : vector<1x16xf32> to vector<16xf32>
        %add3A_418 = arith.addf %scan3A_387, %get3A_417 : vector<16xf32>
        %get3A_419 = arith.constant 0 : i32
        %get3A_420 = arith.constant 0 : i32
        %get3A_421 = tpu.memref_slice %arg6[%scan3A_254, %get3A_419, %get3A_420] : memref<8x128x64xf32, #tpu.memory_space<vmem>> -> memref<1x128x64xf32, #tpu.memory_space<vmem>>
        %get3A_422 = tpu.memref_squeeze %get3A_421 : memref<1x128x64xf32, #tpu.memory_space<vmem>> -> memref<128x64xf32, #tpu.memory_space<vmem>>
        %get3A_423 = arith.index_cast %add3A_392 : i32 to index
        %get3A_424 = arith.constant 48 : index
        %get3A_425 = tpu.vector_load %get3A_422[%get3A_423, %get3A_424] {strides = array<i32>} : memref<128x64xf32, #tpu.memory_space<vmem>>, vector<1x16xf32>,
        %get3A_426 = vector.shape_cast %get3A_425 : vector<1x16xf32> to vector<16xf32>
        %add3A_427 = arith.addf %scan3A_388, %get3A_426 : vector<16xf32>
        %add3A_428 = arith.constant 1 : i32
        %add3A_429 = arith.addi %mul3A_390, %add3A_428 : i32
        %get3A_430 = arith.constant 0 : i32
        %get3A_431 = arith.constant 0 : i32
        %get3A_432 = tpu.memref_slice %arg6[%scan3A_254, %get3A_430, %get3A_431] : memref<8x128x64xf32, #tpu.memory_space<vmem>> -> memref<1x128x64xf32, #tpu.memory_space<vmem>>
        %get3A_433 = tpu.memref_squeeze %get3A_432 : memref<1x128x64xf32, #tpu.memory_space<vmem>> -> memref<128x64xf32, #tpu.memory_space<vmem>>
        %get3A_434 = arith.index_cast %add3A_429 : i32 to index
        %get3A_435 = arith.constant 0 : index
        %get3A_436 = tpu.vector_load %get3A_433[%get3A_434, %get3A_435] {strides = array<i32>} : memref<128x64xf32, #tpu.memory_space<vmem>>, vector<1x16xf32>,
        %get3A_437 = vector.shape_cast %get3A_436 : vector<1x16xf32> to vector<16xf32>
        %add3A_438 = arith.addf %add3A_400, %get3A_437 : vector<16xf32>
        %get3A_439 = arith.constant 0 : i32
        %get3A_440 = arith.constant 0 : i32
        %get3A_441 = tpu.memref_slice %arg6[%scan3A_254, %get3A_439, %get3A_440] : memref<8x128x64xf32, #tpu.memory_space<vmem>> -> memref<1x128x64xf32, #tpu.memory_space<vmem>>
        %get3A_442 = tpu.memref_squeeze %get3A_441 : memref<1x128x64xf32, #tpu.memory_space<vmem>> -> memref<128x64xf32, #tpu.memory_space<vmem>>
        %get3A_443 = arith.index_cast %add3A_429 : i32 to index
        %get3A_444 = arith.constant 16 : index
        %get3A_445 = tpu.vector_load %get3A_442[%get3A_443, %get3A_444] {strides = array<i32>} : memref<128x64xf32, #tpu.memory_space<vmem>>, vector<1x16xf32>,
        %get3A_446 = vector.shape_cast %get3A_445 : vector<1x16xf32> to vector<16xf32>
        %add3A_447 = arith.addf %add3A_409, %get3A_446 : vector<16xf32>
        %get3A_448 = arith.constant 0 : i32
        %get3A_449 = arith.constant 0 : i32
        %get3A_450 = tpu.memref_slice %arg6[%scan3A_254, %get3A_448, %get3A_449] : memref<8x128x64xf32, #tpu.memory_space<vmem>> -> memref<1x128x64xf32, #tpu.memory_space<vmem>>
        %get3A_451 = tpu.memref_squeeze %get3A_450 : memref<1x128x64xf32, #tpu.memory_space<vmem>> -> memref<128x64xf32, #tpu.memory_space<vmem>>
        %get3A_452 = arith.index_cast %add3A_429 : i32 to index
        %get3A_453 = arith.constant 32 : index
        %get3A_454 = tpu.vector_load %get3A_451[%get3A_452, %get3A_453] {strides = array<i32>} : memref<128x64xf32, #tpu.memory_space<vmem>>, vector<1x16xf32>,
        %get3A_455 = vector.shape_cast %get3A_454 : vector<1x16xf32> to vector<16xf32>
        %add3A_456 = arith.addf %add3A_418, %get3A_455 : vector<16xf32>
        %get3A_457 = arith.constant 0 : i32
        %get3A_458 = arith.constant 0 : i32
        %get3A_459 = tpu.memref_slice %arg6[%scan3A_254, %get3A_457, %get3A_458] : memref<8x128x64xf32, #tpu.memory_space<vmem>> -> memref<1x128x64xf32, #tpu.memory_space<vmem>>
        %get3A_460 = tpu.memref_squeeze %get3A_459 : memref<1x128x64xf32, #tpu.memory_space<vmem>> -> memref<128x64xf32, #tpu.memory_space<vmem>>
        %get3A_461 = arith.index_cast %add3A_429 : i32 to index
        %get3A_462 = arith.constant 48 : index
        %get3A_463 = tpu.vector_load %get3A_460[%get3A_461, %get3A_462] {strides = array<i32>} : memref<128x64xf32, #tpu.memory_space<vmem>>, vector<1x16xf32>,
        %get3A_464 = vector.shape_cast %get3A_463 : vector<1x16xf32> to vector<16xf32>
        %add3A_465 = arith.addf %add3A_427, %get3A_464 : vector<16xf32>
        %add3A_466 = arith.constant 2 : i32
        %add3A_467 = arith.addi %mul3A_390, %add3A_466 : i32
        %get3A_468 = arith.constant 0 : i32
        %get3A_469 = arith.constant 0 : i32
        %get3A_470 = tpu.memref_slice %arg6[%scan3A_254, %get3A_468, %get3A_469] : memref<8x128x64xf32, #tpu.memory_space<vmem>> -> memref<1x128x64xf32, #tpu.memory_space<vmem>>
        %get3A_471 = tpu.memref_squeeze %get3A_470 : memref<1x128x64xf32, #tpu.memory_space<vmem>> -> memref<128x64xf32, #tpu.memory_space<vmem>>
        %get3A_472 = arith.index_cast %add3A_467 : i32 to index
        %get3A_473 = arith.constant 0 : index
        %get3A_474 = tpu.vector_load %get3A_471[%get3A_472, %get3A_473] {strides = array<i32>} : memref<128x64xf32, #tpu.memory_space<vmem>>, vector<1x16xf32>,
        %get3A_475 = vector.shape_cast %get3A_474 : vector<1x16xf32> to vector<16xf32>
        %add3A_476 = arith.addf %add3A_438, %get3A_475 : vector<16xf32>
        %get3A_477 = arith.constant 0 : i32
        %get3A_478 = arith.constant 0 : i32
        %get3A_479 = tpu.memref_slice %arg6[%scan3A_254, %get3A_477, %get3A_478] : memref<8x128x64xf32, #tpu.memory_space<vmem>> -> memref<1x128x64xf32, #tpu.memory_space<vmem>>
        %get3A_480 = tpu.memref_squeeze %get3A_479 : memref<1x128x64xf32, #tpu.memory_space<vmem>> -> memref<128x64xf32, #tpu.memory_space<vmem>>
        %get3A_481 = arith.index_cast %add3A_467 : i32 to index
        %get3A_482 = arith.constant 16 : index
        %get3A_483 = tpu.vector_load %get3A_480[%get3A_481, %get3A_482] {strides = array<i32>} : memref<128x64xf32, #tpu.memory_space<vmem>>, vector<1x16xf32>,
        %get3A_484 = vector.shape_cast %get3A_483 : vector<1x16xf32> to vector<16xf32>
        %add3A_485 = arith.addf %add3A_447, %get3A_484 : vector<16xf32>
        %get3A_486 = arith.constant 0 : i32
        %get3A_487 = arith.constant 0 : i32
        %get3A_488 = tpu.memref_slice %arg6[%scan3A_254, %get3A_486, %get3A_487] : memref<8x128x64xf32, #tpu.memory_space<vmem>> -> memref<1x128x64xf32, #tpu.memory_space<vmem>>
        %get3A_489 = tpu.memref_squeeze %get3A_488 : memref<1x128x64xf32, #tpu.memory_space<vmem>> -> memref<128x64xf32, #tpu.memory_space<vmem>>
        %get3A_490 = arith.index_cast %add3A_467 : i32 to index
        %get3A_491 = arith.constant 32 : index
        %get3A_492 = tpu.vector_load %get3A_489[%get3A_490, %get3A_491] {strides = array<i32>} : memref<128x64xf32, #tpu.memory_space<vmem>>, vector<1x16xf32>,
        %get3A_493 = vector.shape_cast %get3A_492 : vector<1x16xf32> to vector<16xf32>
        %add3A_494 = arith.addf %add3A_456, %get3A_493 : vector<16xf32>
        %get3A_495 = arith.constant 0 : i32
        %get3A_496 = arith.constant 0 : i32
        %get3A_497 = tpu.memref_slice %arg6[%scan3A_254, %get3A_495, %get3A_496] : memref<8x128x64xf32, #tpu.memory_space<vmem>> -> memref<1x128x64xf32, #tpu.memory_space<vmem>>
        %get3A_498 = tpu.memref_squeeze %get3A_497 : memref<1x128x64xf32, #tpu.memory_space<vmem>> -> memref<128x64xf32, #tpu.memory_space<vmem>>
        %get3A_499 = arith.index_cast %add3A_467 : i32 to index
        %get3A_500 = arith.constant 48 : index
        %get3A_501 = tpu.vector_load %get3A_498[%get3A_499, %get3A_500] {strides = array<i32>} : memref<128x64xf32, #tpu.memory_space<vmem>>, vector<1x16xf32>,
        %get3A_502 = vector.shape_cast %get3A_501 : vector<1x16xf32> to vector<16xf32>
        %add3A_503 = arith.addf %add3A_465, %get3A_502 : vector<16xf32>
        %add3A_504 = arith.constant 3 : i32
        %add3A_505 = arith.addi %mul3A_390, %add3A_504 : i32
        %get3A_506 = arith.constant 0 : i32
        %get3A_507 = arith.constant 0 : i32
        %get3A_508 = tpu.memref_slice %arg6[%scan3A_254, %get3A_506, %get3A_507] : memref<8x128x64xf32, #tpu.memory_space<vmem>> -> memref<1x128x64xf32, #tpu.memory_space<vmem>>
        %get3A_509 = tpu.memref_squeeze %get3A_508 : memref<1x128x64xf32, #tpu.memory_space<vmem>> -> memref<128x64xf32, #tpu.memory_space<vmem>>
        %get3A_510 = arith.index_cast %add3A_505 : i32 to index
        %get3A_511 = arith.constant 0 : index
        %get3A_512 = tpu.vector_load %get3A_509[%get3A_510, %get3A_511] {strides = array<i32>} : memref<128x64xf32, #tpu.memory_space<vmem>>, vector<1x16xf32>,
        %get3A_513 = vector.shape_cast %get3A_512 : vector<1x16xf32> to vector<16xf32>
        %add3A_514 = arith.addf %add3A_476, %get3A_513 : vector<16xf32>
        %get3A_515 = arith.constant 0 : i32
        %get3A_516 = arith.constant 0 : i32
        %get3A_517 = tpu.memref_slice %arg6[%scan3A_254, %get3A_515, %get3A_516] : memref<8x128x64xf32, #tpu.memory_space<vmem>> -> memref<1x128x64xf32, #tpu.memory_space<vmem>>
        %get3A_518 = tpu.memref_squeeze %get3A_517 : memref<1x128x64xf32, #tpu.memory_space<vmem>> -> memref<128x64xf32, #tpu.memory_space<vmem>>
        %get3A_519 = arith.index_cast %add3A_505 : i32 to index
        %get3A_520 = arith.constant 16 : index
        %get3A_521 = tpu.vector_load %get3A_518[%get3A_519, %get3A_520] {strides = array<i32>} : memref<128x64xf32, #tpu.memory_space<vmem>>, vector<1x16xf32>,
        %get3A_522 = vector.shape_cast %get3A_521 : vector<1x16xf32> to vector<16xf32>
        %add3A_523 = arith.addf %add3A_485, %get3A_522 : vector<16xf32>
        %get3A_524 = arith.constant 0 : i32
        %get3A_525 = arith.constant 0 : i32
        %get3A_526 = tpu.memref_slice %arg6[%scan3A_254, %get3A_524, %get3A_525] : memref<8x128x64xf32, #tpu.memory_space<vmem>> -> memref<1x128x64xf32, #tpu.memory_space<vmem>>
        %get3A_527 = tpu.memref_squeeze %get3A_526 : memref<1x128x64xf32, #tpu.memory_space<vmem>> -> memref<128x64xf32, #tpu.memory_space<vmem>>
        %get3A_528 = arith.index_cast %add3A_505 : i32 to index
        %get3A_529 = arith.constant 32 : index
        %get3A_530 = tpu.vector_load %get3A_527[%get3A_528, %get3A_529] {strides = array<i32>} : memref<128x64xf32, #tpu.memory_space<vmem>>, vector<1x16xf32>,
        %get3A_531 = vector.shape_cast %get3A_530 : vector<1x16xf32> to vector<16xf32>
        %add3A_532 = arith.addf %add3A_494, %get3A_531 : vector<16xf32>
        %get3A_533 = arith.constant 0 : i32
        %get3A_534 = arith.constant 0 : i32
        %get3A_535 = tpu.memref_slice %arg6[%scan3A_254, %get3A_533, %get3A_534] : memref<8x128x64xf32, #tpu.memory_space<vmem>> -> memref<1x128x64xf32, #tpu.memory_space<vmem>>
        %get3A_536 = tpu.memref_squeeze %get3A_535 : memref<1x128x64xf32, #tpu.memory_space<vmem>> -> memref<128x64xf32, #tpu.memory_space<vmem>>
        %get3A_537 = arith.index_cast %add3A_505 : i32 to index
        %get3A_538 = arith.constant 48 : index
        %get3A_539 = tpu.vector_load %get3A_536[%get3A_537, %get3A_538] {strides = array<i32>} : memref<128x64xf32, #tpu.memory_space<vmem>>, vector<1x16xf32>,
        %get3A_540 = vector.shape_cast %get3A_539 : vector<1x16xf32> to vector<16xf32>
        %add3A_541 = arith.addf %add3A_503, %get3A_540 : vector<16xf32>
        scf.yield %add3A_514, %add3A_523, %add3A_532, %add3A_541 : vector<16xf32>, vector<16xf32>, vector<16xf32>, vector<16xf32>
      }
      %scan3A_260 = arith.constant 32 : i32
      %add3A_261 = arith.constant 8 : i32
      %add3A_262 = arith.addi %add3A_242, %add3A_261 : i32
      %lt3A_263 = arith.constant 256 : i32
      %lt3A_264 = arith.cmpi slt, %add3A_262, %lt3A_263 : i32
      %convert_element_type3A_265 = arith.extui %lt3A_264 : i1 to i32
      %cond3A_266 = arith.constant 0 : i32
      %cond3A_267 = arith.cmpi ne, %convert_element_type3A_265, %cond3A_266 : i32
      scf.if %cond3A_267 {
        %add3A_384 = arith.constant 8 : i32
        %add3A_385 = arith.addi %add3A_242, %add3A_384 : i32
        %dma_start3A_386 = arith.constant 3 : i32
        %dma_start3A_387 = arith.constant 0 : i32
        %dma_start3A_388 = arith.constant 0 : i32
        %dma_start3A_389 = tpu.memref_slice %arg6[%dma_start3A_386, %dma_start3A_387, %dma_start3A_388] : memref<8x128x64xf32, #tpu.memory_space<vmem>> -> memref<1x128x64xf32, #tpu.memory_space<vmem>>
        %dma_start3A_390 = tpu.memref_squeeze %dma_start3A_389 : memref<1x128x64xf32, #tpu.memory_space<vmem>> -> memref<128x64xf32, #tpu.memory_space<vmem>>
        %dma_start3A_391 = arith.constant 0 : i32
        %dma_start3A_392 = tpu.memref_slice %arg5[%add3A_385, %dma_start3A_391] : memref<256x128xi32, #tpu.memory_space<vmem>> -> memref<1x128xi32, #tpu.memory_space<vmem>>
        %dma_start3A_393 = tpu.memref_squeeze %dma_start3A_392 : memref<1x128xi32, #tpu.memory_space<vmem>> -> memref<128xi32, #tpu.memory_space<vmem>>
        %dma_start3A_394 = arith.constant 0 : i32
        %dma_start3A_395 = arith.constant 0 : i32
        %dma_start3A_396 = tpu.memref_slice %arg3[%dma_start3A_394, %dma_start3A_395] : memref<1015808x64xf32, #tpu.memory_space<hbm>> -> memref<1015808x64xf32, #tpu.memory_space<hbm>>
        tpu.enqueue_indirect_dma source(%dma_start3A_396 : memref<1015808x64xf32, #tpu.memory_space<hbm>>) target(%dma_start3A_390 : memref<128x64xf32, #tpu.memory_space<vmem>>) offsets(%dma_start3A_393 : memref<128xi32, #tpu.memory_space<vmem>>) semaphore(%arg11 : memref<!tpu.dma_semaphore, #tpu.memory_space<semaphore_mem>>)
      } else {
      }
      %mul3A_268 = arith.constant 8 : i32
      %mul3A_269 = arith.muli %scan3A_150, %mul3A_268 : i32
      %add3A_270 = arith.constant 4 : i32
      %add3A_271 = arith.addi %mul3A_269, %add3A_270 : i32
      %dma_wait3A_272 = arith.constant 4 : i32
      %dma_wait3A_273 = arith.constant 0 : i32
      %dma_wait3A_274 = arith.constant 0 : i32
      %dma_wait3A_275 = tpu.memref_slice %arg6[%dma_wait3A_272, %dma_wait3A_273, %dma_wait3A_274] : memref<8x128x64xf32, #tpu.memory_space<vmem>> -> memref<1x128x64xf32, #tpu.memory_space<vmem>>
      %dma_wait3A_276 = tpu.memref_squeeze %dma_wait3A_275 : memref<1x128x64xf32, #tpu.memory_space<vmem>> -> memref<128x64xf32, #tpu.memory_space<vmem>>
      %dma_wait3A_277 = arith.constant 0 : i32
      %dma_wait3A_278 = tpu.memref_slice %arg5[%add3A_271, %dma_wait3A_277] : memref<256x128xi32, #tpu.memory_space<vmem>> -> memref<1x128xi32, #tpu.memory_space<vmem>>
      %dma_wait3A_279 = tpu.memref_squeeze %dma_wait3A_278 : memref<1x128xi32, #tpu.memory_space<vmem>> -> memref<128xi32, #tpu.memory_space<vmem>>
      %dma_wait3A_280 = arith.constant 0 : i32
      %dma_wait3A_281 = arith.constant 0 : i32
      %dma_wait3A_282 = tpu.memref_slice %arg3[%dma_wait3A_280, %dma_wait3A_281] : memref<1015808x64xf32, #tpu.memory_space<hbm>> -> memref<1015808x64xf32, #tpu.memory_space<hbm>>
      tpu.wait_indirect_dma semaphore(%arg12 : memref<!tpu.dma_semaphore, #tpu.memory_space<semaphore_mem>>) src(%dma_wait3A_282 : memref<1015808x64xf32, #tpu.memory_space<hbm>>) dst(%dma_wait3A_276 : memref<128x64xf32, #tpu.memory_space<vmem>>)
      %scan3A_283 = arith.constant 4 : i32
      %scan3A_284 = arith.constant 0 : i32
      %scan3A_285 = arith.constant 32 : i32
      %scan3A_286 = arith.addi %scan3A_284, %scan3A_285 : i32
      %scan3A_287 = arith.constant 1 : i32
      %scan3A_288:4 = scf.for %scan3A_384 = %scan3A_284 to %scan3A_286 step %scan3A_287 iter_args(%scan3A_385 = %scan3A_259#0, %scan3A_386 = %scan3A_259#1, %scan3A_387 = %scan3A_259#2, %scan3A_388 = %scan3A_259#3) -> (vector<16xf32>, vector<16xf32>, vector<16xf32>, vector<16xf32>)  : i32 {
        %mul3A_389 = arith.constant 4 : i32
        %mul3A_390 = arith.muli %scan3A_384, %mul3A_389 : i32
        %add3A_391 = arith.constant 0 : i32
        %add3A_392 = arith.addi %mul3A_390, %add3A_391 : i32
        %get3A = arith.constant 0 : i32
        %get3A_393 = arith.constant 0 : i32
        %get3A_394 = tpu.memref_slice %arg6[%scan3A_283, %get3A, %get3A_393] : memref<8x128x64xf32, #tpu.memory_space<vmem>> -> memref<1x128x64xf32, #tpu.memory_space<vmem>>
        %get3A_395 = tpu.memref_squeeze %get3A_394 : memref<1x128x64xf32, #tpu.memory_space<vmem>> -> memref<128x64xf32, #tpu.memory_space<vmem>>
        %get3A_396 = arith.index_cast %add3A_392 : i32 to index
        %get3A_397 = arith.constant 0 : index
        %get3A_398 = tpu.vector_load %get3A_395[%get3A_396, %get3A_397] {strides = array<i32>} : memref<128x64xf32, #tpu.memory_space<vmem>>, vector<1x16xf32>,
        %get3A_399 = vector.shape_cast %get3A_398 : vector<1x16xf32> to vector<16xf32>
        %add3A_400 = arith.addf %scan3A_385, %get3A_399 : vector<16xf32>
        %get3A_401 = arith.constant 0 : i32
        %get3A_402 = arith.constant 0 : i32
        %get3A_403 = tpu.memref_slice %arg6[%scan3A_283, %get3A_401, %get3A_402] : memref<8x128x64xf32, #tpu.memory_space<vmem>> -> memref<1x128x64xf32, #tpu.memory_space<vmem>>
        %get3A_404 = tpu.memref_squeeze %get3A_403 : memref<1x128x64xf32, #tpu.memory_space<vmem>> -> memref<128x64xf32, #tpu.memory_space<vmem>>
        %get3A_405 = arith.index_cast %add3A_392 : i32 to index
        %get3A_406 = arith.constant 16 : index
        %get3A_407 = tpu.vector_load %get3A_404[%get3A_405, %get3A_406] {strides = array<i32>} : memref<128x64xf32, #tpu.memory_space<vmem>>, vector<1x16xf32>,
        %get3A_408 = vector.shape_cast %get3A_407 : vector<1x16xf32> to vector<16xf32>
        %add3A_409 = arith.addf %scan3A_386, %get3A_408 : vector<16xf32>
        %get3A_410 = arith.constant 0 : i32
        %get3A_411 = arith.constant 0 : i32
        %get3A_412 = tpu.memref_slice %arg6[%scan3A_283, %get3A_410, %get3A_411] : memref<8x128x64xf32, #tpu.memory_space<vmem>> -> memref<1x128x64xf32, #tpu.memory_space<vmem>>
        %get3A_413 = tpu.memref_squeeze %get3A_412 : memref<1x128x64xf32, #tpu.memory_space<vmem>> -> memref<128x64xf32, #tpu.memory_space<vmem>>
        %get3A_414 = arith.index_cast %add3A_392 : i32 to index
        %get3A_415 = arith.constant 32 : index
        %get3A_416 = tpu.vector_load %get3A_413[%get3A_414, %get3A_415] {strides = array<i32>} : memref<128x64xf32, #tpu.memory_space<vmem>>, vector<1x16xf32>,
        %get3A_417 = vector.shape_cast %get3A_416 : vector<1x16xf32> to vector<16xf32>
        %add3A_418 = arith.addf %scan3A_387, %get3A_417 : vector<16xf32>
        %get3A_419 = arith.constant 0 : i32
        %get3A_420 = arith.constant 0 : i32
        %get3A_421 = tpu.memref_slice %arg6[%scan3A_283, %get3A_419, %get3A_420] : memref<8x128x64xf32, #tpu.memory_space<vmem>> -> memref<1x128x64xf32, #tpu.memory_space<vmem>>
        %get3A_422 = tpu.memref_squeeze %get3A_421 : memref<1x128x64xf32, #tpu.memory_space<vmem>> -> memref<128x64xf32, #tpu.memory_space<vmem>>
        %get3A_423 = arith.index_cast %add3A_392 : i32 to index
        %get3A_424 = arith.constant 48 : index
        %get3A_425 = tpu.vector_load %get3A_422[%get3A_423, %get3A_424] {strides = array<i32>} : memref<128x64xf32, #tpu.memory_space<vmem>>, vector<1x16xf32>,
        %get3A_426 = vector.shape_cast %get3A_425 : vector<1x16xf32> to vector<16xf32>
        %add3A_427 = arith.addf %scan3A_388, %get3A_426 : vector<16xf32>
        %add3A_428 = arith.constant 1 : i32
        %add3A_429 = arith.addi %mul3A_390, %add3A_428 : i32
        %get3A_430 = arith.constant 0 : i32
        %get3A_431 = arith.constant 0 : i32
        %get3A_432 = tpu.memref_slice %arg6[%scan3A_283, %get3A_430, %get3A_431] : memref<8x128x64xf32, #tpu.memory_space<vmem>> -> memref<1x128x64xf32, #tpu.memory_space<vmem>>
        %get3A_433 = tpu.memref_squeeze %get3A_432 : memref<1x128x64xf32, #tpu.memory_space<vmem>> -> memref<128x64xf32, #tpu.memory_space<vmem>>
        %get3A_434 = arith.index_cast %add3A_429 : i32 to index
        %get3A_435 = arith.constant 0 : index
        %get3A_436 = tpu.vector_load %get3A_433[%get3A_434, %get3A_435] {strides = array<i32>} : memref<128x64xf32, #tpu.memory_space<vmem>>, vector<1x16xf32>,
        %get3A_437 = vector.shape_cast %get3A_436 : vector<1x16xf32> to vector<16xf32>
        %add3A_438 = arith.addf %add3A_400, %get3A_437 : vector<16xf32>
        %get3A_439 = arith.constant 0 : i32
        %get3A_440 = arith.constant 0 : i32
        %get3A_441 = tpu.memref_slice %arg6[%scan3A_283, %get3A_439, %get3A_440] : memref<8x128x64xf32, #tpu.memory_space<vmem>> -> memref<1x128x64xf32, #tpu.memory_space<vmem>>
        %get3A_442 = tpu.memref_squeeze %get3A_441 : memref<1x128x64xf32, #tpu.memory_space<vmem>> -> memref<128x64xf32, #tpu.memory_space<vmem>>
        %get3A_443 = arith.index_cast %add3A_429 : i32 to index
        %get3A_444 = arith.constant 16 : index
        %get3A_445 = tpu.vector_load %get3A_442[%get3A_443, %get3A_444] {strides = array<i32>} : memref<128x64xf32, #tpu.memory_space<vmem>>, vector<1x16xf32>,
        %get3A_446 = vector.shape_cast %get3A_445 : vector<1x16xf32> to vector<16xf32>
        %add3A_447 = arith.addf %add3A_409, %get3A_446 : vector<16xf32>
        %get3A_448 = arith.constant 0 : i32
        %get3A_449 = arith.constant 0 : i32
        %get3A_450 = tpu.memref_slice %arg6[%scan3A_283, %get3A_448, %get3A_449] : memref<8x128x64xf32, #tpu.memory_space<vmem>> -> memref<1x128x64xf32, #tpu.memory_space<vmem>>
        %get3A_451 = tpu.memref_squeeze %get3A_450 : memref<1x128x64xf32, #tpu.memory_space<vmem>> -> memref<128x64xf32, #tpu.memory_space<vmem>>
        %get3A_452 = arith.index_cast %add3A_429 : i32 to index
        %get3A_453 = arith.constant 32 : index
        %get3A_454 = tpu.vector_load %get3A_451[%get3A_452, %get3A_453] {strides = array<i32>} : memref<128x64xf32, #tpu.memory_space<vmem>>, vector<1x16xf32>,
        %get3A_455 = vector.shape_cast %get3A_454 : vector<1x16xf32> to vector<16xf32>
        %add3A_456 = arith.addf %add3A_418, %get3A_455 : vector<16xf32>
        %get3A_457 = arith.constant 0 : i32
        %get3A_458 = arith.constant 0 : i32
        %get3A_459 = tpu.memref_slice %arg6[%scan3A_283, %get3A_457, %get3A_458] : memref<8x128x64xf32, #tpu.memory_space<vmem>> -> memref<1x128x64xf32, #tpu.memory_space<vmem>>
        %get3A_460 = tpu.memref_squeeze %get3A_459 : memref<1x128x64xf32, #tpu.memory_space<vmem>> -> memref<128x64xf32, #tpu.memory_space<vmem>>
        %get3A_461 = arith.index_cast %add3A_429 : i32 to index
        %get3A_462 = arith.constant 48 : index
        %get3A_463 = tpu.vector_load %get3A_460[%get3A_461, %get3A_462] {strides = array<i32>} : memref<128x64xf32, #tpu.memory_space<vmem>>, vector<1x16xf32>,
        %get3A_464 = vector.shape_cast %get3A_463 : vector<1x16xf32> to vector<16xf32>
        %add3A_465 = arith.addf %add3A_427, %get3A_464 : vector<16xf32>
        %add3A_466 = arith.constant 2 : i32
        %add3A_467 = arith.addi %mul3A_390, %add3A_466 : i32
        %get3A_468 = arith.constant 0 : i32
        %get3A_469 = arith.constant 0 : i32
        %get3A_470 = tpu.memref_slice %arg6[%scan3A_283, %get3A_468, %get3A_469] : memref<8x128x64xf32, #tpu.memory_space<vmem>> -> memref<1x128x64xf32, #tpu.memory_space<vmem>>
        %get3A_471 = tpu.memref_squeeze %get3A_470 : memref<1x128x64xf32, #tpu.memory_space<vmem>> -> memref<128x64xf32, #tpu.memory_space<vmem>>
        %get3A_472 = arith.index_cast %add3A_467 : i32 to index
        %get3A_473 = arith.constant 0 : index
        %get3A_474 = tpu.vector_load %get3A_471[%get3A_472, %get3A_473] {strides = array<i32>} : memref<128x64xf32, #tpu.memory_space<vmem>>, vector<1x16xf32>,
        %get3A_475 = vector.shape_cast %get3A_474 : vector<1x16xf32> to vector<16xf32>
        %add3A_476 = arith.addf %add3A_438, %get3A_475 : vector<16xf32>
        %get3A_477 = arith.constant 0 : i32
        %get3A_478 = arith.constant 0 : i32
        %get3A_479 = tpu.memref_slice %arg6[%scan3A_283, %get3A_477, %get3A_478] : memref<8x128x64xf32, #tpu.memory_space<vmem>> -> memref<1x128x64xf32, #tpu.memory_space<vmem>>
        %get3A_480 = tpu.memref_squeeze %get3A_479 : memref<1x128x64xf32, #tpu.memory_space<vmem>> -> memref<128x64xf32, #tpu.memory_space<vmem>>
        %get3A_481 = arith.index_cast %add3A_467 : i32 to index
        %get3A_482 = arith.constant 16 : index
        %get3A_483 = tpu.vector_load %get3A_480[%get3A_481, %get3A_482] {strides = array<i32>} : memref<128x64xf32, #tpu.memory_space<vmem>>, vector<1x16xf32>,
        %get3A_484 = vector.shape_cast %get3A_483 : vector<1x16xf32> to vector<16xf32>
        %add3A_485 = arith.addf %add3A_447, %get3A_484 : vector<16xf32>
        %get3A_486 = arith.constant 0 : i32
        %get3A_487 = arith.constant 0 : i32
        %get3A_488 = tpu.memref_slice %arg6[%scan3A_283, %get3A_486, %get3A_487] : memref<8x128x64xf32, #tpu.memory_space<vmem>> -> memref<1x128x64xf32, #tpu.memory_space<vmem>>
        %get3A_489 = tpu.memref_squeeze %get3A_488 : memref<1x128x64xf32, #tpu.memory_space<vmem>> -> memref<128x64xf32, #tpu.memory_space<vmem>>
        %get3A_490 = arith.index_cast %add3A_467 : i32 to index
        %get3A_491 = arith.constant 32 : index
        %get3A_492 = tpu.vector_load %get3A_489[%get3A_490, %get3A_491] {strides = array<i32>} : memref<128x64xf32, #tpu.memory_space<vmem>>, vector<1x16xf32>,
        %get3A_493 = vector.shape_cast %get3A_492 : vector<1x16xf32> to vector<16xf32>
        %add3A_494 = arith.addf %add3A_456, %get3A_493 : vector<16xf32>
        %get3A_495 = arith.constant 0 : i32
        %get3A_496 = arith.constant 0 : i32
        %get3A_497 = tpu.memref_slice %arg6[%scan3A_283, %get3A_495, %get3A_496] : memref<8x128x64xf32, #tpu.memory_space<vmem>> -> memref<1x128x64xf32, #tpu.memory_space<vmem>>
        %get3A_498 = tpu.memref_squeeze %get3A_497 : memref<1x128x64xf32, #tpu.memory_space<vmem>> -> memref<128x64xf32, #tpu.memory_space<vmem>>
        %get3A_499 = arith.index_cast %add3A_467 : i32 to index
        %get3A_500 = arith.constant 48 : index
        %get3A_501 = tpu.vector_load %get3A_498[%get3A_499, %get3A_500] {strides = array<i32>} : memref<128x64xf32, #tpu.memory_space<vmem>>, vector<1x16xf32>,
        %get3A_502 = vector.shape_cast %get3A_501 : vector<1x16xf32> to vector<16xf32>
        %add3A_503 = arith.addf %add3A_465, %get3A_502 : vector<16xf32>
        %add3A_504 = arith.constant 3 : i32
        %add3A_505 = arith.addi %mul3A_390, %add3A_504 : i32
        %get3A_506 = arith.constant 0 : i32
        %get3A_507 = arith.constant 0 : i32
        %get3A_508 = tpu.memref_slice %arg6[%scan3A_283, %get3A_506, %get3A_507] : memref<8x128x64xf32, #tpu.memory_space<vmem>> -> memref<1x128x64xf32, #tpu.memory_space<vmem>>
        %get3A_509 = tpu.memref_squeeze %get3A_508 : memref<1x128x64xf32, #tpu.memory_space<vmem>> -> memref<128x64xf32, #tpu.memory_space<vmem>>
        %get3A_510 = arith.index_cast %add3A_505 : i32 to index
        %get3A_511 = arith.constant 0 : index
        %get3A_512 = tpu.vector_load %get3A_509[%get3A_510, %get3A_511] {strides = array<i32>} : memref<128x64xf32, #tpu.memory_space<vmem>>, vector<1x16xf32>,
        %get3A_513 = vector.shape_cast %get3A_512 : vector<1x16xf32> to vector<16xf32>
        %add3A_514 = arith.addf %add3A_476, %get3A_513 : vector<16xf32>
        %get3A_515 = arith.constant 0 : i32
        %get3A_516 = arith.constant 0 : i32
        %get3A_517 = tpu.memref_slice %arg6[%scan3A_283, %get3A_515, %get3A_516] : memref<8x128x64xf32, #tpu.memory_space<vmem>> -> memref<1x128x64xf32, #tpu.memory_space<vmem>>
        %get3A_518 = tpu.memref_squeeze %get3A_517 : memref<1x128x64xf32, #tpu.memory_space<vmem>> -> memref<128x64xf32, #tpu.memory_space<vmem>>
        %get3A_519 = arith.index_cast %add3A_505 : i32 to index
        %get3A_520 = arith.constant 16 : index
        %get3A_521 = tpu.vector_load %get3A_518[%get3A_519, %get3A_520] {strides = array<i32>} : memref<128x64xf32, #tpu.memory_space<vmem>>, vector<1x16xf32>,
        %get3A_522 = vector.shape_cast %get3A_521 : vector<1x16xf32> to vector<16xf32>
        %add3A_523 = arith.addf %add3A_485, %get3A_522 : vector<16xf32>
        %get3A_524 = arith.constant 0 : i32
        %get3A_525 = arith.constant 0 : i32
        %get3A_526 = tpu.memref_slice %arg6[%scan3A_283, %get3A_524, %get3A_525] : memref<8x128x64xf32, #tpu.memory_space<vmem>> -> memref<1x128x64xf32, #tpu.memory_space<vmem>>
        %get3A_527 = tpu.memref_squeeze %get3A_526 : memref<1x128x64xf32, #tpu.memory_space<vmem>> -> memref<128x64xf32, #tpu.memory_space<vmem>>
        %get3A_528 = arith.index_cast %add3A_505 : i32 to index
        %get3A_529 = arith.constant 32 : index
        %get3A_530 = tpu.vector_load %get3A_527[%get3A_528, %get3A_529] {strides = array<i32>} : memref<128x64xf32, #tpu.memory_space<vmem>>, vector<1x16xf32>,
        %get3A_531 = vector.shape_cast %get3A_530 : vector<1x16xf32> to vector<16xf32>
        %add3A_532 = arith.addf %add3A_494, %get3A_531 : vector<16xf32>
        %get3A_533 = arith.constant 0 : i32
        %get3A_534 = arith.constant 0 : i32
        %get3A_535 = tpu.memref_slice %arg6[%scan3A_283, %get3A_533, %get3A_534] : memref<8x128x64xf32, #tpu.memory_space<vmem>> -> memref<1x128x64xf32, #tpu.memory_space<vmem>>
        %get3A_536 = tpu.memref_squeeze %get3A_535 : memref<1x128x64xf32, #tpu.memory_space<vmem>> -> memref<128x64xf32, #tpu.memory_space<vmem>>
        %get3A_537 = arith.index_cast %add3A_505 : i32 to index
        %get3A_538 = arith.constant 48 : index
        %get3A_539 = tpu.vector_load %get3A_536[%get3A_537, %get3A_538] {strides = array<i32>} : memref<128x64xf32, #tpu.memory_space<vmem>>, vector<1x16xf32>,
        %get3A_540 = vector.shape_cast %get3A_539 : vector<1x16xf32> to vector<16xf32>
        %add3A_541 = arith.addf %add3A_503, %get3A_540 : vector<16xf32>
        scf.yield %add3A_514, %add3A_523, %add3A_532, %add3A_541 : vector<16xf32>, vector<16xf32>, vector<16xf32>, vector<16xf32>
      }
      %scan3A_289 = arith.constant 32 : i32
      %add3A_290 = arith.constant 8 : i32
      %add3A_291 = arith.addi %add3A_271, %add3A_290 : i32
      %lt3A_292 = arith.constant 256 : i32
      %lt3A_293 = arith.cmpi slt, %add3A_291, %lt3A_292 : i32
      %convert_element_type3A_294 = arith.extui %lt3A_293 : i1 to i32
      %cond3A_295 = arith.constant 0 : i32
      %cond3A_296 = arith.cmpi ne, %convert_element_type3A_294, %cond3A_295 : i32
      scf.if %cond3A_296 {
        %add3A_384 = arith.constant 8 : i32
        %add3A_385 = arith.addi %add3A_271, %add3A_384 : i32
        %dma_start3A_386 = arith.constant 4 : i32
        %dma_start3A_387 = arith.constant 0 : i32
        %dma_start3A_388 = arith.constant 0 : i32
        %dma_start3A_389 = tpu.memref_slice %arg6[%dma_start3A_386, %dma_start3A_387, %dma_start3A_388] : memref<8x128x64xf32, #tpu.memory_space<vmem>> -> memref<1x128x64xf32, #tpu.memory_space<vmem>>
        %dma_start3A_390 = tpu.memref_squeeze %dma_start3A_389 : memref<1x128x64xf32, #tpu.memory_space<vmem>> -> memref<128x64xf32, #tpu.memory_space<vmem>>
        %dma_start3A_391 = arith.constant 0 : i32
        %dma_start3A_392 = tpu.memref_slice %arg5[%add3A_385, %dma_start3A_391] : memref<256x128xi32, #tpu.memory_space<vmem>> -> memref<1x128xi32, #tpu.memory_space<vmem>>
        %dma_start3A_393 = tpu.memref_squeeze %dma_start3A_392 : memref<1x128xi32, #tpu.memory_space<vmem>> -> memref<128xi32, #tpu.memory_space<vmem>>
        %dma_start3A_394 = arith.constant 0 : i32
        %dma_start3A_395 = arith.constant 0 : i32
        %dma_start3A_396 = tpu.memref_slice %arg3[%dma_start3A_394, %dma_start3A_395] : memref<1015808x64xf32, #tpu.memory_space<hbm>> -> memref<1015808x64xf32, #tpu.memory_space<hbm>>
        tpu.enqueue_indirect_dma source(%dma_start3A_396 : memref<1015808x64xf32, #tpu.memory_space<hbm>>) target(%dma_start3A_390 : memref<128x64xf32, #tpu.memory_space<vmem>>) offsets(%dma_start3A_393 : memref<128xi32, #tpu.memory_space<vmem>>) semaphore(%arg12 : memref<!tpu.dma_semaphore, #tpu.memory_space<semaphore_mem>>)
      } else {
      }
      %mul3A_297 = arith.constant 8 : i32
      %mul3A_298 = arith.muli %scan3A_150, %mul3A_297 : i32
      %add3A_299 = arith.constant 5 : i32
      %add3A_300 = arith.addi %mul3A_298, %add3A_299 : i32
      %dma_wait3A_301 = arith.constant 5 : i32
      %dma_wait3A_302 = arith.constant 0 : i32
      %dma_wait3A_303 = arith.constant 0 : i32
      %dma_wait3A_304 = tpu.memref_slice %arg6[%dma_wait3A_301, %dma_wait3A_302, %dma_wait3A_303] : memref<8x128x64xf32, #tpu.memory_space<vmem>> -> memref<1x128x64xf32, #tpu.memory_space<vmem>>
      %dma_wait3A_305 = tpu.memref_squeeze %dma_wait3A_304 : memref<1x128x64xf32, #tpu.memory_space<vmem>> -> memref<128x64xf32, #tpu.memory_space<vmem>>
      %dma_wait3A_306 = arith.constant 0 : i32
      %dma_wait3A_307 = tpu.memref_slice %arg5[%add3A_300, %dma_wait3A_306] : memref<256x128xi32, #tpu.memory_space<vmem>> -> memref<1x128xi32, #tpu.memory_space<vmem>>
      %dma_wait3A_308 = tpu.memref_squeeze %dma_wait3A_307 : memref<1x128xi32, #tpu.memory_space<vmem>> -> memref<128xi32, #tpu.memory_space<vmem>>
      %dma_wait3A_309 = arith.constant 0 : i32
      %dma_wait3A_310 = arith.constant 0 : i32
      %dma_wait3A_311 = tpu.memref_slice %arg3[%dma_wait3A_309, %dma_wait3A_310] : memref<1015808x64xf32, #tpu.memory_space<hbm>> -> memref<1015808x64xf32, #tpu.memory_space<hbm>>
      tpu.wait_indirect_dma semaphore(%arg13 : memref<!tpu.dma_semaphore, #tpu.memory_space<semaphore_mem>>) src(%dma_wait3A_311 : memref<1015808x64xf32, #tpu.memory_space<hbm>>) dst(%dma_wait3A_305 : memref<128x64xf32, #tpu.memory_space<vmem>>)
      %scan3A_312 = arith.constant 5 : i32
      %scan3A_313 = arith.constant 0 : i32
      %scan3A_314 = arith.constant 32 : i32
      %scan3A_315 = arith.addi %scan3A_313, %scan3A_314 : i32
      %scan3A_316 = arith.constant 1 : i32
      %scan3A_317:4 = scf.for %scan3A_384 = %scan3A_313 to %scan3A_315 step %scan3A_316 iter_args(%scan3A_385 = %scan3A_288#0, %scan3A_386 = %scan3A_288#1, %scan3A_387 = %scan3A_288#2, %scan3A_388 = %scan3A_288#3) -> (vector<16xf32>, vector<16xf32>, vector<16xf32>, vector<16xf32>)  : i32 {
        %mul3A_389 = arith.constant 4 : i32
        %mul3A_390 = arith.muli %scan3A_384, %mul3A_389 : i32
        %add3A_391 = arith.constant 0 : i32
        %add3A_392 = arith.addi %mul3A_390, %add3A_391 : i32
        %get3A = arith.constant 0 : i32
        %get3A_393 = arith.constant 0 : i32
        %get3A_394 = tpu.memref_slice %arg6[%scan3A_312, %get3A, %get3A_393] : memref<8x128x64xf32, #tpu.memory_space<vmem>> -> memref<1x128x64xf32, #tpu.memory_space<vmem>>
        %get3A_395 = tpu.memref_squeeze %get3A_394 : memref<1x128x64xf32, #tpu.memory_space<vmem>> -> memref<128x64xf32, #tpu.memory_space<vmem>>
        %get3A_396 = arith.index_cast %add3A_392 : i32 to index
        %get3A_397 = arith.constant 0 : index
        %get3A_398 = tpu.vector_load %get3A_395[%get3A_396, %get3A_397] {strides = array<i32>} : memref<128x64xf32, #tpu.memory_space<vmem>>, vector<1x16xf32>,
        %get3A_399 = vector.shape_cast %get3A_398 : vector<1x16xf32> to vector<16xf32>
        %add3A_400 = arith.addf %scan3A_385, %get3A_399 : vector<16xf32>
        %get3A_401 = arith.constant 0 : i32
        %get3A_402 = arith.constant 0 : i32
        %get3A_403 = tpu.memref_slice %arg6[%scan3A_312, %get3A_401, %get3A_402] : memref<8x128x64xf32, #tpu.memory_space<vmem>> -> memref<1x128x64xf32, #tpu.memory_space<vmem>>
        %get3A_404 = tpu.memref_squeeze %get3A_403 : memref<1x128x64xf32, #tpu.memory_space<vmem>> -> memref<128x64xf32, #tpu.memory_space<vmem>>
        %get3A_405 = arith.index_cast %add3A_392 : i32 to index
        %get3A_406 = arith.constant 16 : index
        %get3A_407 = tpu.vector_load %get3A_404[%get3A_405, %get3A_406] {strides = array<i32>} : memref<128x64xf32, #tpu.memory_space<vmem>>, vector<1x16xf32>,
        %get3A_408 = vector.shape_cast %get3A_407 : vector<1x16xf32> to vector<16xf32>
        %add3A_409 = arith.addf %scan3A_386, %get3A_408 : vector<16xf32>
        %get3A_410 = arith.constant 0 : i32
        %get3A_411 = arith.constant 0 : i32
        %get3A_412 = tpu.memref_slice %arg6[%scan3A_312, %get3A_410, %get3A_411] : memref<8x128x64xf32, #tpu.memory_space<vmem>> -> memref<1x128x64xf32, #tpu.memory_space<vmem>>
        %get3A_413 = tpu.memref_squeeze %get3A_412 : memref<1x128x64xf32, #tpu.memory_space<vmem>> -> memref<128x64xf32, #tpu.memory_space<vmem>>
        %get3A_414 = arith.index_cast %add3A_392 : i32 to index
        %get3A_415 = arith.constant 32 : index
        %get3A_416 = tpu.vector_load %get3A_413[%get3A_414, %get3A_415] {strides = array<i32>} : memref<128x64xf32, #tpu.memory_space<vmem>>, vector<1x16xf32>,
        %get3A_417 = vector.shape_cast %get3A_416 : vector<1x16xf32> to vector<16xf32>
        %add3A_418 = arith.addf %scan3A_387, %get3A_417 : vector<16xf32>
        %get3A_419 = arith.constant 0 : i32
        %get3A_420 = arith.constant 0 : i32
        %get3A_421 = tpu.memref_slice %arg6[%scan3A_312, %get3A_419, %get3A_420] : memref<8x128x64xf32, #tpu.memory_space<vmem>> -> memref<1x128x64xf32, #tpu.memory_space<vmem>>
        %get3A_422 = tpu.memref_squeeze %get3A_421 : memref<1x128x64xf32, #tpu.memory_space<vmem>> -> memref<128x64xf32, #tpu.memory_space<vmem>>
        %get3A_423 = arith.index_cast %add3A_392 : i32 to index
        %get3A_424 = arith.constant 48 : index
        %get3A_425 = tpu.vector_load %get3A_422[%get3A_423, %get3A_424] {strides = array<i32>} : memref<128x64xf32, #tpu.memory_space<vmem>>, vector<1x16xf32>,
        %get3A_426 = vector.shape_cast %get3A_425 : vector<1x16xf32> to vector<16xf32>
        %add3A_427 = arith.addf %scan3A_388, %get3A_426 : vector<16xf32>
        %add3A_428 = arith.constant 1 : i32
        %add3A_429 = arith.addi %mul3A_390, %add3A_428 : i32
        %get3A_430 = arith.constant 0 : i32
        %get3A_431 = arith.constant 0 : i32
        %get3A_432 = tpu.memref_slice %arg6[%scan3A_312, %get3A_430, %get3A_431] : memref<8x128x64xf32, #tpu.memory_space<vmem>> -> memref<1x128x64xf32, #tpu.memory_space<vmem>>
        %get3A_433 = tpu.memref_squeeze %get3A_432 : memref<1x128x64xf32, #tpu.memory_space<vmem>> -> memref<128x64xf32, #tpu.memory_space<vmem>>
        %get3A_434 = arith.index_cast %add3A_429 : i32 to index
        %get3A_435 = arith.constant 0 : index
        %get3A_436 = tpu.vector_load %get3A_433[%get3A_434, %get3A_435] {strides = array<i32>} : memref<128x64xf32, #tpu.memory_space<vmem>>, vector<1x16xf32>,
        %get3A_437 = vector.shape_cast %get3A_436 : vector<1x16xf32> to vector<16xf32>
        %add3A_438 = arith.addf %add3A_400, %get3A_437 : vector<16xf32>
        %get3A_439 = arith.constant 0 : i32
        %get3A_440 = arith.constant 0 : i32
        %get3A_441 = tpu.memref_slice %arg6[%scan3A_312, %get3A_439, %get3A_440] : memref<8x128x64xf32, #tpu.memory_space<vmem>> -> memref<1x128x64xf32, #tpu.memory_space<vmem>>
        %get3A_442 = tpu.memref_squeeze %get3A_441 : memref<1x128x64xf32, #tpu.memory_space<vmem>> -> memref<128x64xf32, #tpu.memory_space<vmem>>
        %get3A_443 = arith.index_cast %add3A_429 : i32 to index
        %get3A_444 = arith.constant 16 : index
        %get3A_445 = tpu.vector_load %get3A_442[%get3A_443, %get3A_444] {strides = array<i32>} : memref<128x64xf32, #tpu.memory_space<vmem>>, vector<1x16xf32>,
        %get3A_446 = vector.shape_cast %get3A_445 : vector<1x16xf32> to vector<16xf32>
        %add3A_447 = arith.addf %add3A_409, %get3A_446 : vector<16xf32>
        %get3A_448 = arith.constant 0 : i32
        %get3A_449 = arith.constant 0 : i32
        %get3A_450 = tpu.memref_slice %arg6[%scan3A_312, %get3A_448, %get3A_449] : memref<8x128x64xf32, #tpu.memory_space<vmem>> -> memref<1x128x64xf32, #tpu.memory_space<vmem>>
        %get3A_451 = tpu.memref_squeeze %get3A_450 : memref<1x128x64xf32, #tpu.memory_space<vmem>> -> memref<128x64xf32, #tpu.memory_space<vmem>>
        %get3A_452 = arith.index_cast %add3A_429 : i32 to index
        %get3A_453 = arith.constant 32 : index
        %get3A_454 = tpu.vector_load %get3A_451[%get3A_452, %get3A_453] {strides = array<i32>} : memref<128x64xf32, #tpu.memory_space<vmem>>, vector<1x16xf32>,
        %get3A_455 = vector.shape_cast %get3A_454 : vector<1x16xf32> to vector<16xf32>
        %add3A_456 = arith.addf %add3A_418, %get3A_455 : vector<16xf32>
        %get3A_457 = arith.constant 0 : i32
        %get3A_458 = arith.constant 0 : i32
        %get3A_459 = tpu.memref_slice %arg6[%scan3A_312, %get3A_457, %get3A_458] : memref<8x128x64xf32, #tpu.memory_space<vmem>> -> memref<1x128x64xf32, #tpu.memory_space<vmem>>
        %get3A_460 = tpu.memref_squeeze %get3A_459 : memref<1x128x64xf32, #tpu.memory_space<vmem>> -> memref<128x64xf32, #tpu.memory_space<vmem>>
        %get3A_461 = arith.index_cast %add3A_429 : i32 to index
        %get3A_462 = arith.constant 48 : index
        %get3A_463 = tpu.vector_load %get3A_460[%get3A_461, %get3A_462] {strides = array<i32>} : memref<128x64xf32, #tpu.memory_space<vmem>>, vector<1x16xf32>,
        %get3A_464 = vector.shape_cast %get3A_463 : vector<1x16xf32> to vector<16xf32>
        %add3A_465 = arith.addf %add3A_427, %get3A_464 : vector<16xf32>
        %add3A_466 = arith.constant 2 : i32
        %add3A_467 = arith.addi %mul3A_390, %add3A_466 : i32
        %get3A_468 = arith.constant 0 : i32
        %get3A_469 = arith.constant 0 : i32
        %get3A_470 = tpu.memref_slice %arg6[%scan3A_312, %get3A_468, %get3A_469] : memref<8x128x64xf32, #tpu.memory_space<vmem>> -> memref<1x128x64xf32, #tpu.memory_space<vmem>>
        %get3A_471 = tpu.memref_squeeze %get3A_470 : memref<1x128x64xf32, #tpu.memory_space<vmem>> -> memref<128x64xf32, #tpu.memory_space<vmem>>
        %get3A_472 = arith.index_cast %add3A_467 : i32 to index
        %get3A_473 = arith.constant 0 : index
        %get3A_474 = tpu.vector_load %get3A_471[%get3A_472, %get3A_473] {strides = array<i32>} : memref<128x64xf32, #tpu.memory_space<vmem>>, vector<1x16xf32>,
        %get3A_475 = vector.shape_cast %get3A_474 : vector<1x16xf32> to vector<16xf32>
        %add3A_476 = arith.addf %add3A_438, %get3A_475 : vector<16xf32>
        %get3A_477 = arith.constant 0 : i32
        %get3A_478 = arith.constant 0 : i32
        %get3A_479 = tpu.memref_slice %arg6[%scan3A_312, %get3A_477, %get3A_478] : memref<8x128x64xf32, #tpu.memory_space<vmem>> -> memref<1x128x64xf32, #tpu.memory_space<vmem>>
        %get3A_480 = tpu.memref_squeeze %get3A_479 : memref<1x128x64xf32, #tpu.memory_space<vmem>> -> memref<128x64xf32, #tpu.memory_space<vmem>>
        %get3A_481 = arith.index_cast %add3A_467 : i32 to index
        %get3A_482 = arith.constant 16 : index
        %get3A_483 = tpu.vector_load %get3A_480[%get3A_481, %get3A_482] {strides = array<i32>} : memref<128x64xf32, #tpu.memory_space<vmem>>, vector<1x16xf32>,
        %get3A_484 = vector.shape_cast %get3A_483 : vector<1x16xf32> to vector<16xf32>
        %add3A_485 = arith.addf %add3A_447, %get3A_484 : vector<16xf32>
        %get3A_486 = arith.constant 0 : i32
        %get3A_487 = arith.constant 0 : i32
        %get3A_488 = tpu.memref_slice %arg6[%scan3A_312, %get3A_486, %get3A_487] : memref<8x128x64xf32, #tpu.memory_space<vmem>> -> memref<1x128x64xf32, #tpu.memory_space<vmem>>
        %get3A_489 = tpu.memref_squeeze %get3A_488 : memref<1x128x64xf32, #tpu.memory_space<vmem>> -> memref<128x64xf32, #tpu.memory_space<vmem>>
        %get3A_490 = arith.index_cast %add3A_467 : i32 to index
        %get3A_491 = arith.constant 32 : index
        %get3A_492 = tpu.vector_load %get3A_489[%get3A_490, %get3A_491] {strides = array<i32>} : memref<128x64xf32, #tpu.memory_space<vmem>>, vector<1x16xf32>,
        %get3A_493 = vector.shape_cast %get3A_492 : vector<1x16xf32> to vector<16xf32>
        %add3A_494 = arith.addf %add3A_456, %get3A_493 : vector<16xf32>
        %get3A_495 = arith.constant 0 : i32
        %get3A_496 = arith.constant 0 : i32
        %get3A_497 = tpu.memref_slice %arg6[%scan3A_312, %get3A_495, %get3A_496] : memref<8x128x64xf32, #tpu.memory_space<vmem>> -> memref<1x128x64xf32, #tpu.memory_space<vmem>>
        %get3A_498 = tpu.memref_squeeze %get3A_497 : memref<1x128x64xf32, #tpu.memory_space<vmem>> -> memref<128x64xf32, #tpu.memory_space<vmem>>
        %get3A_499 = arith.index_cast %add3A_467 : i32 to index
        %get3A_500 = arith.constant 48 : index
        %get3A_501 = tpu.vector_load %get3A_498[%get3A_499, %get3A_500] {strides = array<i32>} : memref<128x64xf32, #tpu.memory_space<vmem>>, vector<1x16xf32>,
        %get3A_502 = vector.shape_cast %get3A_501 : vector<1x16xf32> to vector<16xf32>
        %add3A_503 = arith.addf %add3A_465, %get3A_502 : vector<16xf32>
        %add3A_504 = arith.constant 3 : i32
        %add3A_505 = arith.addi %mul3A_390, %add3A_504 : i32
        %get3A_506 = arith.constant 0 : i32
        %get3A_507 = arith.constant 0 : i32
        %get3A_508 = tpu.memref_slice %arg6[%scan3A_312, %get3A_506, %get3A_507] : memref<8x128x64xf32, #tpu.memory_space<vmem>> -> memref<1x128x64xf32, #tpu.memory_space<vmem>>
        %get3A_509 = tpu.memref_squeeze %get3A_508 : memref<1x128x64xf32, #tpu.memory_space<vmem>> -> memref<128x64xf32, #tpu.memory_space<vmem>>
        %get3A_510 = arith.index_cast %add3A_505 : i32 to index
        %get3A_511 = arith.constant 0 : index
        %get3A_512 = tpu.vector_load %get3A_509[%get3A_510, %get3A_511] {strides = array<i32>} : memref<128x64xf32, #tpu.memory_space<vmem>>, vector<1x16xf32>,
        %get3A_513 = vector.shape_cast %get3A_512 : vector<1x16xf32> to vector<16xf32>
        %add3A_514 = arith.addf %add3A_476, %get3A_513 : vector<16xf32>
        %get3A_515 = arith.constant 0 : i32
        %get3A_516 = arith.constant 0 : i32
        %get3A_517 = tpu.memref_slice %arg6[%scan3A_312, %get3A_515, %get3A_516] : memref<8x128x64xf32, #tpu.memory_space<vmem>> -> memref<1x128x64xf32, #tpu.memory_space<vmem>>
        %get3A_518 = tpu.memref_squeeze %get3A_517 : memref<1x128x64xf32, #tpu.memory_space<vmem>> -> memref<128x64xf32, #tpu.memory_space<vmem>>
        %get3A_519 = arith.index_cast %add3A_505 : i32 to index
        %get3A_520 = arith.constant 16 : index
        %get3A_521 = tpu.vector_load %get3A_518[%get3A_519, %get3A_520] {strides = array<i32>} : memref<128x64xf32, #tpu.memory_space<vmem>>, vector<1x16xf32>,
        %get3A_522 = vector.shape_cast %get3A_521 : vector<1x16xf32> to vector<16xf32>
        %add3A_523 = arith.addf %add3A_485, %get3A_522 : vector<16xf32>
        %get3A_524 = arith.constant 0 : i32
        %get3A_525 = arith.constant 0 : i32
        %get3A_526 = tpu.memref_slice %arg6[%scan3A_312, %get3A_524, %get3A_525] : memref<8x128x64xf32, #tpu.memory_space<vmem>> -> memref<1x128x64xf32, #tpu.memory_space<vmem>>
        %get3A_527 = tpu.memref_squeeze %get3A_526 : memref<1x128x64xf32, #tpu.memory_space<vmem>> -> memref<128x64xf32, #tpu.memory_space<vmem>>
        %get3A_528 = arith.index_cast %add3A_505 : i32 to index
        %get3A_529 = arith.constant 32 : index
        %get3A_530 = tpu.vector_load %get3A_527[%get3A_528, %get3A_529] {strides = array<i32>} : memref<128x64xf32, #tpu.memory_space<vmem>>, vector<1x16xf32>,
        %get3A_531 = vector.shape_cast %get3A_530 : vector<1x16xf32> to vector<16xf32>
        %add3A_532 = arith.addf %add3A_494, %get3A_531 : vector<16xf32>
        %get3A_533 = arith.constant 0 : i32
        %get3A_534 = arith.constant 0 : i32
        %get3A_535 = tpu.memref_slice %arg6[%scan3A_312, %get3A_533, %get3A_534] : memref<8x128x64xf32, #tpu.memory_space<vmem>> -> memref<1x128x64xf32, #tpu.memory_space<vmem>>
        %get3A_536 = tpu.memref_squeeze %get3A_535 : memref<1x128x64xf32, #tpu.memory_space<vmem>> -> memref<128x64xf32, #tpu.memory_space<vmem>>
        %get3A_537 = arith.index_cast %add3A_505 : i32 to index
        %get3A_538 = arith.constant 48 : index
        %get3A_539 = tpu.vector_load %get3A_536[%get3A_537, %get3A_538] {strides = array<i32>} : memref<128x64xf32, #tpu.memory_space<vmem>>, vector<1x16xf32>,
        %get3A_540 = vector.shape_cast %get3A_539 : vector<1x16xf32> to vector<16xf32>
        %add3A_541 = arith.addf %add3A_503, %get3A_540 : vector<16xf32>
        scf.yield %add3A_514, %add3A_523, %add3A_532, %add3A_541 : vector<16xf32>, vector<16xf32>, vector<16xf32>, vector<16xf32>
      }
      %scan3A_318 = arith.constant 32 : i32
      %add3A_319 = arith.constant 8 : i32
      %add3A_320 = arith.addi %add3A_300, %add3A_319 : i32
      %lt3A_321 = arith.constant 256 : i32
      %lt3A_322 = arith.cmpi slt, %add3A_320, %lt3A_321 : i32
      %convert_element_type3A_323 = arith.extui %lt3A_322 : i1 to i32
      %cond3A_324 = arith.constant 0 : i32
      %cond3A_325 = arith.cmpi ne, %convert_element_type3A_323, %cond3A_324 : i32
      scf.if %cond3A_325 {
        %add3A_384 = arith.constant 8 : i32
        %add3A_385 = arith.addi %add3A_300, %add3A_384 : i32
        %dma_start3A_386 = arith.constant 5 : i32
        %dma_start3A_387 = arith.constant 0 : i32
        %dma_start3A_388 = arith.constant 0 : i32
        %dma_start3A_389 = tpu.memref_slice %arg6[%dma_start3A_386, %dma_start3A_387, %dma_start3A_388] : memref<8x128x64xf32, #tpu.memory_space<vmem>> -> memref<1x128x64xf32, #tpu.memory_space<vmem>>
        %dma_start3A_390 = tpu.memref_squeeze %dma_start3A_389 : memref<1x128x64xf32, #tpu.memory_space<vmem>> -> memref<128x64xf32, #tpu.memory_space<vmem>>
        %dma_start3A_391 = arith.constant 0 : i32
        %dma_start3A_392 = tpu.memref_slice %arg5[%add3A_385, %dma_start3A_391] : memref<256x128xi32, #tpu.memory_space<vmem>> -> memref<1x128xi32, #tpu.memory_space<vmem>>
        %dma_start3A_393 = tpu.memref_squeeze %dma_start3A_392 : memref<1x128xi32, #tpu.memory_space<vmem>> -> memref<128xi32, #tpu.memory_space<vmem>>
        %dma_start3A_394 = arith.constant 0 : i32
        %dma_start3A_395 = arith.constant 0 : i32
        %dma_start3A_396 = tpu.memref_slice %arg3[%dma_start3A_394, %dma_start3A_395] : memref<1015808x64xf32, #tpu.memory_space<hbm>> -> memref<1015808x64xf32, #tpu.memory_space<hbm>>
        tpu.enqueue_indirect_dma source(%dma_start3A_396 : memref<1015808x64xf32, #tpu.memory_space<hbm>>) target(%dma_start3A_390 : memref<128x64xf32, #tpu.memory_space<vmem>>) offsets(%dma_start3A_393 : memref<128xi32, #tpu.memory_space<vmem>>) semaphore(%arg13 : memref<!tpu.dma_semaphore, #tpu.memory_space<semaphore_mem>>)
      } else {
      }
      %mul3A_326 = arith.constant 8 : i32
      %mul3A_327 = arith.muli %scan3A_150, %mul3A_326 : i32
      %add3A_328 = arith.constant 6 : i32
      %add3A_329 = arith.addi %mul3A_327, %add3A_328 : i32
      %dma_wait3A_330 = arith.constant 6 : i32
      %dma_wait3A_331 = arith.constant 0 : i32
      %dma_wait3A_332 = arith.constant 0 : i32
      %dma_wait3A_333 = tpu.memref_slice %arg6[%dma_wait3A_330, %dma_wait3A_331, %dma_wait3A_332] : memref<8x128x64xf32, #tpu.memory_space<vmem>> -> memref<1x128x64xf32, #tpu.memory_space<vmem>>
      %dma_wait3A_334 = tpu.memref_squeeze %dma_wait3A_333 : memref<1x128x64xf32, #tpu.memory_space<vmem>> -> memref<128x64xf32, #tpu.memory_space<vmem>>
      %dma_wait3A_335 = arith.constant 0 : i32
      %dma_wait3A_336 = tpu.memref_slice %arg5[%add3A_329, %dma_wait3A_335] : memref<256x128xi32, #tpu.memory_space<vmem>> -> memref<1x128xi32, #tpu.memory_space<vmem>>
      %dma_wait3A_337 = tpu.memref_squeeze %dma_wait3A_336 : memref<1x128xi32, #tpu.memory_space<vmem>> -> memref<128xi32, #tpu.memory_space<vmem>>
      %dma_wait3A_338 = arith.constant 0 : i32
      %dma_wait3A_339 = arith.constant 0 : i32
      %dma_wait3A_340 = tpu.memref_slice %arg3[%dma_wait3A_338, %dma_wait3A_339] : memref<1015808x64xf32, #tpu.memory_space<hbm>> -> memref<1015808x64xf32, #tpu.memory_space<hbm>>
      tpu.wait_indirect_dma semaphore(%arg14 : memref<!tpu.dma_semaphore, #tpu.memory_space<semaphore_mem>>) src(%dma_wait3A_340 : memref<1015808x64xf32, #tpu.memory_space<hbm>>) dst(%dma_wait3A_334 : memref<128x64xf32, #tpu.memory_space<vmem>>)
      %scan3A_341 = arith.constant 6 : i32
      %scan3A_342 = arith.constant 0 : i32
      %scan3A_343 = arith.constant 32 : i32
      %scan3A_344 = arith.addi %scan3A_342, %scan3A_343 : i32
      %scan3A_345 = arith.constant 1 : i32
      %scan3A_346:4 = scf.for %scan3A_384 = %scan3A_342 to %scan3A_344 step %scan3A_345 iter_args(%scan3A_385 = %scan3A_317#0, %scan3A_386 = %scan3A_317#1, %scan3A_387 = %scan3A_317#2, %scan3A_388 = %scan3A_317#3) -> (vector<16xf32>, vector<16xf32>, vector<16xf32>, vector<16xf32>)  : i32 {
        %mul3A_389 = arith.constant 4 : i32
        %mul3A_390 = arith.muli %scan3A_384, %mul3A_389 : i32
        %add3A_391 = arith.constant 0 : i32
        %add3A_392 = arith.addi %mul3A_390, %add3A_391 : i32
        %get3A = arith.constant 0 : i32
        %get3A_393 = arith.constant 0 : i32
        %get3A_394 = tpu.memref_slice %arg6[%scan3A_341, %get3A, %get3A_393] : memref<8x128x64xf32, #tpu.memory_space<vmem>> -> memref<1x128x64xf32, #tpu.memory_space<vmem>>
        %get3A_395 = tpu.memref_squeeze %get3A_394 : memref<1x128x64xf32, #tpu.memory_space<vmem>> -> memref<128x64xf32, #tpu.memory_space<vmem>>
        %get3A_396 = arith.index_cast %add3A_392 : i32 to index
        %get3A_397 = arith.constant 0 : index
        %get3A_398 = tpu.vector_load %get3A_395[%get3A_396, %get3A_397] {strides = array<i32>} : memref<128x64xf32, #tpu.memory_space<vmem>>, vector<1x16xf32>,
        %get3A_399 = vector.shape_cast %get3A_398 : vector<1x16xf32> to vector<16xf32>
        %add3A_400 = arith.addf %scan3A_385, %get3A_399 : vector<16xf32>
        %get3A_401 = arith.constant 0 : i32
        %get3A_402 = arith.constant 0 : i32
        %get3A_403 = tpu.memref_slice %arg6[%scan3A_341, %get3A_401, %get3A_402] : memref<8x128x64xf32, #tpu.memory_space<vmem>> -> memref<1x128x64xf32, #tpu.memory_space<vmem>>
        %get3A_404 = tpu.memref_squeeze %get3A_403 : memref<1x128x64xf32, #tpu.memory_space<vmem>> -> memref<128x64xf32, #tpu.memory_space<vmem>>
        %get3A_405 = arith.index_cast %add3A_392 : i32 to index
        %get3A_406 = arith.constant 16 : index
        %get3A_407 = tpu.vector_load %get3A_404[%get3A_405, %get3A_406] {strides = array<i32>} : memref<128x64xf32, #tpu.memory_space<vmem>>, vector<1x16xf32>,
        %get3A_408 = vector.shape_cast %get3A_407 : vector<1x16xf32> to vector<16xf32>
        %add3A_409 = arith.addf %scan3A_386, %get3A_408 : vector<16xf32>
        %get3A_410 = arith.constant 0 : i32
        %get3A_411 = arith.constant 0 : i32
        %get3A_412 = tpu.memref_slice %arg6[%scan3A_341, %get3A_410, %get3A_411] : memref<8x128x64xf32, #tpu.memory_space<vmem>> -> memref<1x128x64xf32, #tpu.memory_space<vmem>>
        %get3A_413 = tpu.memref_squeeze %get3A_412 : memref<1x128x64xf32, #tpu.memory_space<vmem>> -> memref<128x64xf32, #tpu.memory_space<vmem>>
        %get3A_414 = arith.index_cast %add3A_392 : i32 to index
        %get3A_415 = arith.constant 32 : index
        %get3A_416 = tpu.vector_load %get3A_413[%get3A_414, %get3A_415] {strides = array<i32>} : memref<128x64xf32, #tpu.memory_space<vmem>>, vector<1x16xf32>,
        %get3A_417 = vector.shape_cast %get3A_416 : vector<1x16xf32> to vector<16xf32>
        %add3A_418 = arith.addf %scan3A_387, %get3A_417 : vector<16xf32>
        %get3A_419 = arith.constant 0 : i32
        %get3A_420 = arith.constant 0 : i32
        %get3A_421 = tpu.memref_slice %arg6[%scan3A_341, %get3A_419, %get3A_420] : memref<8x128x64xf32, #tpu.memory_space<vmem>> -> memref<1x128x64xf32, #tpu.memory_space<vmem>>
        %get3A_422 = tpu.memref_squeeze %get3A_421 : memref<1x128x64xf32, #tpu.memory_space<vmem>> -> memref<128x64xf32, #tpu.memory_space<vmem>>
        %get3A_423 = arith.index_cast %add3A_392 : i32 to index
        %get3A_424 = arith.constant 48 : index
        %get3A_425 = tpu.vector_load %get3A_422[%get3A_423, %get3A_424] {strides = array<i32>} : memref<128x64xf32, #tpu.memory_space<vmem>>, vector<1x16xf32>,
        %get3A_426 = vector.shape_cast %get3A_425 : vector<1x16xf32> to vector<16xf32>
        %add3A_427 = arith.addf %scan3A_388, %get3A_426 : vector<16xf32>
        %add3A_428 = arith.constant 1 : i32
        %add3A_429 = arith.addi %mul3A_390, %add3A_428 : i32
        %get3A_430 = arith.constant 0 : i32
        %get3A_431 = arith.constant 0 : i32
        %get3A_432 = tpu.memref_slice %arg6[%scan3A_341, %get3A_430, %get3A_431] : memref<8x128x64xf32, #tpu.memory_space<vmem>> -> memref<1x128x64xf32, #tpu.memory_space<vmem>>
        %get3A_433 = tpu.memref_squeeze %get3A_432 : memref<1x128x64xf32, #tpu.memory_space<vmem>> -> memref<128x64xf32, #tpu.memory_space<vmem>>
        %get3A_434 = arith.index_cast %add3A_429 : i32 to index
        %get3A_435 = arith.constant 0 : index
        %get3A_436 = tpu.vector_load %get3A_433[%get3A_434, %get3A_435] {strides = array<i32>} : memref<128x64xf32, #tpu.memory_space<vmem>>, vector<1x16xf32>,
        %get3A_437 = vector.shape_cast %get3A_436 : vector<1x16xf32> to vector<16xf32>
        %add3A_438 = arith.addf %add3A_400, %get3A_437 : vector<16xf32>
        %get3A_439 = arith.constant 0 : i32
        %get3A_440 = arith.constant 0 : i32
        %get3A_441 = tpu.memref_slice %arg6[%scan3A_341, %get3A_439, %get3A_440] : memref<8x128x64xf32, #tpu.memory_space<vmem>> -> memref<1x128x64xf32, #tpu.memory_space<vmem>>
        %get3A_442 = tpu.memref_squeeze %get3A_441 : memref<1x128x64xf32, #tpu.memory_space<vmem>> -> memref<128x64xf32, #tpu.memory_space<vmem>>
        %get3A_443 = arith.index_cast %add3A_429 : i32 to index
        %get3A_444 = arith.constant 16 : index
        %get3A_445 = tpu.vector_load %get3A_442[%get3A_443, %get3A_444] {strides = array<i32>} : memref<128x64xf32, #tpu.memory_space<vmem>>, vector<1x16xf32>,
        %get3A_446 = vector.shape_cast %get3A_445 : vector<1x16xf32> to vector<16xf32>
        %add3A_447 = arith.addf %add3A_409, %get3A_446 : vector<16xf32>
        %get3A_448 = arith.constant 0 : i32
        %get3A_449 = arith.constant 0 : i32
        %get3A_450 = tpu.memref_slice %arg6[%scan3A_341, %get3A_448, %get3A_449] : memref<8x128x64xf32, #tpu.memory_space<vmem>> -> memref<1x128x64xf32, #tpu.memory_space<vmem>>
        %get3A_451 = tpu.memref_squeeze %get3A_450 : memref<1x128x64xf32, #tpu.memory_space<vmem>> -> memref<128x64xf32, #tpu.memory_space<vmem>>
        %get3A_452 = arith.index_cast %add3A_429 : i32 to index
        %get3A_453 = arith.constant 32 : index
        %get3A_454 = tpu.vector_load %get3A_451[%get3A_452, %get3A_453] {strides = array<i32>} : memref<128x64xf32, #tpu.memory_space<vmem>>, vector<1x16xf32>,
        %get3A_455 = vector.shape_cast %get3A_454 : vector<1x16xf32> to vector<16xf32>
        %add3A_456 = arith.addf %add3A_418, %get3A_455 : vector<16xf32>
        %get3A_457 = arith.constant 0 : i32
        %get3A_458 = arith.constant 0 : i32
        %get3A_459 = tpu.memref_slice %arg6[%scan3A_341, %get3A_457, %get3A_458] : memref<8x128x64xf32, #tpu.memory_space<vmem>> -> memref<1x128x64xf32, #tpu.memory_space<vmem>>
        %get3A_460 = tpu.memref_squeeze %get3A_459 : memref<1x128x64xf32, #tpu.memory_space<vmem>> -> memref<128x64xf32, #tpu.memory_space<vmem>>
        %get3A_461 = arith.index_cast %add3A_429 : i32 to index
        %get3A_462 = arith.constant 48 : index
        %get3A_463 = tpu.vector_load %get3A_460[%get3A_461, %get3A_462] {strides = array<i32>} : memref<128x64xf32, #tpu.memory_space<vmem>>, vector<1x16xf32>,
        %get3A_464 = vector.shape_cast %get3A_463 : vector<1x16xf32> to vector<16xf32>
        %add3A_465 = arith.addf %add3A_427, %get3A_464 : vector<16xf32>
        %add3A_466 = arith.constant 2 : i32
        %add3A_467 = arith.addi %mul3A_390, %add3A_466 : i32
        %get3A_468 = arith.constant 0 : i32
        %get3A_469 = arith.constant 0 : i32
        %get3A_470 = tpu.memref_slice %arg6[%scan3A_341, %get3A_468, %get3A_469] : memref<8x128x64xf32, #tpu.memory_space<vmem>> -> memref<1x128x64xf32, #tpu.memory_space<vmem>>
        %get3A_471 = tpu.memref_squeeze %get3A_470 : memref<1x128x64xf32, #tpu.memory_space<vmem>> -> memref<128x64xf32, #tpu.memory_space<vmem>>
        %get3A_472 = arith.index_cast %add3A_467 : i32 to index
        %get3A_473 = arith.constant 0 : index
        %get3A_474 = tpu.vector_load %get3A_471[%get3A_472, %get3A_473] {strides = array<i32>} : memref<128x64xf32, #tpu.memory_space<vmem>>, vector<1x16xf32>,
        %get3A_475 = vector.shape_cast %get3A_474 : vector<1x16xf32> to vector<16xf32>
        %add3A_476 = arith.addf %add3A_438, %get3A_475 : vector<16xf32>
        %get3A_477 = arith.constant 0 : i32
        %get3A_478 = arith.constant 0 : i32
        %get3A_479 = tpu.memref_slice %arg6[%scan3A_341, %get3A_477, %get3A_478] : memref<8x128x64xf32, #tpu.memory_space<vmem>> -> memref<1x128x64xf32, #tpu.memory_space<vmem>>
        %get3A_480 = tpu.memref_squeeze %get3A_479 : memref<1x128x64xf32, #tpu.memory_space<vmem>> -> memref<128x64xf32, #tpu.memory_space<vmem>>
        %get3A_481 = arith.index_cast %add3A_467 : i32 to index
        %get3A_482 = arith.constant 16 : index
        %get3A_483 = tpu.vector_load %get3A_480[%get3A_481, %get3A_482] {strides = array<i32>} : memref<128x64xf32, #tpu.memory_space<vmem>>, vector<1x16xf32>,
        %get3A_484 = vector.shape_cast %get3A_483 : vector<1x16xf32> to vector<16xf32>
        %add3A_485 = arith.addf %add3A_447, %get3A_484 : vector<16xf32>
        %get3A_486 = arith.constant 0 : i32
        %get3A_487 = arith.constant 0 : i32
        %get3A_488 = tpu.memref_slice %arg6[%scan3A_341, %get3A_486, %get3A_487] : memref<8x128x64xf32, #tpu.memory_space<vmem>> -> memref<1x128x64xf32, #tpu.memory_space<vmem>>
        %get3A_489 = tpu.memref_squeeze %get3A_488 : memref<1x128x64xf32, #tpu.memory_space<vmem>> -> memref<128x64xf32, #tpu.memory_space<vmem>>
        %get3A_490 = arith.index_cast %add3A_467 : i32 to index
        %get3A_491 = arith.constant 32 : index
        %get3A_492 = tpu.vector_load %get3A_489[%get3A_490, %get3A_491] {strides = array<i32>} : memref<128x64xf32, #tpu.memory_space<vmem>>, vector<1x16xf32>,
        %get3A_493 = vector.shape_cast %get3A_492 : vector<1x16xf32> to vector<16xf32>
        %add3A_494 = arith.addf %add3A_456, %get3A_493 : vector<16xf32>
        %get3A_495 = arith.constant 0 : i32
        %get3A_496 = arith.constant 0 : i32
        %get3A_497 = tpu.memref_slice %arg6[%scan3A_341, %get3A_495, %get3A_496] : memref<8x128x64xf32, #tpu.memory_space<vmem>> -> memref<1x128x64xf32, #tpu.memory_space<vmem>>
        %get3A_498 = tpu.memref_squeeze %get3A_497 : memref<1x128x64xf32, #tpu.memory_space<vmem>> -> memref<128x64xf32, #tpu.memory_space<vmem>>
        %get3A_499 = arith.index_cast %add3A_467 : i32 to index
        %get3A_500 = arith.constant 48 : index
        %get3A_501 = tpu.vector_load %get3A_498[%get3A_499, %get3A_500] {strides = array<i32>} : memref<128x64xf32, #tpu.memory_space<vmem>>, vector<1x16xf32>,
        %get3A_502 = vector.shape_cast %get3A_501 : vector<1x16xf32> to vector<16xf32>
        %add3A_503 = arith.addf %add3A_465, %get3A_502 : vector<16xf32>
        %add3A_504 = arith.constant 3 : i32
        %add3A_505 = arith.addi %mul3A_390, %add3A_504 : i32
        %get3A_506 = arith.constant 0 : i32
        %get3A_507 = arith.constant 0 : i32
        %get3A_508 = tpu.memref_slice %arg6[%scan3A_341, %get3A_506, %get3A_507] : memref<8x128x64xf32, #tpu.memory_space<vmem>> -> memref<1x128x64xf32, #tpu.memory_space<vmem>>
        %get3A_509 = tpu.memref_squeeze %get3A_508 : memref<1x128x64xf32, #tpu.memory_space<vmem>> -> memref<128x64xf32, #tpu.memory_space<vmem>>
        %get3A_510 = arith.index_cast %add3A_505 : i32 to index
        %get3A_511 = arith.constant 0 : index
        %get3A_512 = tpu.vector_load %get3A_509[%get3A_510, %get3A_511] {strides = array<i32>} : memref<128x64xf32, #tpu.memory_space<vmem>>, vector<1x16xf32>,
        %get3A_513 = vector.shape_cast %get3A_512 : vector<1x16xf32> to vector<16xf32>
        %add3A_514 = arith.addf %add3A_476, %get3A_513 : vector<16xf32>
        %get3A_515 = arith.constant 0 : i32
        %get3A_516 = arith.constant 0 : i32
        %get3A_517 = tpu.memref_slice %arg6[%scan3A_341, %get3A_515, %get3A_516] : memref<8x128x64xf32, #tpu.memory_space<vmem>> -> memref<1x128x64xf32, #tpu.memory_space<vmem>>
        %get3A_518 = tpu.memref_squeeze %get3A_517 : memref<1x128x64xf32, #tpu.memory_space<vmem>> -> memref<128x64xf32, #tpu.memory_space<vmem>>
        %get3A_519 = arith.index_cast %add3A_505 : i32 to index
        %get3A_520 = arith.constant 16 : index
        %get3A_521 = tpu.vector_load %get3A_518[%get3A_519, %get3A_520] {strides = array<i32>} : memref<128x64xf32, #tpu.memory_space<vmem>>, vector<1x16xf32>,
        %get3A_522 = vector.shape_cast %get3A_521 : vector<1x16xf32> to vector<16xf32>
        %add3A_523 = arith.addf %add3A_485, %get3A_522 : vector<16xf32>
        %get3A_524 = arith.constant 0 : i32
        %get3A_525 = arith.constant 0 : i32
        %get3A_526 = tpu.memref_slice %arg6[%scan3A_341, %get3A_524, %get3A_525] : memref<8x128x64xf32, #tpu.memory_space<vmem>> -> memref<1x128x64xf32, #tpu.memory_space<vmem>>
        %get3A_527 = tpu.memref_squeeze %get3A_526 : memref<1x128x64xf32, #tpu.memory_space<vmem>> -> memref<128x64xf32, #tpu.memory_space<vmem>>
        %get3A_528 = arith.index_cast %add3A_505 : i32 to index
        %get3A_529 = arith.constant 32 : index
        %get3A_530 = tpu.vector_load %get3A_527[%get3A_528, %get3A_529] {strides = array<i32>} : memref<128x64xf32, #tpu.memory_space<vmem>>, vector<1x16xf32>,
        %get3A_531 = vector.shape_cast %get3A_530 : vector<1x16xf32> to vector<16xf32>
        %add3A_532 = arith.addf %add3A_494, %get3A_531 : vector<16xf32>
        %get3A_533 = arith.constant 0 : i32
        %get3A_534 = arith.constant 0 : i32
        %get3A_535 = tpu.memref_slice %arg6[%scan3A_341, %get3A_533, %get3A_534] : memref<8x128x64xf32, #tpu.memory_space<vmem>> -> memref<1x128x64xf32, #tpu.memory_space<vmem>>
        %get3A_536 = tpu.memref_squeeze %get3A_535 : memref<1x128x64xf32, #tpu.memory_space<vmem>> -> memref<128x64xf32, #tpu.memory_space<vmem>>
        %get3A_537 = arith.index_cast %add3A_505 : i32 to index
        %get3A_538 = arith.constant 48 : index
        %get3A_539 = tpu.vector_load %get3A_536[%get3A_537, %get3A_538] {strides = array<i32>} : memref<128x64xf32, #tpu.memory_space<vmem>>, vector<1x16xf32>,
        %get3A_540 = vector.shape_cast %get3A_539 : vector<1x16xf32> to vector<16xf32>
        %add3A_541 = arith.addf %add3A_503, %get3A_540 : vector<16xf32>
        scf.yield %add3A_514, %add3A_523, %add3A_532, %add3A_541 : vector<16xf32>, vector<16xf32>, vector<16xf32>, vector<16xf32>
      }
      %scan3A_347 = arith.constant 32 : i32
      %add3A_348 = arith.constant 8 : i32
      %add3A_349 = arith.addi %add3A_329, %add3A_348 : i32
      %lt3A_350 = arith.constant 256 : i32
      %lt3A_351 = arith.cmpi slt, %add3A_349, %lt3A_350 : i32
      %convert_element_type3A_352 = arith.extui %lt3A_351 : i1 to i32
      %cond3A_353 = arith.constant 0 : i32
      %cond3A_354 = arith.cmpi ne, %convert_element_type3A_352, %cond3A_353 : i32
      scf.if %cond3A_354 {
        %add3A_384 = arith.constant 8 : i32
        %add3A_385 = arith.addi %add3A_329, %add3A_384 : i32
        %dma_start3A_386 = arith.constant 6 : i32
        %dma_start3A_387 = arith.constant 0 : i32
        %dma_start3A_388 = arith.constant 0 : i32
        %dma_start3A_389 = tpu.memref_slice %arg6[%dma_start3A_386, %dma_start3A_387, %dma_start3A_388] : memref<8x128x64xf32, #tpu.memory_space<vmem>> -> memref<1x128x64xf32, #tpu.memory_space<vmem>>
        %dma_start3A_390 = tpu.memref_squeeze %dma_start3A_389 : memref<1x128x64xf32, #tpu.memory_space<vmem>> -> memref<128x64xf32, #tpu.memory_space<vmem>>
        %dma_start3A_391 = arith.constant 0 : i32
        %dma_start3A_392 = tpu.memref_slice %arg5[%add3A_385, %dma_start3A_391] : memref<256x128xi32, #tpu.memory_space<vmem>> -> memref<1x128xi32, #tpu.memory_space<vmem>>
        %dma_start3A_393 = tpu.memref_squeeze %dma_start3A_392 : memref<1x128xi32, #tpu.memory_space<vmem>> -> memref<128xi32, #tpu.memory_space<vmem>>
        %dma_start3A_394 = arith.constant 0 : i32
        %dma_start3A_395 = arith.constant 0 : i32
        %dma_start3A_396 = tpu.memref_slice %arg3[%dma_start3A_394, %dma_start3A_395] : memref<1015808x64xf32, #tpu.memory_space<hbm>> -> memref<1015808x64xf32, #tpu.memory_space<hbm>>
        tpu.enqueue_indirect_dma source(%dma_start3A_396 : memref<1015808x64xf32, #tpu.memory_space<hbm>>) target(%dma_start3A_390 : memref<128x64xf32, #tpu.memory_space<vmem>>) offsets(%dma_start3A_393 : memref<128xi32, #tpu.memory_space<vmem>>) semaphore(%arg14 : memref<!tpu.dma_semaphore, #tpu.memory_space<semaphore_mem>>)
      } else {
      }
      %mul3A_355 = arith.constant 8 : i32
      %mul3A_356 = arith.muli %scan3A_150, %mul3A_355 : i32
      %add3A_357 = arith.constant 7 : i32
      %add3A_358 = arith.addi %mul3A_356, %add3A_357 : i32
      %dma_wait3A_359 = arith.constant 7 : i32
      %dma_wait3A_360 = arith.constant 0 : i32
      %dma_wait3A_361 = arith.constant 0 : i32
      %dma_wait3A_362 = tpu.memref_slice %arg6[%dma_wait3A_359, %dma_wait3A_360, %dma_wait3A_361] : memref<8x128x64xf32, #tpu.memory_space<vmem>> -> memref<1x128x64xf32, #tpu.memory_space<vmem>>
      %dma_wait3A_363 = tpu.memref_squeeze %dma_wait3A_362 : memref<1x128x64xf32, #tpu.memory_space<vmem>> -> memref<128x64xf32, #tpu.memory_space<vmem>>
      %dma_wait3A_364 = arith.constant 0 : i32
      %dma_wait3A_365 = tpu.memref_slice %arg5[%add3A_358, %dma_wait3A_364] : memref<256x128xi32, #tpu.memory_space<vmem>> -> memref<1x128xi32, #tpu.memory_space<vmem>>
      %dma_wait3A_366 = tpu.memref_squeeze %dma_wait3A_365 : memref<1x128xi32, #tpu.memory_space<vmem>> -> memref<128xi32, #tpu.memory_space<vmem>>
      %dma_wait3A_367 = arith.constant 0 : i32
      %dma_wait3A_368 = arith.constant 0 : i32
      %dma_wait3A_369 = tpu.memref_slice %arg3[%dma_wait3A_367, %dma_wait3A_368] : memref<1015808x64xf32, #tpu.memory_space<hbm>> -> memref<1015808x64xf32, #tpu.memory_space<hbm>>
      tpu.wait_indirect_dma semaphore(%arg15 : memref<!tpu.dma_semaphore, #tpu.memory_space<semaphore_mem>>) src(%dma_wait3A_369 : memref<1015808x64xf32, #tpu.memory_space<hbm>>) dst(%dma_wait3A_363 : memref<128x64xf32, #tpu.memory_space<vmem>>)
      %scan3A_370 = arith.constant 7 : i32
      %scan3A_371 = arith.constant 0 : i32
      %scan3A_372 = arith.constant 32 : i32
      %scan3A_373 = arith.addi %scan3A_371, %scan3A_372 : i32
      %scan3A_374 = arith.constant 1 : i32
      %scan3A_375:4 = scf.for %scan3A_384 = %scan3A_371 to %scan3A_373 step %scan3A_374 iter_args(%scan3A_385 = %scan3A_346#0, %scan3A_386 = %scan3A_346#1, %scan3A_387 = %scan3A_346#2, %scan3A_388 = %scan3A_346#3) -> (vector<16xf32>, vector<16xf32>, vector<16xf32>, vector<16xf32>)  : i32 {
        %mul3A_389 = arith.constant 4 : i32
        %mul3A_390 = arith.muli %scan3A_384, %mul3A_389 : i32
        %add3A_391 = arith.constant 0 : i32
        %add3A_392 = arith.addi %mul3A_390, %add3A_391 : i32
        %get3A = arith.constant 0 : i32
        %get3A_393 = arith.constant 0 : i32
        %get3A_394 = tpu.memref_slice %arg6[%scan3A_370, %get3A, %get3A_393] : memref<8x128x64xf32, #tpu.memory_space<vmem>> -> memref<1x128x64xf32, #tpu.memory_space<vmem>>
        %get3A_395 = tpu.memref_squeeze %get3A_394 : memref<1x128x64xf32, #tpu.memory_space<vmem>> -> memref<128x64xf32, #tpu.memory_space<vmem>>
        %get3A_396 = arith.index_cast %add3A_392 : i32 to index
        %get3A_397 = arith.constant 0 : index
        %get3A_398 = tpu.vector_load %get3A_395[%get3A_396, %get3A_397] {strides = array<i32>} : memref<128x64xf32, #tpu.memory_space<vmem>>, vector<1x16xf32>,
        %get3A_399 = vector.shape_cast %get3A_398 : vector<1x16xf32> to vector<16xf32>
        %add3A_400 = arith.addf %scan3A_385, %get3A_399 : vector<16xf32>
        %get3A_401 = arith.constant 0 : i32
        %get3A_402 = arith.constant 0 : i32
        %get3A_403 = tpu.memref_slice %arg6[%scan3A_370, %get3A_401, %get3A_402] : memref<8x128x64xf32, #tpu.memory_space<vmem>> -> memref<1x128x64xf32, #tpu.memory_space<vmem>>
        %get3A_404 = tpu.memref_squeeze %get3A_403 : memref<1x128x64xf32, #tpu.memory_space<vmem>> -> memref<128x64xf32, #tpu.memory_space<vmem>>
        %get3A_405 = arith.index_cast %add3A_392 : i32 to index
        %get3A_406 = arith.constant 16 : index
        %get3A_407 = tpu.vector_load %get3A_404[%get3A_405, %get3A_406] {strides = array<i32>} : memref<128x64xf32, #tpu.memory_space<vmem>>, vector<1x16xf32>,
        %get3A_408 = vector.shape_cast %get3A_407 : vector<1x16xf32> to vector<16xf32>
        %add3A_409 = arith.addf %scan3A_386, %get3A_408 : vector<16xf32>
        %get3A_410 = arith.constant 0 : i32
        %get3A_411 = arith.constant 0 : i32
        %get3A_412 = tpu.memref_slice %arg6[%scan3A_370, %get3A_410, %get3A_411] : memref<8x128x64xf32, #tpu.memory_space<vmem>> -> memref<1x128x64xf32, #tpu.memory_space<vmem>>
        %get3A_413 = tpu.memref_squeeze %get3A_412 : memref<1x128x64xf32, #tpu.memory_space<vmem>> -> memref<128x64xf32, #tpu.memory_space<vmem>>
        %get3A_414 = arith.index_cast %add3A_392 : i32 to index
        %get3A_415 = arith.constant 32 : index
        %get3A_416 = tpu.vector_load %get3A_413[%get3A_414, %get3A_415] {strides = array<i32>} : memref<128x64xf32, #tpu.memory_space<vmem>>, vector<1x16xf32>,
        %get3A_417 = vector.shape_cast %get3A_416 : vector<1x16xf32> to vector<16xf32>
        %add3A_418 = arith.addf %scan3A_387, %get3A_417 : vector<16xf32>
        %get3A_419 = arith.constant 0 : i32
        %get3A_420 = arith.constant 0 : i32
        %get3A_421 = tpu.memref_slice %arg6[%scan3A_370, %get3A_419, %get3A_420] : memref<8x128x64xf32, #tpu.memory_space<vmem>> -> memref<1x128x64xf32, #tpu.memory_space<vmem>>
        %get3A_422 = tpu.memref_squeeze %get3A_421 : memref<1x128x64xf32, #tpu.memory_space<vmem>> -> memref<128x64xf32, #tpu.memory_space<vmem>>
        %get3A_423 = arith.index_cast %add3A_392 : i32 to index
        %get3A_424 = arith.constant 48 : index
        %get3A_425 = tpu.vector_load %get3A_422[%get3A_423, %get3A_424] {strides = array<i32>} : memref<128x64xf32, #tpu.memory_space<vmem>>, vector<1x16xf32>,
        %get3A_426 = vector.shape_cast %get3A_425 : vector<1x16xf32> to vector<16xf32>
        %add3A_427 = arith.addf %scan3A_388, %get3A_426 : vector<16xf32>
        %add3A_428 = arith.constant 1 : i32
        %add3A_429 = arith.addi %mul3A_390, %add3A_428 : i32
        %get3A_430 = arith.constant 0 : i32
        %get3A_431 = arith.constant 0 : i32
        %get3A_432 = tpu.memref_slice %arg6[%scan3A_370, %get3A_430, %get3A_431] : memref<8x128x64xf32, #tpu.memory_space<vmem>> -> memref<1x128x64xf32, #tpu.memory_space<vmem>>
        %get3A_433 = tpu.memref_squeeze %get3A_432 : memref<1x128x64xf32, #tpu.memory_space<vmem>> -> memref<128x64xf32, #tpu.memory_space<vmem>>
        %get3A_434 = arith.index_cast %add3A_429 : i32 to index
        %get3A_435 = arith.constant 0 : index
        %get3A_436 = tpu.vector_load %get3A_433[%get3A_434, %get3A_435] {strides = array<i32>} : memref<128x64xf32, #tpu.memory_space<vmem>>, vector<1x16xf32>,
        %get3A_437 = vector.shape_cast %get3A_436 : vector<1x16xf32> to vector<16xf32>
        %add3A_438 = arith.addf %add3A_400, %get3A_437 : vector<16xf32>
        %get3A_439 = arith.constant 0 : i32
        %get3A_440 = arith.constant 0 : i32
        %get3A_441 = tpu.memref_slice %arg6[%scan3A_370, %get3A_439, %get3A_440] : memref<8x128x64xf32, #tpu.memory_space<vmem>> -> memref<1x128x64xf32, #tpu.memory_space<vmem>>
        %get3A_442 = tpu.memref_squeeze %get3A_441 : memref<1x128x64xf32, #tpu.memory_space<vmem>> -> memref<128x64xf32, #tpu.memory_space<vmem>>
        %get3A_443 = arith.index_cast %add3A_429 : i32 to index
        %get3A_444 = arith.constant 16 : index
        %get3A_445 = tpu.vector_load %get3A_442[%get3A_443, %get3A_444] {strides = array<i32>} : memref<128x64xf32, #tpu.memory_space<vmem>>, vector<1x16xf32>,
        %get3A_446 = vector.shape_cast %get3A_445 : vector<1x16xf32> to vector<16xf32>
        %add3A_447 = arith.addf %add3A_409, %get3A_446 : vector<16xf32>
        %get3A_448 = arith.constant 0 : i32
        %get3A_449 = arith.constant 0 : i32
        %get3A_450 = tpu.memref_slice %arg6[%scan3A_370, %get3A_448, %get3A_449] : memref<8x128x64xf32, #tpu.memory_space<vmem>> -> memref<1x128x64xf32, #tpu.memory_space<vmem>>
        %get3A_451 = tpu.memref_squeeze %get3A_450 : memref<1x128x64xf32, #tpu.memory_space<vmem>> -> memref<128x64xf32, #tpu.memory_space<vmem>>
        %get3A_452 = arith.index_cast %add3A_429 : i32 to index
        %get3A_453 = arith.constant 32 : index
        %get3A_454 = tpu.vector_load %get3A_451[%get3A_452, %get3A_453] {strides = array<i32>} : memref<128x64xf32, #tpu.memory_space<vmem>>, vector<1x16xf32>,
        %get3A_455 = vector.shape_cast %get3A_454 : vector<1x16xf32> to vector<16xf32>
        %add3A_456 = arith.addf %add3A_418, %get3A_455 : vector<16xf32>
        %get3A_457 = arith.constant 0 : i32
        %get3A_458 = arith.constant 0 : i32
        %get3A_459 = tpu.memref_slice %arg6[%scan3A_370, %get3A_457, %get3A_458] : memref<8x128x64xf32, #tpu.memory_space<vmem>> -> memref<1x128x64xf32, #tpu.memory_space<vmem>>
        %get3A_460 = tpu.memref_squeeze %get3A_459 : memref<1x128x64xf32, #tpu.memory_space<vmem>> -> memref<128x64xf32, #tpu.memory_space<vmem>>
        %get3A_461 = arith.index_cast %add3A_429 : i32 to index
        %get3A_462 = arith.constant 48 : index
        %get3A_463 = tpu.vector_load %get3A_460[%get3A_461, %get3A_462] {strides = array<i32>} : memref<128x64xf32, #tpu.memory_space<vmem>>, vector<1x16xf32>,
        %get3A_464 = vector.shape_cast %get3A_463 : vector<1x16xf32> to vector<16xf32>
        %add3A_465 = arith.addf %add3A_427, %get3A_464 : vector<16xf32>
        %add3A_466 = arith.constant 2 : i32
        %add3A_467 = arith.addi %mul3A_390, %add3A_466 : i32
        %get3A_468 = arith.constant 0 : i32
        %get3A_469 = arith.constant 0 : i32
        %get3A_470 = tpu.memref_slice %arg6[%scan3A_370, %get3A_468, %get3A_469] : memref<8x128x64xf32, #tpu.memory_space<vmem>> -> memref<1x128x64xf32, #tpu.memory_space<vmem>>
        %get3A_471 = tpu.memref_squeeze %get3A_470 : memref<1x128x64xf32, #tpu.memory_space<vmem>> -> memref<128x64xf32, #tpu.memory_space<vmem>>
        %get3A_472 = arith.index_cast %add3A_467 : i32 to index
        %get3A_473 = arith.constant 0 : index
        %get3A_474 = tpu.vector_load %get3A_471[%get3A_472, %get3A_473] {strides = array<i32>} : memref<128x64xf32, #tpu.memory_space<vmem>>, vector<1x16xf32>,
        %get3A_475 = vector.shape_cast %get3A_474 : vector<1x16xf32> to vector<16xf32>
        %add3A_476 = arith.addf %add3A_438, %get3A_475 : vector<16xf32>
        %get3A_477 = arith.constant 0 : i32
        %get3A_478 = arith.constant 0 : i32
        %get3A_479 = tpu.memref_slice %arg6[%scan3A_370, %get3A_477, %get3A_478] : memref<8x128x64xf32, #tpu.memory_space<vmem>> -> memref<1x128x64xf32, #tpu.memory_space<vmem>>
        %get3A_480 = tpu.memref_squeeze %get3A_479 : memref<1x128x64xf32, #tpu.memory_space<vmem>> -> memref<128x64xf32, #tpu.memory_space<vmem>>
        %get3A_481 = arith.index_cast %add3A_467 : i32 to index
        %get3A_482 = arith.constant 16 : index
        %get3A_483 = tpu.vector_load %get3A_480[%get3A_481, %get3A_482] {strides = array<i32>} : memref<128x64xf32, #tpu.memory_space<vmem>>, vector<1x16xf32>,
        %get3A_484 = vector.shape_cast %get3A_483 : vector<1x16xf32> to vector<16xf32>
        %add3A_485 = arith.addf %add3A_447, %get3A_484 : vector<16xf32>
        %get3A_486 = arith.constant 0 : i32
        %get3A_487 = arith.constant 0 : i32
        %get3A_488 = tpu.memref_slice %arg6[%scan3A_370, %get3A_486, %get3A_487] : memref<8x128x64xf32, #tpu.memory_space<vmem>> -> memref<1x128x64xf32, #tpu.memory_space<vmem>>
        %get3A_489 = tpu.memref_squeeze %get3A_488 : memref<1x128x64xf32, #tpu.memory_space<vmem>> -> memref<128x64xf32, #tpu.memory_space<vmem>>
        %get3A_490 = arith.index_cast %add3A_467 : i32 to index
        %get3A_491 = arith.constant 32 : index
        %get3A_492 = tpu.vector_load %get3A_489[%get3A_490, %get3A_491] {strides = array<i32>} : memref<128x64xf32, #tpu.memory_space<vmem>>, vector<1x16xf32>,
        %get3A_493 = vector.shape_cast %get3A_492 : vector<1x16xf32> to vector<16xf32>
        %add3A_494 = arith.addf %add3A_456, %get3A_493 : vector<16xf32>
        %get3A_495 = arith.constant 0 : i32
        %get3A_496 = arith.constant 0 : i32
        %get3A_497 = tpu.memref_slice %arg6[%scan3A_370, %get3A_495, %get3A_496] : memref<8x128x64xf32, #tpu.memory_space<vmem>> -> memref<1x128x64xf32, #tpu.memory_space<vmem>>
        %get3A_498 = tpu.memref_squeeze %get3A_497 : memref<1x128x64xf32, #tpu.memory_space<vmem>> -> memref<128x64xf32, #tpu.memory_space<vmem>>
        %get3A_499 = arith.index_cast %add3A_467 : i32 to index
        %get3A_500 = arith.constant 48 : index
        %get3A_501 = tpu.vector_load %get3A_498[%get3A_499, %get3A_500] {strides = array<i32>} : memref<128x64xf32, #tpu.memory_space<vmem>>, vector<1x16xf32>,
        %get3A_502 = vector.shape_cast %get3A_501 : vector<1x16xf32> to vector<16xf32>
        %add3A_503 = arith.addf %add3A_465, %get3A_502 : vector<16xf32>
        %add3A_504 = arith.constant 3 : i32
        %add3A_505 = arith.addi %mul3A_390, %add3A_504 : i32
        %get3A_506 = arith.constant 0 : i32
        %get3A_507 = arith.constant 0 : i32
        %get3A_508 = tpu.memref_slice %arg6[%scan3A_370, %get3A_506, %get3A_507] : memref<8x128x64xf32, #tpu.memory_space<vmem>> -> memref<1x128x64xf32, #tpu.memory_space<vmem>>
        %get3A_509 = tpu.memref_squeeze %get3A_508 : memref<1x128x64xf32, #tpu.memory_space<vmem>> -> memref<128x64xf32, #tpu.memory_space<vmem>>
        %get3A_510 = arith.index_cast %add3A_505 : i32 to index
        %get3A_511 = arith.constant 0 : index
        %get3A_512 = tpu.vector_load %get3A_509[%get3A_510, %get3A_511] {strides = array<i32>} : memref<128x64xf32, #tpu.memory_space<vmem>>, vector<1x16xf32>,
        %get3A_513 = vector.shape_cast %get3A_512 : vector<1x16xf32> to vector<16xf32>
        %add3A_514 = arith.addf %add3A_476, %get3A_513 : vector<16xf32>
        %get3A_515 = arith.constant 0 : i32
        %get3A_516 = arith.constant 0 : i32
        %get3A_517 = tpu.memref_slice %arg6[%scan3A_370, %get3A_515, %get3A_516] : memref<8x128x64xf32, #tpu.memory_space<vmem>> -> memref<1x128x64xf32, #tpu.memory_space<vmem>>
        %get3A_518 = tpu.memref_squeeze %get3A_517 : memref<1x128x64xf32, #tpu.memory_space<vmem>> -> memref<128x64xf32, #tpu.memory_space<vmem>>
        %get3A_519 = arith.index_cast %add3A_505 : i32 to index
        %get3A_520 = arith.constant 16 : index
        %get3A_521 = tpu.vector_load %get3A_518[%get3A_519, %get3A_520] {strides = array<i32>} : memref<128x64xf32, #tpu.memory_space<vmem>>, vector<1x16xf32>,
        %get3A_522 = vector.shape_cast %get3A_521 : vector<1x16xf32> to vector<16xf32>
        %add3A_523 = arith.addf %add3A_485, %get3A_522 : vector<16xf32>
        %get3A_524 = arith.constant 0 : i32
        %get3A_525 = arith.constant 0 : i32
        %get3A_526 = tpu.memref_slice %arg6[%scan3A_370, %get3A_524, %get3A_525] : memref<8x128x64xf32, #tpu.memory_space<vmem>> -> memref<1x128x64xf32, #tpu.memory_space<vmem>>
        %get3A_527 = tpu.memref_squeeze %get3A_526 : memref<1x128x64xf32, #tpu.memory_space<vmem>> -> memref<128x64xf32, #tpu.memory_space<vmem>>
        %get3A_528 = arith.index_cast %add3A_505 : i32 to index
        %get3A_529 = arith.constant 32 : index
        %get3A_530 = tpu.vector_load %get3A_527[%get3A_528, %get3A_529] {strides = array<i32>} : memref<128x64xf32, #tpu.memory_space<vmem>>, vector<1x16xf32>,
        %get3A_531 = vector.shape_cast %get3A_530 : vector<1x16xf32> to vector<16xf32>
        %add3A_532 = arith.addf %add3A_494, %get3A_531 : vector<16xf32>
        %get3A_533 = arith.constant 0 : i32
        %get3A_534 = arith.constant 0 : i32
        %get3A_535 = tpu.memref_slice %arg6[%scan3A_370, %get3A_533, %get3A_534] : memref<8x128x64xf32, #tpu.memory_space<vmem>> -> memref<1x128x64xf32, #tpu.memory_space<vmem>>
        %get3A_536 = tpu.memref_squeeze %get3A_535 : memref<1x128x64xf32, #tpu.memory_space<vmem>> -> memref<128x64xf32, #tpu.memory_space<vmem>>
        %get3A_537 = arith.index_cast %add3A_505 : i32 to index
        %get3A_538 = arith.constant 48 : index
        %get3A_539 = tpu.vector_load %get3A_536[%get3A_537, %get3A_538] {strides = array<i32>} : memref<128x64xf32, #tpu.memory_space<vmem>>, vector<1x16xf32>,
        %get3A_540 = vector.shape_cast %get3A_539 : vector<1x16xf32> to vector<16xf32>
        %add3A_541 = arith.addf %add3A_503, %get3A_540 : vector<16xf32>
        scf.yield %add3A_514, %add3A_523, %add3A_532, %add3A_541 : vector<16xf32>, vector<16xf32>, vector<16xf32>, vector<16xf32>
      }
      %scan3A_376 = arith.constant 32 : i32
      %add3A_377 = arith.constant 8 : i32
      %add3A_378 = arith.addi %add3A_358, %add3A_377 : i32
      %lt3A_379 = arith.constant 256 : i32
      %lt3A_380 = arith.cmpi slt, %add3A_378, %lt3A_379 : i32
      %convert_element_type3A_381 = arith.extui %lt3A_380 : i1 to i32
      %cond3A_382 = arith.constant 0 : i32
      %cond3A_383 = arith.cmpi ne, %convert_element_type3A_381, %cond3A_382 : i32
      scf.if %cond3A_383 {
        %add3A_384 = arith.constant 8 : i32
        %add3A_385 = arith.addi %add3A_358, %add3A_384 : i32
        %dma_start3A_386 = arith.constant 7 : i32
        %dma_start3A_387 = arith.constant 0 : i32
        %dma_start3A_388 = arith.constant 0 : i32
        %dma_start3A_389 = tpu.memref_slice %arg6[%dma_start3A_386, %dma_start3A_387, %dma_start3A_388] : memref<8x128x64xf32, #tpu.memory_space<vmem>> -> memref<1x128x64xf32, #tpu.memory_space<vmem>>
        %dma_start3A_390 = tpu.memref_squeeze %dma_start3A_389 : memref<1x128x64xf32, #tpu.memory_space<vmem>> -> memref<128x64xf32, #tpu.memory_space<vmem>>
        %dma_start3A_391 = arith.constant 0 : i32
        %dma_start3A_392 = tpu.memref_slice %arg5[%add3A_385, %dma_start3A_391] : memref<256x128xi32, #tpu.memory_space<vmem>> -> memref<1x128xi32, #tpu.memory_space<vmem>>
        %dma_start3A_393 = tpu.memref_squeeze %dma_start3A_392 : memref<1x128xi32, #tpu.memory_space<vmem>> -> memref<128xi32, #tpu.memory_space<vmem>>
        %dma_start3A_394 = arith.constant 0 : i32
        %dma_start3A_395 = arith.constant 0 : i32
        %dma_start3A_396 = tpu.memref_slice %arg3[%dma_start3A_394, %dma_start3A_395] : memref<1015808x64xf32, #tpu.memory_space<hbm>> -> memref<1015808x64xf32, #tpu.memory_space<hbm>>
        tpu.enqueue_indirect_dma source(%dma_start3A_396 : memref<1015808x64xf32, #tpu.memory_space<hbm>>) target(%dma_start3A_390 : memref<128x64xf32, #tpu.memory_space<vmem>>) offsets(%dma_start3A_393 : memref<128xi32, #tpu.memory_space<vmem>>) semaphore(%arg15 : memref<!tpu.dma_semaphore, #tpu.memory_space<semaphore_mem>>)
      } else {
      }
      scf.yield %scan3A_375#0, %scan3A_375#1, %scan3A_375#2, %scan3A_375#3 : vector<16xf32>, vector<16xf32>, vector<16xf32>, vector<16xf32>
    }
    %scan3A_101 = arith.constant 32 : i32
    %swap3A = arith.constant 0 : index
    %swap3A_102 = tpu.vector_load %arg7[%swap3A] {strides = array<i32>} : memref<64xf32, #tpu.memory_space<vmem>>, vector<16xf32>,
    %swap3A_103 = vector.shape_cast %swap3A_102 : vector<16xf32> to vector<16xf32>
    %swap3A_104 = vector.shape_cast %scan3A_100#0 : vector<16xf32> to vector<16xf32>
    tpu.vector_store %arg7[%swap3A], %swap3A_104 {strides = array<i32>} : memref<64xf32, #tpu.memory_space<vmem>>, vector<16xf32>,
    %swap3A_105 = arith.constant 16 : index
    %swap3A_106 = tpu.vector_load %arg7[%swap3A_105] {strides = array<i32>} : memref<64xf32, #tpu.memory_space<vmem>>, vector<16xf32>,
    %swap3A_107 = vector.shape_cast %swap3A_106 : vector<16xf32> to vector<16xf32>
    %swap3A_108 = vector.shape_cast %scan3A_100#1 : vector<16xf32> to vector<16xf32>
    tpu.vector_store %arg7[%swap3A_105], %swap3A_108 {strides = array<i32>} : memref<64xf32, #tpu.memory_space<vmem>>, vector<16xf32>,
    %swap3A_109 = arith.constant 32 : index
    %swap3A_110 = tpu.vector_load %arg7[%swap3A_109] {strides = array<i32>} : memref<64xf32, #tpu.memory_space<vmem>>, vector<16xf32>,
    %swap3A_111 = vector.shape_cast %swap3A_110 : vector<16xf32> to vector<16xf32>
    %swap3A_112 = vector.shape_cast %scan3A_100#2 : vector<16xf32> to vector<16xf32>
    tpu.vector_store %arg7[%swap3A_109], %swap3A_112 {strides = array<i32>} : memref<64xf32, #tpu.memory_space<vmem>>, vector<16xf32>,
    %swap3A_113 = arith.constant 48 : index
    %swap3A_114 = tpu.vector_load %arg7[%swap3A_113] {strides = array<i32>} : memref<64xf32, #tpu.memory_space<vmem>>, vector<16xf32>,
    %swap3A_115 = vector.shape_cast %swap3A_114 : vector<16xf32> to vector<16xf32>
    %swap3A_116 = vector.shape_cast %scan3A_100#3 : vector<16xf32> to vector<16xf32>
    tpu.vector_store %arg7[%swap3A_113], %swap3A_116 {strides = array<i32>} : memref<64xf32, #tpu.memory_space<vmem>>, vector<16xf32>,
    %jit3A = arith.constant 2 : i32
    %div3A = arith.divsi %add3A, %jit3A : i32
    %sign3A = arith.constant 0 : i32
    %sign3A_117 = arith.cmpi sgt, %add3A, %sign3A : i32
    %sign3A_118 = arith.extui %sign3A_117 : i1 to i32
    %sign3A_119 = arith.constant 0 : i32
    %sign3A_120 = arith.cmpi slt, %add3A, %sign3A_119 : i32
    %sign3A_121 = arith.extui %sign3A_120 : i1 to i32
    %sign3A_122 = arith.subi %sign3A_118, %sign3A_121 : i32
    %sign3A_123 = arith.constant 0 : i32
    %sign3A_124 = arith.cmpi sgt, %jit3A, %sign3A_123 : i32
    %sign3A_125 = arith.extui %sign3A_124 : i1 to i32
    %sign3A_126 = arith.constant 0 : i32
    %sign3A_127 = arith.cmpi slt, %jit3A, %sign3A_126 : i32
    %sign3A_128 = arith.extui %sign3A_127 : i1 to i32
    %sign3A_129 = arith.subi %sign3A_125, %sign3A_128 : i32
    %ne3A = arith.cmpi ne, %sign3A_122, %sign3A_129 : i32
    %rem3A = arith.remsi %add3A, %jit3A : i32
    %ne3A_130 = arith.constant 0 : i32
    %ne3A_131 = arith.cmpi ne, %rem3A, %ne3A_130 : i32
    %and3A = arith.andi %ne3A, %ne3A_131 : i1
    %sub3A = arith.constant 1 : i32
    %sub3A_132 = arith.subi %div3A, %sub3A : i32
    %select_n3A = arith.select %and3A, %sub3A_132, %div3A : i32
    %jit3A_133 = arith.constant 2 : i32
    %eq3A = arith.constant 0 : i32
    %eq3A_134 = arith.cmpi eq, %jit3A_133, %eq3A : i32
    %jit3A_135 = arith.constant 1 : i32
    %select_n3A_136 = arith.select %eq3A_134, %jit3A_135, %jit3A_133 : i32
    %rem3A_137 = arith.remsi %add3A, %select_n3A_136 : i32
    %ne3A_138 = arith.constant 0 : i32
    %ne3A_139 = arith.cmpi ne, %rem3A_137, %ne3A_138 : i32
    %lt3A = arith.constant 0 : i32
    %lt3A_140 = arith.cmpi slt, %rem3A_137, %lt3A : i32
    %lt3A_141 = arith.constant 0 : i32
    %lt3A_142 = arith.cmpi slt, %select_n3A_136, %lt3A_141 : i32
    %ne3A_143 = arith.xori %lt3A_140, %lt3A_142 : i1
    %and3A_144 = arith.andi %ne3A_143, %ne3A_139 : i1
    %add3A_145 = arith.addi %rem3A_137, %select_n3A_136 : i32
    %select_n3A_146 = arith.select %and3A_144, %add3A_145, %rem3A_137 : i32
    %mul3A_147 = arith.constant 16 : i32
    %mul3A_148 = arith.muli %select_n3A_146, %mul3A_147 : i32
    %add3A_149 = arith.addi %mul3A_148, %select_n3A : i32
    "tpu.region"() ({
      %run_scoped3A = tpu.sem_alloc : memref<!tpu.dma_semaphore, #tpu.memory_space<semaphore_mem>>
      %dma_start3A_150 = arith.constant 0 : i32
      %dma_start3A_151 = tpu.memref_slice %arg4[%add3A_149, %dma_start3A_150] : memref<32x64xf32, #tpu.memory_space<hbm>> -> memref<1x64xf32, #tpu.memory_space<hbm>>
      %dma_start3A_152 = tpu.memref_squeeze %dma_start3A_151 : memref<1x64xf32, #tpu.memory_space<hbm>> -> memref<64xf32, #tpu.memory_space<hbm>>
      %dma_start3A_153 = arith.constant 0 : i32
      %dma_start3A_154 = tpu.memref_slice %arg4[%add3A_149, %dma_start3A_153] : memref<32x64xf32, #tpu.memory_space<hbm>> -> memref<1x64xf32, #tpu.memory_space<hbm>>
      %dma_start3A_155 = tpu.memref_squeeze %dma_start3A_154 : memref<1x64xf32, #tpu.memory_space<hbm>> -> memref<64xf32, #tpu.memory_space<hbm>>
      tpu.enqueue_dma source(%arg7 : memref<64xf32, #tpu.memory_space<vmem>>) target(%dma_start3A_155 : memref<64xf32, #tpu.memory_space<hbm>>) target_semaphore(%run_scoped3A : memref<!tpu.dma_semaphore, #tpu.memory_space<semaphore_mem>>)
      %dma_wait3A = arith.constant 0 : i32
      %dma_wait3A_156 = tpu.memref_slice %arg4[%add3A_149, %dma_wait3A] : memref<32x64xf32, #tpu.memory_space<hbm>> -> memref<1x64xf32, #tpu.memory_space<hbm>>
      %dma_wait3A_157 = tpu.memref_squeeze %dma_wait3A_156 : memref<1x64xf32, #tpu.memory_space<hbm>> -> memref<64xf32, #tpu.memory_space<hbm>>
      %dma_wait3A_158 = arith.constant 0 : i32
      %dma_wait3A_159 = tpu.memref_slice %arg4[%add3A_149, %dma_wait3A_158] : memref<32x64xf32, #tpu.memory_space<hbm>> -> memref<1x64xf32, #tpu.memory_space<hbm>>
      %dma_wait3A_160 = tpu.memref_squeeze %dma_wait3A_159 : memref<1x64xf32, #tpu.memory_space<hbm>> -> memref<64xf32, #tpu.memory_space<hbm>>
      tpu.wait_dma2 semaphore(%run_scoped3A : memref<!tpu.dma_semaphore, #tpu.memory_space<semaphore_mem>>) src(%arg7 : memref<64xf32, #tpu.memory_space<vmem>>) dst(%dma_wait3A_160 : memref<64xf32, #tpu.memory_space<hbm>>)
      tpu.yield
    }) : () -> ()
    return
  }
}

</mosaic_0001>

<sc_bundles>
// kernel: _sc_partial_sums.3.cloned.1.call-start
scs
__scs_entry_jumppad:
0x0: {  	(pc) =	sbr.rel $0x88, $3  }
0x1: {  	(tag) =	ssettag $0x0;
	lr =	simm.s32 $0x1  }
0x2: {  	[smem:$0x3F9F] =	sst lr;
	_ =	strace $0xD0000000  }
0x3: {  	_ = 	snop  }
0x4: {  	_ = 	snop  }
0x5: {  	_ = 	snop  }
0x6: {  	_ = 	snop  }
0x7: {  	_ = 	snop  }
__scs_overlays_trampoline_lowered:
0x8: {  	[smem:$0x3FAE] =	sst s0  }
0x9: {  	[smem:$0x3FAF] =	sst s1  }
0xa: {  	[smem:$0x3FB0] =	sst s2  }
0xb: {  	[smem:$0x3FB1] =	sst s3  }
0xc: {  	[smem:$0x3FB2] =	sst s4  }
0xd: {  	[smem:$0x3FB3] =	sst s5  }
0xe: {  	[smem:$0x3FB4] =	sst s6  }
0xf: {  	[smem:$0x3FB5] =	sst s7  }
0x10: {  	[smem:$0x3FB6] =	sst s8  }
0x11: {  	[smem:$0x3FB7] =	sst s9;
	s0 =	simm.s32 @!p0 $0x0  }
0x12: {  	s1 =	sld [smem:$0x3F9D];
	s0 =	simm.s32 @p0 $0x1  }
0x13: {  	[smem:$0x3FB8] =	sst s0;
	s0 =	simm.s32 @!p1 $0x0  }
0x14: {  	s2 =	sld [smem:$0x3F9C];
	s0 =	simm.s32 @p1 $0x1  }
0x15: {  	[smem:$0x3FB9] =	sst s0;
	s0 =	simm.s32 @!p2 $0x0  }
0x16: {  	s3 =	sld [smem:$0x3FDB];
	s0 =	simm.s32 @p2 $0x1  }
0x17: {  	s4 =	simm.s32 $0x1BF5;
	[smem:$0x3FBB] =	sst s0  }
0x18: {  	s0 =	sld [smem:$0x3F9E];
	_ =	swait.ge [sflag:s4], $0x0  }
0x19: {  	s7 =	sld [smem:$0x3F9F]  }
0x1a: {  	s8 =	sadd.s32 $0xFFFFE003, lr  }
0x1b: {  	s9 =	sadd.s32 $0xFFFFFEF7, lr;
	s5 =	simm.s32 $0xFFFFFFFF;
	p2 =	slt.u32 s8, $0xFFFFF086  }
0x1c: {  	p1 =	slt.u32 s9, $0xF7A;
	s5 =	simm.s32 @!p2 $0x0  }
0x1d: {  	s5 =	simm.s32 @p1 $0x1;
	p0 =	seq.s32 s7, s2  }
0x1e: {  	s7 =	smul.u32 @!p0 $0xF7A, s2;
	p2 =	seq.s32 @!p0 s5, $0x0  }
0x1f: {  	s9 =	smul.u32 $0xF7A, s1;
	s8 =	simm.s32 @!p0 $0x1BF5;
	p2 =	por !p2, p0  }
0x20: {  	[sflag:s8] =	ssyncset.s32 @!p0 $0xFFFFF086;
	s6 =	sadd.s32 @!p0 s3, s7;
	s7 =	simm.s32 @!p0 $0x108  }
0x21: {  	s3 =	sadd.s32 s3, s9;
	s6 =	sadd.s32 @!p0 $0x88, s6;
	s7 =	simm.s32 @p2 $0x1082  }
0x22: {  	[simem:s7], [sflag:s8] =	dma.local @!p0 [hbm:s6], $0xF7A  }
0x23: {  	s9 =	sor.u32 $0xD0000000, s2;
	s6 =	simm.s32 $0x108;
	_ =	swait.ge @!p0 [sflag:s8], $0x0  }
0x24: {  	s3 =	sadd.s32 $0x88, s3;
	s6 =	simm.s32 @!p1 $0x1082;
	[sflag:s4] =	ssyncset.s32 $0xFFFFF086  }
0x25: {  	[simem:s6], [sflag:s4] =	dma.local [hbm:s3], $0xF7A  }
0x26: {  	[smem:$0x3F9F] =	sst s1;
	(tag) =	ssettag s2;
	_ =	strace s9  }
0x27: {  	s1 =	sld [smem:$0x3FAF]  }
0x28: {  	s2 =	sld [smem:$0x3FB0]  }
0x29: {  	s4 =	sld [smem:$0x3FB2]  }
0x2a: {  	p0 =	seq.s32 s5, $0x0;
	s5 =	sld [smem:$0x3FB3]  }
0x2b: {  	s6 =	sld [smem:$0x3FB4]  }
0x2c: {  	s7 =	sld [smem:$0x3FB5]  }
0x2d: {  	s3 =	simm.s32 $0x108;
	s8 =	sld [smem:$0x3FB6]  }
0x2e: {  	s3 =	simm.s32 @!p0 $0x1082;
	s9 =	sld [smem:$0x3FB7]  }
0x2f: {  	lr =	sadd.s32 s0, s3;
	s0 =	sld [smem:$0x3FAE]  }
0x30: {  	s3 =	sld [smem:$0x3FB1]  }
0x31: {  	[smem:$0x3FBA] =	sst s10  }
0x32: {  	s10 =	sld [smem:$0x3FB8];
	_ =	sdelay $0x3  }
0x33: {  	p0 =	seq.s32 s10, $0x1;
	s10 =	sld [smem:$0x3FBA];
	_ =	sdelay $0x3  }
0x34: {  	[smem:$0x3FBA] =	sst s10  }
0x35: {  	s10 =	sld [smem:$0x3FB9];
	_ =	sdelay $0x3  }
0x36: {  	p1 =	seq.s32 s10, $0x1;
	s10 =	sld [smem:$0x3FBA];
	_ =	sdelay $0x3  }
0x37: {  	[smem:$0x3FBA] =	sst s10  }
0x38: {  	s10 =	sld [smem:$0x3FBB]  }
0x39: {  	_ = 	snop;
	(pc) =	sbr.ind lr, $3  }
0x3a: {  	_ = 	snop  }
0x3b: {  	_ = 	snop  }
0x3c: {  	p2 =	seq.s32 s10, $0x1;
	s10 =	sld [smem:$0x3FBA]  }
0x3d: {  	_ =	shalt  }
0x3e: {  	_ =	shalt  }
0x3f: {  	_ =	shalt  }
0x40: {  	_ =	shalt  }
0x41: {  	_ =	shalt  }
0x42: {  	_ =	shalt  }
0x43: {  	_ =	shalt  }
0x44: {  	_ =	shalt  }
0x45: {  	_ =	shalt  }
0x46: {  	_ =	shalt  }
0x47: {  	_ =	shalt  }
0x48: {  	_ =	shalt  }
0x49: {  	_ =	shalt  }
0x4a: {  	_ =	shalt  }
0x4b: {  	_ =	shalt  }
0x4c: {  	_ =	shalt  }
0x4d: {  	_ =	shalt  }
0x4e: {  	_ =	shalt  }
0x4f: {  	_ =	shalt  }
0x50: {  	_ =	shalt  }
0x51: {  	_ =	shalt  }
0x52: {  	_ =	shalt  }
0x53: {  	_ =	shalt  }
0x54: {  	_ =	shalt  }
0x55: {  	_ =	shalt  }
0x56: {  	_ =	shalt  }
0x57: {  	_ =	shalt  }
0x58: {  	_ =	shalt  }
0x59: {  	_ =	shalt  }
0x5a: {  	_ =	shalt  }
0x5b: {  	_ =	shalt  }
0x5c: {  	_ =	shalt  }
0x5d: {  	_ =	shalt  }
0x5e: {  	_ =	shalt  }
0x5f: {  	_ =	shalt  }
0x60: {  	_ =	shalt  }
0x61: {  	_ =	shalt  }
0x62: {  	_ =	shalt  }
0x63: {  	_ =	shalt  }
0x64: {  	_ =	shalt  }
0x65: {  	_ =	shalt  }
0x66: {  	_ =	shalt  }
0x67: {  	_ =	shalt  }
0x68: {  	_ =	shalt  }
0x69: {  	_ =	shalt  }
0x6a: {  	_ =	shalt  }
0x6b: {  	_ =	shalt  }
0x6c: {  	_ =	shalt  }
0x6d: {  	_ =	shalt  }
0x6e: {  	_ =	shalt  }
0x6f: {  	_ =	shalt  }
0x70: {  	_ =	shalt  }
0x71: {  	_ =	shalt  }
0x72: {  	_ =	shalt  }
0x73: {  	_ =	shalt  }
0x74: {  	_ =	shalt  }
0x75: {  	_ =	shalt  }
0x76: {  	_ =	shalt  }
0x77: {  	_ =	shalt  }
0x78: {  	_ =	shalt  }
0x79: {  	_ =	shalt  }
0x7a: {  	_ =	shalt  }
0x7b: {  	_ =	shalt  }
0x7c: {  	_ =	shalt  }
0x7d: {  	_ =	shalt  }
0x7e: {  	_ =	shalt  }
0x7f: {  	_ =	shalt  }
0x80: {  	_ =	shalt  }
0x81: {  	_ =	shalt  }
0x82: {  	_ =	shalt  }
0x83: {  	_ =	shalt  }
0x84: {  	_ =	shalt  }
0x85: {  	_ =	shalt  }
0x86: {  	_ =	shalt  }
0x87: {  	_ =	shalt  }
.Lfunc_end0:
.L_simem_size_0:
called_computation_lowered:
.L_overlay_start_0:
0x88: {  	s2 =	sld [smem:$0x3FD9]  }
0x89: {  	s3 =	sld [smem:$0x3FFE];
	_ =	sdelay $0x1  }
0x8a: {  	s1 =	srdreg.scid  }
0x8b: {  	s0 =	sand.u32 $0x1, s1  }
0x8c: {  	s17 =	sshll.u32 s0, $0xA;
	s2 =	sadd.s32 s3, s2  }
0x8d: {  	s2 =	sadd.s32 s2, s17  }
0x8e: {  	[smem:$0x3FC6] =	sst s2  }
0x8f: {  	_ = 	snop  }
0x90: {  	s2 =	sld [smem:$0x3FC9];
	(tm) =	ssettm $0x1  }
0x91: {  	s18 =	sld [smem:$0x3FFB];
	_ =	sdelay $0x3  }
0x92: {  	_ =	strace s18  }
0x93: {  	s3 =	sld [smem:$0x3FFC];
	_ =	sdelay $0x3  }
0x94: {  	_ =	strace s3  }
0x95: {  	s3 =	sld [smem:$0x3FFD];
	_ =	sdelay $0x3  }
0x96: {  	_ =	strace s3  }
0x97: {  	_ =	strace $0x8FFFFFFF  }
0x98: {  	s19 =	sld [smem:$0x3FDB];
	_ =	sdelay $0x1  }
0x99: {  	s4 =	simm.s32 $_scs_section_size  }
0x9a: {  	s5 =	simm.s32 $_size__tile_overlayer_lowered;
	s6 =	simm.s32 $_tile_overlayer_lowered  }
0x9b: {  	s22 =	simm.s32 $0x1BFF;
	s21 =	sshll.u32 s6, $0x1;
	s3 =	sadd.s32 s4, s19  }
0x9c: {  	s7 =	simm.s32 $0x0;
	s20 =	sshll.u32 s5, $0x1;
	s5 =	sadd.s32 s21, s3  }
0x9d: {  	[timem:s7], [sflag:s22] =	dma.local [hbm:s5], s20  }
0x9e: {  	_ =	swait.ge [sflag:s22], s20  }
0x9f: {  	s4 =	ssub.s32 $0x0, s20;
	[sflag:s22] =	ssyncset.done $0x0  }
0xa0: {  	[sflag:s22] =	ssyncadd.s32 s4;
	_ =	sdelay $0x1  }
0xa1: {  	s23 =	simm.s32 $0x1B8B  }
0xa2: {  	_ =	swait.ge [sflag:s23], $0x1  }
0xa3: {  	[sflag:s23] =	ssyncset.done $0x0  }
0xa4: {  	s25 =	simm.s32 $0x1B8E;
	s24 =	sld [smem:$0x3FFE];
	[sflag:s23] =	ssyncadd.s32 $0xFFFFFFFF  }
0xa5: {  	s26 =	simm.s32 $execute0_lowered;
	[smem:$0x3FD2] =	sst s25  }
0xa6: {  	s5 =	sshll.u32 s26, $0x1;
	_ =	strace $0x80000046;
	[dreg:$0x1] =	wrdreg $0xFFFFFFFF  }
0xa7: {  	s28 =	simm.s32 $_size_execute0_lowered;
	s3 =	sadd.s32 s3, s5;
	[dreg:$0x0] =	wrdreg $0x0  }
0xa8: {  	s5 =	sshll.u32 s28, $0x1;
	[dreg:$0x2] =	wrdreg s3  }
0xa9: {  	[dreg:$0x3] =	wrdreg s5  }
0xaa: {  	[dreg:$0x4] =	wrdreg $0xC0  }
0xab: {  	_ =	task [dreg:s7], $0x5FFFF  }
0xac: {  	[dreg:$0x1] =	wrdreg $0xFFFFFFFF  }
0xad: {  	[dreg:$0x0] =	wrdreg $0x60  }
0xae: {  	[dreg:$0x2] =	wrdreg s2  }
0xaf: {  	[dreg:$0x3] =	wrdreg s24  }
0xb0: {  	[dreg:$0x4] =	wrdreg $0x9  }
0xb1: {  	_ =	task.clear_ibuf [dreg:s7], $0x5FFFF;
	_ =	strace $0x90000046  }
0xb2: {  	s29 =	simm.s32 $0x9;
	_ =	strace $0x80000048  }
0xb3: {  	_ =	swait.ge [sflag:s29], $0x1  }
0xb4: {  	[sflag:s29] =	ssyncadd.s32 $0xFFFFFFFF  }
0xb5: {  	_ =	strace $0x90000048  }
0xb6: {  	_ =	sfence  }
0xb7: {  	s30 =	sld [smem:$0x0];
	_ =	sdelay $0x2  }
0xb8: {  	s31 =	sshll.u32 s1, $0xD;
	s1 =	sshrl.u32 s1, $0x2  }
0xb9: {  	s3 =	sand.u32 $0x4000, s31;
	s1 =	sadd.s32 s1, s30  }
0xba: {  	s0 =	sor.u32 s3, s0;
	s1 =	sshll.u32 s1, $0x11  }
0xbb: {  	s0 =	sor.u32 s1, s0  }
0xbc: {  	s0 =	sadd.s32 $0x8F2B, s0  }
0xbd: {  	[sflag:s0] =	ssyncadd.remote.s32 $0x1  }
0xbe: {  	_ =	sfence.sel $0xFFFF  }
0xbf: {  	[dreg:$0x0] =	wrdreg $0xFFFFFFFF;
	(pc) =	sbr.abs _section_cstart, $3  }
0xc0: {  	[dreg:$0x1] =	wrdreg $0xFFFFFFFF  }
0xc1: {  	_ =	task.clear_ibuf [dreg:s7], $0x2FFFF;
	_ =	strace $0x9FFFFFFF  }
0xc2: {  	(tm) =	ssettm $0x7FFFFFFF  }
0xc3: {  	_ =	shalt  }
tec
execute0_lowered:
.L_overlay_start_1:
0x0: {  	(tag) =	ssettag $0x1  }
0x1: {  	s0 =	srdreg.scid  }
0x2: {  	s4 =	stileid.u32;
	s5 =	rddreg [dreg:$0x0]  }
0x3: {  	s6 =	rddreg [dreg:$0x1];
	s2 =	simm.s32 $0x0;
	s3 =	simm.s32 $0x1  }
0x4: {  	s9 =	simm.s32 $0x80;
	s16 =	simm.s32 $0x200;
	s17 =	simm.s32 $0x10000  }
0x5: {  	s18 =	simm.s32 $0x280;
	s19 =	simm.s32 $0x12000;
	s20 =	simm.s32 $0x300  }
0x6: {  	s21 =	simm.s32 $0x14000;
	s22 =	simm.s32 $0x380;
	s23 =	simm.s32 $0x16000  }
0x7: {  	s24 =	simm.s32 $0x2;
	s0 =	sand.u32 $0x1, s0;
	s1 =	sshll.u32 s4, $0x1  }
0x8: {  	s25 =	simm.s32 $0x3;
	s28 =	simm.s32 $0x5;
	s1 =	sor.u32 s0, s1  }
0x9: {  	s29 =	simm.s32 $0x6;
	p1 =	seq.s32 s0, $0x1;
	p0 =	seq.s32 s1, $0x0  }
0xa: {  	s30 =	simm.s32 $0x7;
	[smem:$0x7FF] =	sst s2;
	p0 =	por !p0, !p1  }
0xb: {  	s31 =	simm.s32 $0x8;
	_ =	strace $0x80000047;
	p0 =	por !p0, !p0  }
0xc: {  	s7 =	sshll.u32 s0, $0x7;
	s0 =	ssub.s32 $0x2, s0;
	s3 =	simm.s32 @!p0 $0x0  }
0xd: {  	s26 =	sshrl.u32 s0, $0x1;
	s1 =	sshll.u32 s1, $0xC;
	s4 =	ssub.s32 s4, s3  }
.Ltmp0:
0xe: {  	s0 =	ssub.s32 s0, s26;
	s8 =	sshll.u32 s4, $0x3;
	(pc) =	sbr.rel .LBB2_1-.Ltmp0, $4  }
0xf: {  	s5 =	sadd.s32 s5, s1;
	s1 =	simm.s32 $0x18000;
	s7 =	sadd.s32 s7, s8  }
0x10: {  	s26 =	simm.s32 $0x4;
	s3 =	sadd.s32 $0xF80400, s6;
	s7 =	sand.u32 $0x1FFFFFF8, s7  }
0x11: {  	s4 =	simm.s32 $0x1;
	s8 =	simm.s32 $0x9;
	s6 =	sadd.s32 s7, s6  }
0x12: {  	s7 =	smax.u32 s0, $0x1;
	s0 =	simm.s32 $0x0;
	s6 =	sadd.s32 $0x400, s6  }
.LBB2_20:
0x13: {  	[tilespmem:$0x18000] =	vst v8  }
0x14: {  	[tilespmem:$0x18010] =	vst v2;
	s0 =	sadd.s32 $0x1, s0  }
0x15: {  	[tilespmem:$0x18020] =	vst v6;
	p0 =	sne.s32 s0, s7  }
.Ltmp1:
0x16: {  	[tilespmem:$0x18030] =	vst v4;
	(pc) =	sbr.rel @!p0 .LBB2_21-.Ltmp1, $4  }
0x17: {  	[hbm4b:s6+s2] =	stream.linear.scatter [tilespmem:s1], [sflag:$0x9], $0x40, $0x38;
	[tilespmem:$0x18040] =	vst v63  }
0x18: {  	_ =	swait.ge [sflag:s8], $0x40  }
0x19: {  	[sflag:s8] =	ssyncset.done $0x0  }
0x1a: {  	[sflag:s8] =	ssyncadd.s32 $0xFFFFFFC0  }
.LBB2_1:
0x1b: {  	[tilespmem:s2], [sflag:$0x9] =	stream.linear.gather [hbm4b:s5+s2], $0x8000, $0x38;
	[tilespmem:$0x18040] =	vst v63  }
0x1c: {  	_ =	swait.ge [sflag:s8], $0x8000  }
0x1d: {  	[sflag:s8] =	ssyncset.done $0x0  }
0x1e: {  	s10 =	simm.s32 $0x8000;
	[sflag:s8] =	ssyncadd.s32 $0xFFFF8000  }
0x1f: {  	[tilespmem:s10], [sflag:$0x1] =	stream.indirect.gather [hbm4b:s3+s9], $0x40, s2, s9, $0xb8;
	[tilespmem:$0x18040] =	vst v63  }
0x20: {  	s12 =	simm.s32 $0xA000  }
0x21: {  	[tilespmem:s12], [sflag:$0x2] =	stream.indirect.gather [hbm4b:s3+s9], $0x40, s9, s9, $0xb8;
	[tilespmem:$0x18040] =	vst v63  }
0x22: {  	s13 =	simm.s32 $0x100;
	s11 =	simm.s32 $0xC000  }
0x23: {  	[tilespmem:s11], [sflag:$0x3] =	stream.indirect.gather [hbm4b:s3+s9], $0x40, s13, s9, $0xb8;
	[tilespmem:$0x18040] =	vst v63  }
0x24: {  	s14 =	simm.s32 $0x180;
	s15 =	simm.s32 $0xE000  }
0x25: {  	[tilespmem:s15], [sflag:$0x4] =	stream.indirect.gather [hbm4b:s3+s9], $0x40, s14, s9, $0xb8;
	[tilespmem:$0x18040] =	vst v63  }
0x26: {  	_ = 	snop  }
0x27: {  	[tilespmem:s17], [sflag:$0x5] =	stream.indirect.gather [hbm4b:s3+s9], $0x40, s16, s9, $0xb8;
	[tilespmem:$0x18040] =	vst v63  }
0x28: {  	_ = 	snop  }
0x29: {  	[tilespmem:s19], [sflag:$0x6] =	stream.indirect.gather [hbm4b:s3+s9], $0x40, s18, s9, $0xb8;
	[tilespmem:$0x18040] =	vst v63  }
0x2a: {  	_ = 	snop  }
0x2b: {  	[tilespmem:s21], [sflag:$0x7] =	stream.indirect.gather [hbm4b:s3+s9], $0x40, s20, s9, $0xb8;
	[tilespmem:$0x18040] =	vst v63  }
0x2c: {  	v4 =	vimm.f32 $0.0e+00;
	s10 =	simm.s32 $0x0  }
0x2d: {  	v6 =	vimm.f32 $0.0e+00;
	v2 =	vimm.f32 $0.0e+00;
	v8 =	vimm.f32 $0.0e+00;
	[tilespmem:s23], [sflag:$0x8] =	stream.indirect.gather [hbm4b:s3+s9], $0x40, s22, s9, $0xb8;
	[tilespmem:$0x18040] =	vst v63  }
.LBB2_2:
0x2e: {  	_ =	swait.ge [sflag:s4], $0x2000  }
0x2f: {  	[sflag:s4] =	ssyncset.done $0x0  }
0x30: {  	s13 =	simm.s32 $0x0;
	[sflag:s4] =	ssyncadd.s32 $0xFFFFE000  }
0x31: {  	v1 =	vld [tilespmem:s13+$0x80C0]  }
0x32: {  	v3 =	vld [tilespmem:s13+$0x80D0]  }
0x33: {  	v5 =	vld [tilespmem:s13+$0x8080]  }
0x34: {  	v7 =	vld [tilespmem:s13+$0x8090]  }
0x35: {  	v9 =	vld [tilespmem:s13+$0x8040]  }
0x36: {  	v10 =	vld [tilespmem:s13+$0x8050]  }
0x37: {  	v11 =	vld [tilespmem:s13+$0x8000]  }
0x38: {  	v13 =	vld [tilespmem:s13+$0x8010]  }
0x39: {  	s11 =	simm.s32 $0x400;
	v12 =	vld [tilespmem:s13+$0x8020]  }
.LBB2_3:
0x3a: {  	p0 =	sne.s32 s11, $0x7C00;
	v0 =	vld [tilespmem:s13+$0x8030]  }
0x3b: {  	v14 =	vld [tilespmem:s13+$0x8060]  }
0x3c: {  	v15 =	vld [tilespmem:s13+$0x8070]  }
0x3d: {  	v16 =	vld [tilespmem:s13+$0x80A0]  }
0x3e: {  	v8 =	vadd.f32 v11, v8;
	v2 =	vadd.f32 v13, v2;
	v11 =	vld [tilespmem:s13+$0x80B0]  }
0x3f: {  	v6 =	vadd.f32 v12, v6;
	v0 =	vadd.f32 v0, v4;
	v4 =	vld [tilespmem:s13+$0x80E0]  }
0x40: {  	v8 =	vadd.f32 v9, v8;
	v2 =	vadd.f32 v10, v2;
	v10 =	vld [tilespmem:s13+$0x80F0];
	s13 =	sshra.s32 s11, $0x2  }
0x41: {  	v6 =	vadd.f32 v14, v6;
	v12 =	vld [tilespmem:s13+$0x80C0];
	v0 =	vadd.f32 v15, v0  }
0x42: {  	v8 =	vadd.f32 v5, v8;
	v2 =	vadd.f32 v7, v2;
	v13 =	vld [tilespmem:s13+$0x80D0]  }
0x43: {  	v6 =	vadd.f32 v16, v6;
	v5 =	vld [tilespmem:s13+$0x8080];
	v0 =	vadd.f32 v11, v0  }
0x44: {  	v8 =	vadd.f32 v1, v8;
	v2 =	vadd.f32 v3, v2;
	v7 =	vld [tilespmem:s13+$0x8090]  }
.Ltmp2:
0x45: {  	v6 =	vadd.f32 v4, v6;
	v9 =	vld [tilespmem:s13+$0x8040];
	v4 =	vadd.f32 v10, v0;
	(pc) =	sbr.rel @p0 .LBB2_3-.Ltmp2, $4  }
0x46: {  	v10 =	vld [tilespmem:s13+$0x8050];
	v1 =	vmov v12  }
0x47: {  	v11 =	vld [tilespmem:s13+$0x8000];
	v3 =	vmov v13  }
0x48: {  	v13 =	vld [tilespmem:s13+$0x8010]  }
0x49: {  	s11 =	sadd.s32 $0x400, s11;
	v12 =	vld [tilespmem:s13+$0x8020]  }
0x4a: {  	v14 =	vld [tilespmem:s13+$0x8030]  }
0x4b: {  	v15 =	vld [tilespmem:s13+$0x8060]  }
0x4c: {  	v16 =	vld [tilespmem:s13+$0x8070]  }
0x4d: {  	v17 =	vld [tilespmem:s13+$0x80A0]  }
0x4e: {  	v18 =	vld [tilespmem:s13+$0x80B0];
	s11 =	sshll.u32 s10, $0xC;
	p0 =	seq.s32 s10, $0x1F  }
0x4f: {  	v19 =	vld [tilespmem:s13+$0x80E0];
	s12 =	sshrl.u32 @!p0 s11, $0x2  }
0x50: {  	v20 =	vld [tilespmem:s13+$0x80F0];
	s14 =	simm.s32 @!p0 $0x80;
	s15 =	simm.s32 @!p0 $0x8000;
	s13 =	sadd.s32 @!p0 $0x400, s12  }
0x51: {  	[tilespmem:s15], [sflag:$0x1] =	stream.indirect.gather @!p0 [hbm4b:s3+s14], $0x40, s13, s14, $0xb8;
	[tilespmem:$0x18040] =	vst v63  }
0x52: {  	_ =	swait.ge [sflag:s24], $0x2000  }
0x53: {  	[sflag:s24] =	ssyncset.done $0x0  }
0x54: {  	s13 =	simm.s32 $0x0;
	[sflag:s24] =	ssyncadd.s32 $0xFFFFE000  }
0x55: {  	v0 =	vld [tilespmem:s13+$0xA0C0]  }
0x56: {  	v8 =	vadd.f32 v11, v8;
	v11 =	vadd.f32 v13, v2;
	v2 =	vld [tilespmem:s13+$0xA0D0]  }
0x57: {  	v12 =	vadd.f32 v12, v6;
	v13 =	vadd.f32 v14, v4;
	v4 =	vld [tilespmem:s13+$0xA080]  }
0x58: {  	v9 =	vadd.f32 v9, v8;
	v10 =	vadd.f32 v10, v11;
	v6 =	vld [tilespmem:s13+$0xA090]  }
0x59: {  	v11 =	vadd.f32 v15, v12;
	v12 =	vadd.f32 v16, v13;
	v8 =	vld [tilespmem:s13+$0xA040]  }
0x5a: {  	v5 =	vadd.f32 v5, v9;
	v9 =	vadd.f32 v7, v10;
	v7 =	vld [tilespmem:s13+$0xA050]  }
0x5b: {  	v10 =	vadd.f32 v17, v11;
	v11 =	vld [tilespmem:s13+$0xA000];
	v13 =	vadd.f32 v18, v12  }
0x5c: {  	v5 =	vadd.f32 v1, v5;
	v3 =	vadd.f32 v3, v9;
	v12 =	vld [tilespmem:s13+$0xA010]  }
0x5d: {  	s14 =	simm.s32 $0x400;
	v9 =	vadd.f32 v19, v10;
	v10 =	vadd.f32 v20, v13;
	v13 =	vld [tilespmem:s13+$0xA020]  }
.LBB2_5:
0x5e: {  	p1 =	sne.s32 s14, $0x7C00;
	v1 =	vld [tilespmem:s13+$0xA030]  }
0x5f: {  	v14 =	vld [tilespmem:s13+$0xA060]  }
0x60: {  	v15 =	vld [tilespmem:s13+$0xA070]  }
0x61: {  	v16 =	vld [tilespmem:s13+$0xA0A0]  }
0x62: {  	v5 =	vadd.f32 v11, v5;
	v3 =	vadd.f32 v12, v3;
	v11 =	vld [tilespmem:s13+$0xA0B0]  }
0x63: {  	v9 =	vadd.f32 v13, v9;
	v1 =	vadd.f32 v1, v10;
	v10 =	vld [tilespmem:s13+$0xA0E0]  }
0x64: {  	v5 =	vadd.f32 v8, v5;
	v3 =	vadd.f32 v7, v3;
	v7 =	vld [tilespmem:s13+$0xA0F0];
	s13 =	sshra.s32 s14, $0x2  }
0x65: {  	v8 =	vadd.f32 v14, v9;
	v12 =	vld [tilespmem:s13+$0xA0C0];
	v1 =	vadd.f32 v15, v1  }
0x66: {  	v5 =	vadd.f32 v4, v5;
	v3 =	vadd.f32 v6, v3;
	v13 =	vld [tilespmem:s13+$0xA0D0]  }
0x67: {  	v9 =	vadd.f32 v16, v8;
	v4 =	vld [tilespmem:s13+$0xA080];
	v1 =	vadd.f32 v11, v1  }
0x68: {  	v5 =	vadd.f32 v0, v5;
	v3 =	vadd.f32 v2, v3;
	v6 =	vld [tilespmem:s13+$0xA090]  }
.Ltmp3:
0x69: {  	v9 =	vadd.f32 v10, v9;
	v8 =	vld [tilespmem:s13+$0xA040];
	v10 =	vadd.f32 v7, v1;
	(pc) =	sbr.rel @p1 .LBB2_5-.Ltmp3, $4  }
0x6a: {  	v7 =	vld [tilespmem:s13+$0xA050];
	v0 =	vmov v12  }
0x6b: {  	v11 =	vld [tilespmem:s13+$0xA000];
	v2 =	vmov v13  }
0x6c: {  	v12 =	vld [tilespmem:s13+$0xA010]  }
0x6d: {  	s14 =	sadd.s32 $0x400, s14;
	v13 =	vld [tilespmem:s13+$0xA020]  }
0x6e: {  	v14 =	vld [tilespmem:s13+$0xA030]  }
0x6f: {  	v15 =	vld [tilespmem:s13+$0xA060]  }
0x70: {  	v16 =	vld [tilespmem:s13+$0xA070]  }
0x71: {  	v17 =	vld [tilespmem:s13+$0xA0A0]  }
0x72: {  	v18 =	vld [tilespmem:s13+$0xA0B0]  }
0x73: {  	v19 =	vld [tilespmem:s13+$0xA0E0]  }
0x74: {  	v20 =	vld [tilespmem:s13+$0xA0F0];
	s13 =	sadd.s32 @!p0 $0x480, s12;
	s14 =	simm.s32 @!p0 $0x80;
	s15 =	simm.s32 @!p0 $0xA000  }
0x75: {  	[tilespmem:s15], [sflag:$0x2] =	stream.indirect.gather @!p0 [hbm4b:s3+s14], $0x40, s13, s14, $0xb8;
	[tilespmem:$0x18040] =	vst v63  }
0x76: {  	_ =	swait.ge [sflag:s25], $0x2000  }
0x77: {  	[sflag:s25] =	ssyncset.done $0x0  }
0x78: {  	s13 =	simm.s32 $0x0;
	[sflag:s25] =	ssyncadd.s32 $0xFFFFE000  }
0x79: {  	v1 =	vld [tilespmem:s13+$0xC0C0]  }
0x7a: {  	v11 =	vadd.f32 v11, v5;
	v12 =	vadd.f32 v12, v3;
	v3 =	vld [tilespmem:s13+$0xC0D0]  }
0x7b: {  	v9 =	vadd.f32 v13, v9;
	v10 =	vadd.f32 v14, v10;
	v5 =	vld [tilespmem:s13+$0xC080]  }
0x7c: {  	v11 =	vadd.f32 v8, v11;
	v12 =	vadd.f32 v7, v12;
	v7 =	vld [tilespmem:s13+$0xC090]  }
0x7d: {  	v8 =	vld [tilespmem:s13+$0xC040];
	v9 =	vadd.f32 v15, v9;
	v10 =	vadd.f32 v16, v10  }
0x7e: {  	v13 =	vld [tilespmem:s13+$0xC020];
	v4 =	vadd.f32 v4, v11;
	v12 =	vadd.f32 v6, v12  }
0x7f: {  	v11 =	vld [tilespmem:s13+$0xC000];
	v9 =	vadd.f32 v17, v9;
	v10 =	vadd.f32 v18, v10  }
0x80: {  	v6 =	vld [tilespmem:s13+$0xC050];
	v4 =	vadd.f32 v0, v4;
	v2 =	vadd.f32 v2, v12  }
0x81: {  	s14 =	simm.s32 $0x400;
	v12 =	vld [tilespmem:s13+$0xC010];
	v9 =	vadd.f32 v19, v9;
	v10 =	vadd.f32 v20, v10  }
.LBB2_7:
0x82: {  	p1 =	sne.s32 s14, $0x7C00;
	v0 =	vld [tilespmem:s13+$0xC030]  }
0x83: {  	v14 =	vld [tilespmem:s13+$0xC060]  }
0x84: {  	v15 =	vld [tilespmem:s13+$0xC070]  }
0x85: {  	v16 =	vld [tilespmem:s13+$0xC0A0]  }
0x86: {  	v4 =	vadd.f32 v11, v4;
	v2 =	vadd.f32 v12, v2;
	v11 =	vld [tilespmem:s13+$0xC0B0]  }
0x87: {  	v9 =	vadd.f32 v13, v9;
	v0 =	vadd.f32 v0, v10;
	v10 =	vld [tilespmem:s13+$0xC0E0]  }
0x88: {  	v4 =	vadd.f32 v8, v4;
	v2 =	vadd.f32 v6, v2;
	v6 =	vld [tilespmem:s13+$0xC0F0];
	s13 =	sshra.s32 s14, $0x2  }
0x89: {  	v8 =	vadd.f32 v14, v9;
	v12 =	vld [tilespmem:s13+$0xC0C0];
	v0 =	vadd.f32 v15, v0  }
0x8a: {  	v4 =	vadd.f32 v5, v4;
	v2 =	vadd.f32 v7, v2;
	v13 =	vld [tilespmem:s13+$0xC0D0]  }
0x8b: {  	v9 =	vadd.f32 v16, v8;
	v5 =	vld [tilespmem:s13+$0xC080];
	v0 =	vadd.f32 v11, v0  }
0x8c: {  	v4 =	vadd.f32 v1, v4;
	v2 =	vadd.f32 v3, v2;
	v7 =	vld [tilespmem:s13+$0xC090]  }
.Ltmp4:
0x8d: {  	v9 =	vadd.f32 v10, v9;
	v8 =	vld [tilespmem:s13+$0xC040];
	v10 =	vadd.f32 v6, v0;
	(pc) =	sbr.rel @p1 .LBB2_7-.Ltmp4, $4  }
0x8e: {  	v6 =	vld [tilespmem:s13+$0xC050];
	v1 =	vmov v12  }
0x8f: {  	v11 =	vld [tilespmem:s13+$0xC000];
	v3 =	vmov v13  }
0x90: {  	v12 =	vld [tilespmem:s13+$0xC010]  }
0x91: {  	s14 =	sadd.s32 $0x400, s14;
	v13 =	vld [tilespmem:s13+$0xC020]  }
0x92: {  	v14 =	vld [tilespmem:s13+$0xC030]  }
0x93: {  	v15 =	vld [tilespmem:s13+$0xC060]  }
0x94: {  	v16 =	vld [tilespmem:s13+$0xC070]  }
0x95: {  	v17 =	vld [tilespmem:s13+$0xC0A0]  }
0x96: {  	v18 =	vld [tilespmem:s13+$0xC0B0]  }
0x97: {  	v19 =	vld [tilespmem:s13+$0xC0E0]  }
0x98: {  	v20 =	vld [tilespmem:s13+$0xC0F0];
	s13 =	sadd.s32 @!p0 $0x500, s12;
	s14 =	simm.s32 @!p0 $0x80;
	s15 =	simm.s32 @!p0 $0xC000  }
0x99: {  	[tilespmem:s15], [sflag:$0x3] =	stream.indirect.gather @!p0 [hbm4b:s3+s14], $0x40, s13, s14, $0xb8;
	[tilespmem:$0x18040] =	vst v63  }
0x9a: {  	_ =	swait.ge [sflag:s26], $0x2000  }
0x9b: {  	[sflag:s26] =	ssyncset.done $0x0  }
0x9c: {  	s13 =	simm.s32 $0x0;
	[sflag:s26] =	ssyncadd.s32 $0xFFFFE000  }
0x9d: {  	v0 =	vld [tilespmem:s13+$0xE0C0]  }
0x9e: {  	v11 =	vadd.f32 v11, v4;
	v12 =	vadd.f32 v12, v2;
	v2 =	vld [tilespmem:s13+$0xE0D0]  }
0x9f: {  	v9 =	vadd.f32 v13, v9;
	v10 =	vadd.f32 v14, v10;
	v4 =	vld [tilespmem:s13+$0xE080]  }
0xa0: {  	v11 =	vadd.f32 v8, v11;
	v12 =	vadd.f32 v6, v12;
	v6 =	vld [tilespmem:s13+$0xE090]  }
0xa1: {  	v8 =	vld [tilespmem:s13+$0xE040];
	v9 =	vadd.f32 v15, v9;
	v10 =	vadd.f32 v16, v10  }
0xa2: {  	v13 =	vld [tilespmem:s13+$0xE020];
	v5 =	vadd.f32 v5, v11;
	v12 =	vadd.f32 v7, v12  }
0xa3: {  	v11 =	vld [tilespmem:s13+$0xE000];
	v9 =	vadd.f32 v17, v9;
	v10 =	vadd.f32 v18, v10  }
0xa4: {  	v7 =	vld [tilespmem:s13+$0xE050];
	v5 =	vadd.f32 v1, v5;
	v3 =	vadd.f32 v3, v12  }
0xa5: {  	s14 =	simm.s32 $0x400;
	v12 =	vld [tilespmem:s13+$0xE010];
	v9 =	vadd.f32 v19, v9;
	v10 =	vadd.f32 v20, v10  }
.LBB2_9:
0xa6: {  	p1 =	sne.s32 s14, $0x7C00;
	v1 =	vld [tilespmem:s13+$0xE030]  }
0xa7: {  	v14 =	vld [tilespmem:s13+$0xE060]  }
0xa8: {  	v15 =	vld [tilespmem:s13+$0xE070]  }
0xa9: {  	v16 =	vld [tilespmem:s13+$0xE0A0]  }
0xaa: {  	v5 =	vadd.f32 v11, v5;
	v3 =	vadd.f32 v12, v3;
	v11 =	vld [tilespmem:s13+$0xE0B0]  }
0xab: {  	v9 =	vadd.f32 v13, v9;
	v1 =	vadd.f32 v1, v10;
	v10 =	vld [tilespmem:s13+$0xE0E0]  }
0xac: {  	v5 =	vadd.f32 v8, v5;
	v3 =	vadd.f32 v7, v3;
	v7 =	vld [tilespmem:s13+$0xE0F0];
	s13 =	sshra.s32 s14, $0x2  }
0xad: {  	v8 =	vadd.f32 v14, v9;
	v12 =	vld [tilespmem:s13+$0xE0C0];
	v1 =	vadd.f32 v15, v1  }
0xae: {  	v5 =	vadd.f32 v4, v5;
	v3 =	vadd.f32 v6, v3;
	v13 =	vld [tilespmem:s13+$0xE0D0]  }
0xaf: {  	v9 =	vadd.f32 v16, v8;
	v4 =	vld [tilespmem:s13+$0xE080];
	v1 =	vadd.f32 v11, v1  }
0xb0: {  	v5 =	vadd.f32 v0, v5;
	v3 =	vadd.f32 v2, v3;
	v6 =	vld [tilespmem:s13+$0xE090]  }
.Ltmp5:
0xb1: {  	v9 =	vadd.f32 v10, v9;
	v8 =	vld [tilespmem:s13+$0xE040];
	v10 =	vadd.f32 v7, v1;
	(pc) =	sbr.rel @p1 .LBB2_9-.Ltmp5, $4  }
0xb2: {  	v7 =	vld [tilespmem:s13+$0xE050];
	v0 =	vmov v12  }
0xb3: {  	v11 =	vld [tilespmem:s13+$0xE000];
	v2 =	vmov v13  }
0xb4: {  	v12 =	vld [tilespmem:s13+$0xE010]  }
0xb5: {  	s14 =	sadd.s32 $0x400, s14;
	v13 =	vld [tilespmem:s13+$0xE020]  }
0xb6: {  	v14 =	vld [tilespmem:s13+$0xE030]  }
0xb7: {  	v15 =	vld [tilespmem:s13+$0xE060]  }
0xb8: {  	v16 =	vld [tilespmem:s13+$0xE070]  }
0xb9: {  	v17 =	vld [tilespmem:s13+$0xE0A0]  }
0xba: {  	v18 =	vld [tilespmem:s13+$0xE0B0]  }
0xbb: {  	v19 =	vld [tilespmem:s13+$0xE0E0]  }
0xbc: {  	v20 =	vld [tilespmem:s13+$0xE0F0];
	s13 =	sadd.s32 @!p0 $0x580, s12;
	s14 =	simm.s32 @!p0 $0x80;
	s15 =	simm.s32 @!p0 $0xE000  }
0xbd: {  	[tilespmem:s15], [sflag:$0x4] =	stream.indirect.gather @!p0 [hbm4b:s3+s14], $0x40, s13, s14, $0xb8;
	[tilespmem:$0x18040] =	vst v63  }
0xbe: {  	_ =	swait.ge [sflag:s28], $0x2000  }
0xbf: {  	[sflag:s28] =	ssyncset.done $0x0  }
0xc0: {  	s13 =	simm.s32 $0x0;
	[sflag:s28] =	ssyncadd.s32 $0xFFFFE000  }
0xc1: {  	v1 =	vld [tilespmem:s13+$0x100C0]  }
0xc2: {  	v11 =	vadd.f32 v11, v5;
	v12 =	vadd.f32 v12, v3;
	v3 =	vld [tilespmem:s13+$0x100D0]  }
0xc3: {  	v9 =	vadd.f32 v13, v9;
	v10 =	vadd.f32 v14, v10;
	v5 =	vld [tilespmem:s13+$0x10080]  }
0xc4: {  	v11 =	vadd.f32 v8, v11;
	v12 =	vadd.f32 v7, v12;
	v7 =	vld [tilespmem:s13+$0x10090]  }
0xc5: {  	v8 =	vld [tilespmem:s13+$0x10040];
	v9 =	vadd.f32 v15, v9;
	v10 =	vadd.f32 v16, v10  }
0xc6: {  	v13 =	vld [tilespmem:s13+$0x10020];
	v4 =	vadd.f32 v4, v11;
	v12 =	vadd.f32 v6, v12  }
0xc7: {  	v11 =	vld [tilespmem:s13+$0x10000];
	v9 =	vadd.f32 v17, v9;
	v10 =	vadd.f32 v18, v10  }
0xc8: {  	v6 =	vld [tilespmem:s13+$0x10050];
	v4 =	vadd.f32 v0, v4;
	v2 =	vadd.f32 v2, v12  }
0xc9: {  	s14 =	simm.s32 $0x400;
	v12 =	vld [tilespmem:s13+$0x10010];
	v9 =	vadd.f32 v19, v9;
	v10 =	vadd.f32 v20, v10  }
.LBB2_11:
0xca: {  	p1 =	sne.s32 s14, $0x7C00;
	v0 =	vld [tilespmem:s13+$0x10030]  }
0xcb: {  	v14 =	vld [tilespmem:s13+$0x10060]  }
0xcc: {  	v15 =	vld [tilespmem:s13+$0x10070]  }
0xcd: {  	v16 =	vld [tilespmem:s13+$0x100A0]  }
0xce: {  	v4 =	vadd.f32 v11, v4;
	v2 =	vadd.f32 v12, v2;
	v11 =	vld [tilespmem:s13+$0x100B0]  }
0xcf: {  	v9 =	vadd.f32 v13, v9;
	v0 =	vadd.f32 v0, v10;
	v10 =	vld [tilespmem:s13+$0x100E0]  }
0xd0: {  	v4 =	vadd.f32 v8, v4;
	v2 =	vadd.f32 v6, v2;
	v6 =	vld [tilespmem:s13+$0x100F0];
	s13 =	sshra.s32 s14, $0x2  }
0xd1: {  	v8 =	vadd.f32 v14, v9;
	v12 =	vld [tilespmem:s13+$0x100C0];
	v0 =	vadd.f32 v15, v0  }
0xd2: {  	v4 =	vadd.f32 v5, v4;
	v2 =	vadd.f32 v7, v2;
	v13 =	vld [tilespmem:s13+$0x100D0]  }
0xd3: {  	v9 =	vadd.f32 v16, v8;
	v5 =	vld [tilespmem:s13+$0x10080];
	v0 =	vadd.f32 v11, v0  }
0xd4: {  	v4 =	vadd.f32 v1, v4;
	v2 =	vadd.f32 v3, v2;
	v7 =	vld [tilespmem:s13+$0x10090]  }
.Ltmp6:
0xd5: {  	v9 =	vadd.f32 v10, v9;
	v8 =	vld [tilespmem:s13+$0x10040];
	v10 =	vadd.f32 v6, v0;
	(pc) =	sbr.rel @p1 .LBB2_11-.Ltmp6, $4  }
0xd6: {  	v6 =	vld [tilespmem:s13+$0x10050];
	v1 =	vmov v12  }
0xd7: {  	v11 =	vld [tilespmem:s13+$0x10000];
	v3 =	vmov v13  }
0xd8: {  	v12 =	vld [tilespmem:s13+$0x10010]  }
0xd9: {  	s14 =	sadd.s32 $0x400, s14;
	v13 =	vld [tilespmem:s13+$0x10020]  }
0xda: {  	v14 =	vld [tilespmem:s13+$0x10030]  }
0xdb: {  	v15 =	vld [tilespmem:s13+$0x10060]  }
0xdc: {  	v16 =	vld [tilespmem:s13+$0x10070]  }
0xdd: {  	v17 =	vld [tilespmem:s13+$0x100A0]  }
0xde: {  	v18 =	vld [tilespmem:s13+$0x100B0]  }
0xdf: {  	v19 =	vld [tilespmem:s13+$0x100E0]  }
0xe0: {  	v20 =	vld [tilespmem:s13+$0x100F0];
	s13 =	sadd.s32 @!p0 $0x600, s12;
	s14 =	simm.s32 @!p0 $0x80;
	s15 =	simm.s32 @!p0 $0x10000  }
0xe1: {  	[tilespmem:s15], [sflag:$0x5] =	stream.indirect.gather @!p0 [hbm4b:s3+s14], $0x40, s13, s14, $0xb8;
	[tilespmem:$0x18040] =	vst v63  }
0xe2: {  	_ =	swait.ge [sflag:s29], $0x2000  }
0xe3: {  	[sflag:s29] =	ssyncset.done $0x0  }
0xe4: {  	s13 =	simm.s32 $0x0;
	[sflag:s29] =	ssyncadd.s32 $0xFFFFE000  }
0xe5: {  	v0 =	vld [tilespmem:s13+$0x120C0]  }
0xe6: {  	v11 =	vadd.f32 v11, v4;
	v12 =	vadd.f32 v12, v2;
	v2 =	vld [tilespmem:s13+$0x120D0]  }
0xe7: {  	v9 =	vadd.f32 v13, v9;
	v10 =	vadd.f32 v14, v10;
	v4 =	vld [tilespmem:s13+$0x12080]  }
0xe8: {  	v11 =	vadd.f32 v8, v11;
	v12 =	vadd.f32 v6, v12;
	v6 =	vld [tilespmem:s13+$0x12090]  }
0xe9: {  	v8 =	vld [tilespmem:s13+$0x12040];
	v9 =	vadd.f32 v15, v9;
	v10 =	vadd.f32 v16, v10  }
0xea: {  	v13 =	vld [tilespmem:s13+$0x12020];
	v5 =	vadd.f32 v5, v11;
	v12 =	vadd.f32 v7, v12  }
0xeb: {  	v11 =	vld [tilespmem:s13+$0x12000];
	v9 =	vadd.f32 v17, v9;
	v10 =	vadd.f32 v18, v10  }
0xec: {  	v7 =	vld [tilespmem:s13+$0x12050];
	v5 =	vadd.f32 v1, v5;
	v3 =	vadd.f32 v3, v12  }
0xed: {  	s14 =	simm.s32 $0x400;
	v12 =	vld [tilespmem:s13+$0x12010];
	v9 =	vadd.f32 v19, v9;
	v10 =	vadd.f32 v20, v10  }
.LBB2_13:
0xee: {  	p1 =	sne.s32 s14, $0x7C00;
	v1 =	vld [tilespmem:s13+$0x12030]  }
0xef: {  	v14 =	vld [tilespmem:s13+$0x12060]  }
0xf0: {  	v15 =	vld [tilespmem:s13+$0x12070]  }
0xf1: {  	v16 =	vld [tilespmem:s13+$0x120A0]  }
0xf2: {  	v5 =	vadd.f32 v11, v5;
	v3 =	vadd.f32 v12, v3;
	v11 =	vld [tilespmem:s13+$0x120B0]  }
0xf3: {  	v9 =	vadd.f32 v13, v9;
	v1 =	vadd.f32 v1, v10;
	v10 =	vld [tilespmem:s13+$0x120E0]  }
0xf4: {  	v5 =	vadd.f32 v8, v5;
	v3 =	vadd.f32 v7, v3;
	v7 =	vld [tilespmem:s13+$0x120F0];
	s13 =	sshra.s32 s14, $0x2  }
0xf5: {  	v8 =	vadd.f32 v14, v9;
	v12 =	vld [tilespmem:s13+$0x120C0];
	v1 =	vadd.f32 v15, v1  }
0xf6: {  	v5 =	vadd.f32 v4, v5;
	v3 =	vadd.f32 v6, v3;
	v13 =	vld [tilespmem:s13+$0x120D0]  }
0xf7: {  	v9 =	vadd.f32 v16, v8;
	v4 =	vld [tilespmem:s13+$0x12080];
	v1 =	vadd.f32 v11, v1  }
0xf8: {  	v5 =	vadd.f32 v0, v5;
	v3 =	vadd.f32 v2, v3;
	v6 =	vld [tilespmem:s13+$0x12090]  }
.Ltmp7:
0xf9: {  	v9 =	vadd.f32 v10, v9;
	v8 =	vld [tilespmem:s13+$0x12040];
	v10 =	vadd.f32 v7, v1;
	(pc) =	sbr.rel @p1 .LBB2_13-.Ltmp7, $4  }
0xfa: {  	v7 =	vld [tilespmem:s13+$0x12050];
	v0 =	vmov v12  }
0xfb: {  	v11 =	vld [tilespmem:s13+$0x12000];
	v2 =	vmov v13  }
0xfc: {  	v12 =	vld [tilespmem:s13+$0x12010]  }
0xfd: {  	s14 =	sadd.s32 $0x400, s14;
	v13 =	vld [tilespmem:s13+$0x12020]  }
0xfe: {  	v14 =	vld [tilespmem:s13+$0x12030]  }
0xff: {  	v15 =	vld [tilespmem:s13+$0x12060]  }
0x100: {  	v16 =	vld [tilespmem:s13+$0x12070]  }
0x101: {  	v17 =	vld [tilespmem:s13+$0x120A0]  }
0x102: {  	v18 =	vld [tilespmem:s13+$0x120B0]  }
0x103: {  	v19 =	vld [tilespmem:s13+$0x120E0]  }
0x104: {  	v20 =	vld [tilespmem:s13+$0x120F0];
	s13 =	sadd.s32 @!p0 $0x680, s12;
	s14 =	simm.s32 @!p0 $0x80;
	s15 =	simm.s32 @!p0 $0x12000  }
0x105: {  	[tilespmem:s15], [sflag:$0x6] =	stream.indirect.gather @!p0 [hbm4b:s3+s14], $0x40, s13, s14, $0xb8;
	[tilespmem:$0x18040] =	vst v63  }
0x106: {  	_ =	swait.ge [sflag:s30], $0x2000  }
0x107: {  	[sflag:s30] =	ssyncset.done $0x0  }
0x108: {  	s13 =	simm.s32 $0x0;
	[sflag:s30] =	ssyncadd.s32 $0xFFFFE000  }
0x109: {  	v1 =	vld [tilespmem:s13+$0x140C0]  }
0x10a: {  	v11 =	vadd.f32 v11, v5;
	v12 =	vadd.f32 v12, v3;
	v3 =	vld [tilespmem:s13+$0x140D0]  }
0x10b: {  	v9 =	vadd.f32 v13, v9;
	v10 =	vadd.f32 v14, v10;
	v5 =	vld [tilespmem:s13+$0x14080]  }
0x10c: {  	v11 =	vadd.f32 v8, v11;
	v12 =	vadd.f32 v7, v12;
	v7 =	vld [tilespmem:s13+$0x14090]  }
0x10d: {  	v8 =	vld [tilespmem:s13+$0x14040];
	v9 =	vadd.f32 v15, v9;
	v10 =	vadd.f32 v16, v10  }
0x10e: {  	v13 =	vld [tilespmem:s13+$0x14020];
	v4 =	vadd.f32 v4, v11;
	v12 =	vadd.f32 v6, v12  }
0x10f: {  	v11 =	vld [tilespmem:s13+$0x14000];
	v9 =	vadd.f32 v17, v9;
	v10 =	vadd.f32 v18, v10  }
0x110: {  	v6 =	vld [tilespmem:s13+$0x14050];
	v4 =	vadd.f32 v0, v4;
	v2 =	vadd.f32 v2, v12  }
0x111: {  	s14 =	simm.s32 $0x400;
	v12 =	vld [tilespmem:s13+$0x14010];
	v9 =	vadd.f32 v19, v9;
	v10 =	vadd.f32 v20, v10  }
.LBB2_15:
0x112: {  	p1 =	sne.s32 s14, $0x7C00;
	v0 =	vld [tilespmem:s13+$0x14030]  }
0x113: {  	v14 =	vld [tilespmem:s13+$0x14060]  }
0x114: {  	v15 =	vld [tilespmem:s13+$0x14070]  }
0x115: {  	v16 =	vld [tilespmem:s13+$0x140A0]  }
0x116: {  	v4 =	vadd.f32 v11, v4;
	v2 =	vadd.f32 v12, v2;
	v11 =	vld [tilespmem:s13+$0x140B0]  }
0x117: {  	v9 =	vadd.f32 v13, v9;
	v0 =	vadd.f32 v0, v10;
	v10 =	vld [tilespmem:s13+$0x140E0]  }
0x118: {  	v4 =	vadd.f32 v8, v4;
	v2 =	vadd.f32 v6, v2;
	v6 =	vld [tilespmem:s13+$0x140F0];
	s13 =	sshra.s32 s14, $0x2  }
0x119: {  	v8 =	vadd.f32 v14, v9;
	v12 =	vld [tilespmem:s13+$0x140C0];
	v0 =	vadd.f32 v15, v0  }
0x11a: {  	v4 =	vadd.f32 v5, v4;
	v2 =	vadd.f32 v7, v2;
	v13 =	vld [tilespmem:s13+$0x140D0]  }
0x11b: {  	v9 =	vadd.f32 v16, v8;
	v5 =	vld [tilespmem:s13+$0x14080];
	v0 =	vadd.f32 v11, v0  }
0x11c: {  	v4 =	vadd.f32 v1, v4;
	v2 =	vadd.f32 v3, v2;
	v7 =	vld [tilespmem:s13+$0x14090]  }
.Ltmp8:
0x11d: {  	v9 =	vadd.f32 v10, v9;
	v8 =	vld [tilespmem:s13+$0x14040];
	v10 =	vadd.f32 v6, v0;
	(pc) =	sbr.rel @p1 .LBB2_15-.Ltmp8, $4  }
0x11e: {  	v6 =	vld [tilespmem:s13+$0x14050];
	v1 =	vmov v12  }
0x11f: {  	v11 =	vld [tilespmem:s13+$0x14000];
	v3 =	vmov v13  }
0x120: {  	v12 =	vld [tilespmem:s13+$0x14010]  }
0x121: {  	s14 =	sadd.s32 $0x400, s14;
	v13 =	vld [tilespmem:s13+$0x14020]  }
0x122: {  	v14 =	vld [tilespmem:s13+$0x14030]  }
0x123: {  	v15 =	vld [tilespmem:s13+$0x14060]  }
0x124: {  	v16 =	vld [tilespmem:s13+$0x14070]  }
0x125: {  	v17 =	vld [tilespmem:s13+$0x140A0]  }
0x126: {  	v18 =	vld [tilespmem:s13+$0x140B0]  }
0x127: {  	v19 =	vld [tilespmem:s13+$0x140E0]  }
0x128: {  	v20 =	vld [tilespmem:s13+$0x140F0];
	s12 =	sadd.s32 @!p0 $0x700, s12;
	s13 =	simm.s32 @!p0 $0x80;
	s14 =	simm.s32 @!p0 $0x14000  }
0x129: {  	[tilespmem:s14], [sflag:$0x7] =	stream.indirect.gather @!p0 [hbm4b:s3+s13], $0x40, s12, s13, $0xb8;
	[tilespmem:$0x18040] =	vst v63  }
0x12a: {  	_ =	swait.ge [sflag:s31], $0x2000  }
0x12b: {  	[sflag:s31] =	ssyncset.done $0x0  }
0x12c: {  	s12 =	simm.s32 $0x0;
	[sflag:s31] =	ssyncadd.s32 $0xFFFFE000  }
0x12d: {  	v11 =	vadd.f32 v11, v4;
	v0 =	vld [tilespmem:s12+$0x160C0]  }
0x12e: {  	v12 =	vadd.f32 v12, v2;
	v9 =	vadd.f32 v13, v9;
	v2 =	vld [tilespmem:s12+$0x160D0]  }
0x12f: {  	v11 =	vadd.f32 v8, v11;
	v10 =	vadd.f32 v14, v10;
	v4 =	vld [tilespmem:s12+$0x16080]  }
0x130: {  	v12 =	vadd.f32 v6, v12;
	v6 =	vld [tilespmem:s12+$0x16090];
	v9 =	vadd.f32 v15, v9  }
0x131: {  	v8 =	vld [tilespmem:s12+$0x16040];
	v11 =	vadd.f32 v5, v11;
	v10 =	vadd.f32 v16, v10  }
0x132: {  	v5 =	vld [tilespmem:s12+$0x16050];
	v7 =	vadd.f32 v7, v12;
	v9 =	vadd.f32 v17, v9  }
0x133: {  	v1 =	vadd.f32 v1, v11;
	v11 =	vld [tilespmem:s12+$0x16010];
	v12 =	vadd.f32 v18, v10  }
0x134: {  	v10 =	vld [tilespmem:s12+$0x16000];
	v3 =	vadd.f32 v3, v7  }
0x135: {  	s13 =	simm.s32 $0x400;
	v7 =	vadd.f32 v19, v9;
	v9 =	vadd.f32 v20, v12;
	v12 =	vld [tilespmem:s12+$0x16020]  }
.LBB2_17:
0x136: {  	p1 =	sne.s32 s13, $0x7C00;
	v13 =	vld [tilespmem:s12+$0x16030]  }
0x137: {  	v14 =	vld [tilespmem:s12+$0x16060]  }
0x138: {  	v15 =	vld [tilespmem:s12+$0x16070]  }
0x139: {  	v16 =	vld [tilespmem:s12+$0x160A0]  }
0x13a: {  	v1 =	vadd.f32 v10, v1;
	v3 =	vadd.f32 v11, v3;
	v10 =	vld [tilespmem:s12+$0x160B0]  }
0x13b: {  	v7 =	vadd.f32 v12, v7;
	v9 =	vadd.f32 v13, v9;
	v11 =	vld [tilespmem:s12+$0x160E0]  }
0x13c: {  	v1 =	vadd.f32 v8, v1;
	v3 =	vadd.f32 v5, v3;
	v5 =	vld [tilespmem:s12+$0x160F0];
	s12 =	sshra.s32 s13, $0x2  }
0x13d: {  	v7 =	vadd.f32 v14, v7;
	v12 =	vld [tilespmem:s12+$0x160C0];
	v8 =	vadd.f32 v15, v9  }
0x13e: {  	v1 =	vadd.f32 v4, v1;
	v3 =	vadd.f32 v6, v3;
	v13 =	vld [tilespmem:s12+$0x160D0]  }
0x13f: {  	v7 =	vadd.f32 v16, v7;
	v4 =	vld [tilespmem:s12+$0x16080];
	v9 =	vadd.f32 v10, v8  }
0x140: {  	v1 =	vadd.f32 v0, v1;
	v3 =	vadd.f32 v2, v3;
	v6 =	vld [tilespmem:s12+$0x16090]  }
.Ltmp9:
0x141: {  	v7 =	vadd.f32 v11, v7;
	v8 =	vld [tilespmem:s12+$0x16040];
	v9 =	vadd.f32 v5, v9;
	(pc) =	sbr.rel @p1 .LBB2_17-.Ltmp9, $4  }
0x142: {  	v5 =	vld [tilespmem:s12+$0x16050];
	v0 =	vmov v12  }
0x143: {  	v10 =	vld [tilespmem:s12+$0x16000];
	v2 =	vmov v13  }
0x144: {  	v11 =	vld [tilespmem:s12+$0x16010]  }
0x145: {  	s13 =	sadd.s32 $0x400, s13;
	v12 =	vld [tilespmem:s12+$0x16020]  }
0x146: {  	v13 =	vld [tilespmem:s12+$0x16030]  }
0x147: {  	v14 =	vld [tilespmem:s12+$0x16060]  }
0x148: {  	v15 =	vld [tilespmem:s12+$0x16070]  }
0x149: {  	v16 =	vld [tilespmem:s12+$0x160A0]  }
0x14a: {  	v1 =	vadd.f32 v10, v1;
	v10 =	vld [tilespmem:s12+$0x160B0];
	v3 =	vadd.f32 v11, v3  }
0x14b: {  	v11 =	vld [tilespmem:s12+$0x160E0];
	v7 =	vadd.f32 v12, v7;
	v9 =	vadd.f32 v13, v9  }
0x14c: {  	v1 =	vadd.f32 v8, v1;
	v3 =	vadd.f32 v5, v3;
	v5 =	vld [tilespmem:s12+$0x160F0]  }
.Ltmp10:
0x14d: {  	v7 =	vadd.f32 v14, v7;
	v8 =	vadd.f32 v15, v9;
	(pc) =	sbr.rel @p0 .LBB2_20-.Ltmp10, $4  }
0x14e: {  	v1 =	vadd.f32 v4, v1;
	v3 =	vadd.f32 v6, v3  }
0x14f: {  	v4 =	vadd.f32 v16, v7;
	v7 =	vadd.f32 v10, v8  }
0x150: {  	v8 =	vadd.f32 v0, v1;
	v2 =	vadd.f32 v2, v3  }
0x151: {  	v6 =	vadd.f32 v11, v4;
	v4 =	vadd.f32 v5, v7  }
.Ltmp11:
0x152: {  	(pc) =	sbr.rel .LBB2_2-.Ltmp11, $4  }
0x153: {  	_ = 	snop  }
0x154: {  	s11 =	sshrl.u32 s11, $0x2  }
0x155: {  	s10 =	sadd.s32 $0x1, s10;
	s11 =	sadd.s32 $0x780, s11  }
0x156: {  	[tilespmem:s23], [sflag:$0x8] =	stream.indirect.gather [hbm4b:s3+s9], $0x40, s11, s9, $0xb8;
	[tilespmem:$0x18040] =	vst v63  }
.LBB2_21:
0x157: {  	_ =	sfence.sel $0x180000  }
0x158: {  	[bflag:$0x0] =	sbarrier.arrive $0xFFFF  }
0x159: {  	_ =	strace $0x90000047  }
0x15a: {  	s0 =	stileid.u32;
	[bflag:$0x2] =	sbarrier.arrive $0xFFFF  }
0x15b: {  	p0 =	sne.s32 s0, $0x0;
	s0 =	rddreg [dreg:$0x2]  }
0x15c: {  	s0 =	sadd.s32 @!p0 $0x100000, s0  }
0x15d: {  	[sflag:s0] =	ssyncadd.tile.s32 @!p0 $0x1;
	_ =	shalt  }
.Lfunc_end2:
_tile_overlayer_lowered:
.L_overlay_start_2:
0x15e: {  	(tag) =	ssettag $0x2  }
0x15f: {  	s0 =	rddreg [dreg:$0x0];
	s2 =	stileid.u32  }
0x160: {  	s1 =	rddreg [dreg:$0x1];
	p0 =	sne.s32 s2, $0x0  }
0x161: {  	s3 =	rddreg [dreg:$0x2];
	[bflag:$0x3] =	sbarrier.arrive $0xFFFF;
	s2 =	simm.s32 @!p0 $0x1C09  }
0x162: {  	[timem:s3], [sflag:s2] =	dma.local @!p0 [hbm:s0], s1  }
0x163: {  	s0 =	simm.s32 @!p0 $0x9  }
0x164: {  	_ =	swait.ge @!p0 [sflag:s0], s1  }
0x165: {  	s1 =	ssub.s32 @!p0 $0x0, s1;
	[sflag:s0] =	ssyncset.done @!p0 $0x0  }
0x166: {  	[sflag:s0] =	ssyncadd.s32 @!p0 s1  }
0x167: {  	[bflag:$0x3] =	sbarrier.arrive $0xFFFF  }
0x168: {  	_ =	shalt  }

</sc_bundles>
